<compile_context>
chip_gen: v7x
topology: tpu7x:2x2x1
jax: 0.10.2.dev20260603
libtpu: 0.0.44.dev20260713+nightly
codegen_flags: <defaults>
</compile_context>

<pallas_src>
import functools

import jax
import jax.numpy as jnp
from jax import lax
from jax.experimental import pallas as pl
from jax.experimental.pallas import tpu as pltpu
from jax.experimental.pallas import tpu_sc as plsc

RADIAL = 20
DIM = 128
CUTOFF = 5.0
N_NODES = 10000
N_EDGES = 320000

TPAD = 32
TW = 4 * TPAD

SLABS = 5
E_SLAB = N_EDGES // SLABS
EB = 1600
NBK = 400

NC = 2
NS = 16
NW = NC * NS
EPW = E_SLAB // NW
CH = 80
NCH = EPW // CH
RPS = 640
RPS_LAST = N_NODES - (NS - 1) * RPS

_S3 = -1.0 / 6.0
_S5 = 1.0 / 120.0
_S7 = -1.0 / 5040.0
_S9 = 1.0 / 362880.0


def _sinpoly(x):
    y = x * x
    p = _S7 + y * _S9
    p = _S5 + y * p
    p = _S3 + y * p
    return x * (1.0 + y * p)


def _feat_body(ev_ref, mb_ref, t_ref):
    ev = ev_ref[...]
    sq = ev * ev
    d2 = sq[:, 0:1] + sq[:, 1:2] + sq[:, 2:3]
    inv = lax.rsqrt(d2)
    d = d2 * inv
    r = d * (1.0 / CUTOFF)
    r2 = r * r
    r3 = r2 * r
    r6 = r3 * r3
    env = 1.0 + r6 * (-28.0 + r * (48.0 - 21.0 * r))
    env = jnp.where(d < CUTOFF, env, 0.0)
    k = env * (jnp.sqrt(2.0 / CUTOFF) * inv)
    ki = k * inv
    ei = env * inv
    c9 = jnp.concatenate([d, k, ki * ev, env, ei * ev], axis=1)
    big = lax.dot(c9, mb_ref[...], precision=lax.Precision.HIGHEST,
                  preferred_element_type=jnp.float32)
    arg = big[:, 0:TW]
    ku = big[:, TW:2 * TW]
    eu = big[:, 2 * TW:3 * TW]
    m = jnp.floor(arg * (1.0 / jnp.pi) + 0.5)
    yy = arg - m * jnp.pi
    mh = 0.5 * m
    sign = 1.0 - 4.0 * (mh - jnp.floor(mh))
    s = sign * _sinpoly(yy)
    t_ref[...] = s * ku + eu


def _feat_consts():
    n = jnp.tile(jnp.arange(TPAD, dtype=jnp.float32) + 1.0, (4,))
    col = jnp.arange(TW)
    blk = col // TPAD
    mm = col % TPAD
    z = jnp.zeros((1, TW), jnp.float32)
    nblk = jnp.concatenate([n[None, :] * (jnp.pi / CUTOFF),
                            jnp.zeros((8, TW), jnp.float32)], axis=0)
    m1 = ((jnp.arange(8)[:, None] == blk[None, :])
          & (mm[None, :] < RADIAL)).astype(jnp.float32)
    m2 = ((jnp.arange(8)[:, None] == (blk[None, :] + 4))
          & (mm[None, :] == RADIAL)).astype(jnp.float32)
    kublk = jnp.concatenate([z, m1], axis=0)
    eublk = jnp.concatenate([z, m2], axis=0)
    return jnp.concatenate([nblk, kublk, eublk], axis=1)


def _featurize(edge_vectors_slab, mbig):
    return pl.pallas_call(
        _feat_body,
        grid=(E_SLAB // EB,),
        in_specs=[pl.BlockSpec((EB, 3), lambda i: (i, 0)),
                  pl.BlockSpec((9, 3 * TW), lambda i: (0, 0))],
        out_specs=pl.BlockSpec((EB, TW), lambda i: (i, 0)),
        out_shape=jax.ShapeDtypeStruct((E_SLAB, TW), jnp.float32),
    )(edge_vectors_slab, mbig)


def _scatter_body(t_hbm, idx_hbm, init_hbm, out_hbm, idx_v, rows0, rows1,
                  acc_sh, sem0, sem1):
    cid = lax.axis_index("c")
    sid = lax.axis_index("s")
    wid = sid * NC + cid
    @pl.when(sid < NS - 1)
    def _():
        pltpu.sync_copy(init_hbm.at[cid, pl.ds(sid * RPS, RPS)],
                        acc_sh.at[pl.ds(sid * RPS, RPS)])

    @pl.when(sid == NS - 1)
    def _():
        pltpu.sync_copy(init_hbm.at[cid, pl.ds((NS - 1) * RPS, RPS_LAST)],
                        acc_sh.at[pl.ds((NS - 1) * RPS, RPS_LAST)])

    pltpu.sync_copy(idx_hbm.at[wid], idx_v)
    plsc.subcore_barrier()
    base = wid * EPW
    pltpu.async_copy(t_hbm.at[pl.ds(base, CH)], rows0, sem0)

    @pl.loop(0, NCH, step=2)
    def _(kk):
        off0 = pl.multiple_of(base + kk * CH, CH)
        pltpu.make_async_copy(t_hbm.at[pl.ds(off0, CH)], rows0, sem0).wait()

        @pl.when(kk + 1 < NCH)
        def _():
            off1 = pl.multiple_of(base + (kk + 1) * CH, CH)
            pltpu.async_copy(t_hbm.at[pl.ds(off1, CH)], rows1, sem1)

        pltpu.sync_copy(rows0, acc_sh.at[idx_v.at[kk]], add=True)

        @pl.when(kk + 1 < NCH)
        def _():
            off1 = pl.multiple_of(base + (kk + 1) * CH, CH)
            pltpu.make_async_copy(t_hbm.at[pl.ds(off1, CH)], rows1,
                                  sem1).wait()

            @pl.when(kk + 2 < NCH)
            def _():
                off2 = pl.multiple_of(base + (kk + 2) * CH, CH)
                pltpu.async_copy(t_hbm.at[pl.ds(off2, CH)], rows0, sem0)

            pltpu.sync_copy(rows1, acc_sh.at[idx_v.at[kk + 1]], add=True)

    plsc.subcore_barrier()

    @pl.when(sid < NS - 1)
    def _():
        pltpu.sync_copy(acc_sh.at[pl.ds(sid * RPS, RPS)],
                        out_hbm.at[cid, pl.ds(sid * RPS, RPS)])

    @pl.when(sid == NS - 1)
    def _():
        pltpu.sync_copy(acc_sh.at[pl.ds((NS - 1) * RPS, RPS_LAST)],
                        out_hbm.at[cid, pl.ds((NS - 1) * RPS, RPS_LAST)])


def _scatter_sc(t_slab, nbr_slab, init):
    mesh = plsc.VectorSubcoreMesh(core_axis_name="c", subcore_axis_name="s")
    f = functools.partial(
        pl.kernel,
        out_type=jax.ShapeDtypeStruct((NC, N_NODES, TW), jnp.float32),
        mesh=mesh,
        scratch_types=[
            pltpu.VMEM((NCH, CH), jnp.int32),
            pltpu.VMEM((CH, TW), jnp.float32),
            pltpu.VMEM((CH, TW), jnp.float32),
            pltpu.VMEM_SHARED((N_NODES, TW), jnp.float32),
            pltpu.SemaphoreType.DMA,
            pltpu.SemaphoreType.DMA,
        ],
    )(_scatter_body)
    return f(t_slab, nbr_slab.reshape(NW, NCH, CH), init)


def _combine_body(p_ref, se_ref, ve_ref, wf_ref, w1_ref, b1_ref, w2_ref,
                  b2_ref, dv_ref, ds_ref):
    p = p_ref[...]
    T = p[0] + p[1]
    se = se_ref[...]
    hp = lax.dot(se, w1_ref[...], precision=lax.Precision.HIGHEST,
                 preferred_element_type=jnp.float32) + b1_ref[...]
    h = hp * (1.0 / (1.0 + jnp.exp(-hp)))
    phi = lax.dot(h, w2_ref[...], precision=lax.Precision.HIGHEST,
                  preferred_element_type=jnp.float32) + b2_ref[...]
    wf = wf_ref[...]
    G0 = T[:, 0:TPAD]
    Sa = lax.dot(G0, wf[:, 0:DIM], precision=lax.Precision.HIGHEST,
                 preferred_element_type=jnp.float32)
    Sc = lax.dot(G0, wf[:, 2 * DIM:3 * DIM], precision=lax.Precision.HIGHEST,
                 preferred_element_type=jnp.float32)
    ds = phi[:, 0:DIM] * Sa
    pc = phi[:, 2 * DIM:3 * DIM] * Sc
    phib = phi[:, DIM:2 * DIM]
    vt = ve_ref[...]
    dvs = []
    for j in range(3):
        Gj = T[:, TPAD * (j + 1):TPAD * (j + 2)]
        Sbj = lax.dot(Gj, wf[:, DIM:2 * DIM], precision=lax.Precision.HIGHEST,
                      preferred_element_type=jnp.float32)
        dvs.append(phib * Sbj + pc * vt[j])
    dv_ref[...] = jnp.stack(dvs, axis=0)
    ds_ref[...] = ds


def _combine(P, se, ve2, Wf, W1, b1, W2, b2):
    grid = (N_NODES // NBK,)
    dv, ds = pl.pallas_call(
        _combine_body,
        grid=grid,
        in_specs=[
            pl.BlockSpec((NC, NBK, TW), lambda i: (0, i, 0)),
            pl.BlockSpec((NBK, DIM), lambda i: (i, 0)),
            pl.BlockSpec((3, NBK, DIM), lambda i: (0, i, 0)),
            pl.BlockSpec((TPAD, 3 * DIM), lambda i: (0, 0)),
            pl.BlockSpec((DIM, DIM), lambda i: (0, 0)),
            pl.BlockSpec((1, DIM), lambda i: (0, 0)),
            pl.BlockSpec((DIM, 3 * DIM), lambda i: (0, 0)),
            pl.BlockSpec((1, 3 * DIM), lambda i: (0, 0)),
        ],
        out_specs=[
            pl.BlockSpec((3, NBK, DIM), lambda i: (0, i, 0)),
            pl.BlockSpec((NBK, DIM), lambda i: (i, 0)),
        ],
        out_shape=[
            jax.ShapeDtypeStruct((3, N_NODES, DIM), jnp.float32),
            jax.ShapeDtypeStruct((N_NODES, DIM), jnp.float32),
        ],
    )(P, se, ve2, Wf, W1, b1, W2, b2)
    return dv, ds


def kernel(vector_embeddings, scalar_embeddings, edge_index, edge_vectors,
           W_filter, b_filter, W1, b1, W2, b2):
    nbr = edge_index[1]
    mbig = _feat_consts()
    ts = [_featurize(edge_vectors[s * E_SLAB:(s + 1) * E_SLAB], mbig)
          for s in range(SLABS)]
    P = jnp.zeros((NC, N_NODES, TW), jnp.float32)
    for s in range(SLABS):
        P = _scatter_sc(ts[s], nbr[s * E_SLAB:(s + 1) * E_SLAB], P)
    Wf = jnp.concatenate(
        [W_filter, b_filter[None, :], jnp.zeros((TPAD - RADIAL - 1, 3 * DIM),
                                                jnp.float32)], axis=0)
    vt = jnp.transpose(vector_embeddings, (2, 0, 1))
    dv, ds = _combine(P, scalar_embeddings, vt, Wf, W1,
                      b1[None, :], W2, b2[None, :])
    return jnp.transpose(dv, (1, 2, 0)), ds

# --- scband reference (transcript-rebuilt; emitter-appended) ---
"""Pipeline reference for scband-interaction-65627100283516 (READ-ONLY COPY).

The authoritative reference and input builder live on the scoring server;
editing this copy changes nothing except your own understanding.
"""

import jax, jax.numpy as jnp
import numpy as np

RADIAL = 20
DIM = 128
CUTOFF = 5.0
N_NODES = 10000
N_EDGES = 320000


def _bessel(d):
    # d: [E, 1] -> [E, RADIAL]
    n = jnp.arange(1, RADIAL + 1, dtype=jnp.float32)
    return jnp.sqrt(2.0 / CUTOFF) * jnp.sin(n * jnp.pi * d / CUTOFF) / d


def _envelope(d):
    # smooth polynomial envelope (p=6), zero at/beyond cutoff
    p = 6.0
    r = d / CUTOFF
    val = (1.0 - (p + 1.0) * (p + 2.0) / 2.0 * r ** p
           + p * (p + 2.0) * r ** (p + 1.0)
           - p * (p + 1.0) / 2.0 * r ** (p + 2.0))
    return jnp.where(d < CUTOFF, val, 0.0)


def setup_inputs(seed: int = 0) -> dict:
    key = jax.random.key(seed)
    ks = jax.random.split(key, 10)
    return {
        "vector_embeddings": jax.random.normal(ks[0], (N_NODES, DIM, 3), dtype=jnp.float32),
        "scalar_embeddings": jax.random.normal(ks[1], (N_NODES, DIM), dtype=jnp.float32),
        "edge_index": jax.random.randint(ks[2], (2, N_EDGES), 0, N_NODES, dtype=jnp.int32),
        "edge_vectors": jax.random.normal(ks[3], (N_EDGES, 3), dtype=jnp.float32) + 0.1,
        "W_filter": jax.random.normal(ks[4], (RADIAL, DIM * 3), dtype=jnp.float32) * (1.0 / np.sqrt(RADIAL)),
        "b_filter": jnp.zeros((DIM * 3,), dtype=jnp.float32),
        "W1": jax.random.normal(ks[5], (DIM, DIM), dtype=jnp.float32) * (1.0 / np.sqrt(DIM)),
        "b1": jnp.zeros((DIM,), dtype=jnp.float32),
        "W2": jax.random.normal(ks[6], (DIM, DIM * 3), dtype=jnp.float32) * (1.0 / np.sqrt(DIM)),
        "b2": jnp.zeros((DIM * 3,), dtype=jnp.float32),
    }


def reference(vector_embeddings, scalar_embeddings, edge_index, edge_vectors,
              W_filter, b_filter, W1, b1, W2, b2):
    neighbours = edge_index[1]                                   # [E]
    d = jnp.linalg.norm(edge_vectors, axis=-1, keepdims=True)    # [E, 1]
    unit_vectors = edge_vectors / d                              # [E, 3]
    # continuous filter: (Bessel -> Linear) * PolynomialEnvelope
    filt = (_bessel(d) @ W_filter + b_filter) * _envelope(d)     # [E, 3*DIM]
    # phi MLP on scalar embeddings: Linear -> SiLU -> Linear
    phi = jax.nn.silu(scalar_embeddings @ W1 + b1) @ W2 + b2     # [N, 3*DIM]
    x_ij = filt * phi[neighbours]                                # gather + hadamard, [E, 3*DIM]
    a, b, c = jnp.split(x_ij, 3, axis=-1)                        # each [E, DIM]
    delta_s = jax.ops.segment_sum(a, neighbours, num_segments=N_NODES)   # [N, DIM]
    v_ij = b[:, :, None] * unit_vectors[:, None, :] \
         + c[:, :, None] * vector_embeddings[neighbours]         # [E, DIM, 3]
    delta_v = jax.ops.segment_sum(v_ij, neighbours, num_segments=N_NODES)  # [N, DIM, 3]
    return (delta_v, delta_s)

if __name__ == "__main__":
    import jax
    _d = setup_inputs()
    print(jax.jit(kernel)(*tuple(_d.values())))

</pallas_src>

<mosaic_0001>
#map = affine_map<(d0, d1) -> (0, 0)>
#map1 = affine_map<(d0, d1) -> (0, 0, 0)>
module attributes {stable_mosaic.version = 14 : i64} {
  func.func @_scatter_body(%arg0: i32, %arg1: i32, %arg2: memref<64000x128xf32, #tpu.memory_space<hbm>>, %arg3: memref<32x25x80xi32, #tpu.memory_space<hbm>>, %arg4: memref<2x10000x128xf32, #tpu.memory_space<hbm>>, %arg5: memref<2x10000x128xf32, #tpu.memory_space<hbm>>, %arg6: memref<25x80xi32, #tpu.memory_space<vmem>>, %arg7: memref<80x128xf32, #tpu.memory_space<vmem>>, %arg8: memref<80x128xf32, #tpu.memory_space<vmem>>, %arg9: memref<10000x128xf32, #tpu.memory_space<vmem_shared>>, %arg10: memref<!tpu.dma_semaphore, #tpu.memory_space<semaphore_mem>>, %arg11: memref<!tpu.dma_semaphore, #tpu.memory_space<semaphore_mem>>) attributes {dimension_semantics = [#tpu.dimension_semantics<core_parallel>, #tpu.dimension_semantics<subcore_parallel>], iteration_bounds = array<i64: 2, 16>, scalar_prefetch = 0 : i64, scratch_operands = 6 : i64, tpu.core_type = #tpu.core_type<sc_vector_subcore>, window_params = [{transform_indices = #map}, {transform_indices = #map1}, {transform_indices = #map1}, {transform_indices = #map1}]} {
    %mul3A = arith.constant 2 : i32
    %mul3A_0 = arith.muli %arg1, %mul3A : i32
    %add3A = arith.addi %mul3A_0, %arg0 : i32
    %lt3A = arith.constant 15 : i32
    %lt3A_1 = arith.cmpi slt, %arg1, %lt3A : i32
    %convert_element_type3A = arith.extui %lt3A_1 : i1 to i32
    %cond3A = arith.constant 0 : i32
    %cond3A_2 = arith.cmpi ne, %convert_element_type3A, %cond3A : i32
    scf.if %cond3A_2 {
      %mul3A_27 = arith.constant 640 : i32
      %mul3A_28 = arith.muli %arg1, %mul3A_27 : i32
      %mul3A_29 = arith.constant 640 : i32
      %mul3A_30 = arith.muli %arg1, %mul3A_29 : i32
      "tpu.region"() ({
        %run_scoped3A = tpu.sem_alloc : memref<!tpu.dma_semaphore, #tpu.memory_space<semaphore_mem>>
        %dma_start3A_31 = arith.constant 0 : i32
        %dma_start3A_32 = tpu.memref_slice %arg9[%mul3A_30, %dma_start3A_31] : memref<10000x128xf32, #tpu.memory_space<vmem_shared>> -> memref<640x128xf32, #tpu.memory_space<vmem_shared>>
        %dma_start3A_33 = arith.constant 0 : i32
        %dma_start3A_34 = tpu.memref_slice %arg4[%arg0, %mul3A_28, %dma_start3A_33] : memref<2x10000x128xf32, #tpu.memory_space<hbm>> -> memref<1x640x128xf32, #tpu.memory_space<hbm>>
        %dma_start3A_35 = tpu.memref_squeeze %dma_start3A_34 : memref<1x640x128xf32, #tpu.memory_space<hbm>> -> memref<640x128xf32, #tpu.memory_space<hbm>>
        tpu.enqueue_dma source(%dma_start3A_35 : memref<640x128xf32, #tpu.memory_space<hbm>>) target(%dma_start3A_32 : memref<640x128xf32, #tpu.memory_space<vmem_shared>>) target_semaphore(%run_scoped3A : memref<!tpu.dma_semaphore, #tpu.memory_space<semaphore_mem>>)
        %dma_wait3A = arith.constant 0 : i32
        %dma_wait3A_36 = tpu.memref_slice %arg9[%mul3A_30, %dma_wait3A] : memref<10000x128xf32, #tpu.memory_space<vmem_shared>> -> memref<640x128xf32, #tpu.memory_space<vmem_shared>>
        %dma_wait3A_37 = arith.constant 0 : i32
        %dma_wait3A_38 = tpu.memref_slice %arg4[%arg0, %mul3A_28, %dma_wait3A_37] : memref<2x10000x128xf32, #tpu.memory_space<hbm>> -> memref<1x640x128xf32, #tpu.memory_space<hbm>>
        %dma_wait3A_39 = tpu.memref_squeeze %dma_wait3A_38 : memref<1x640x128xf32, #tpu.memory_space<hbm>> -> memref<640x128xf32, #tpu.memory_space<hbm>>
        tpu.wait_dma2 semaphore(%run_scoped3A : memref<!tpu.dma_semaphore, #tpu.memory_space<semaphore_mem>>) src(%dma_wait3A_39 : memref<640x128xf32, #tpu.memory_space<hbm>>) dst(%dma_wait3A_36 : memref<640x128xf32, #tpu.memory_space<vmem_shared>>)
        tpu.yield
      }) : () -> ()
    } else {
    }
    %eq3A = arith.constant 15 : i32
    %eq3A_3 = arith.cmpi eq, %arg1, %eq3A : i32
    %convert_element_type3A_4 = arith.extui %eq3A_3 : i1 to i32
    %cond3A_5 = arith.constant 0 : i32
    %cond3A_6 = arith.cmpi ne, %convert_element_type3A_4, %cond3A_5 : i32
    scf.if %cond3A_6 {
      "tpu.region"() ({
        %run_scoped3A = tpu.sem_alloc : memref<!tpu.dma_semaphore, #tpu.memory_space<semaphore_mem>>
        %dma_start3A_27 = arith.constant 9600 : i32
        %dma_start3A_28 = arith.constant 0 : i32
        %dma_start3A_29 = tpu.memref_slice %arg9[%dma_start3A_27, %dma_start3A_28] : memref<10000x128xf32, #tpu.memory_space<vmem_shared>> -> memref<400x128xf32, #tpu.memory_space<vmem_shared>>
        %dma_start3A_30 = arith.constant 9600 : i32
        %dma_start3A_31 = arith.constant 0 : i32
        %dma_start3A_32 = tpu.memref_slice %arg4[%arg0, %dma_start3A_30, %dma_start3A_31] : memref<2x10000x128xf32, #tpu.memory_space<hbm>> -> memref<1x400x128xf32, #tpu.memory_space<hbm>>
        %dma_start3A_33 = tpu.memref_squeeze %dma_start3A_32 : memref<1x400x128xf32, #tpu.memory_space<hbm>> -> memref<400x128xf32, #tpu.memory_space<hbm>>
        tpu.enqueue_dma source(%dma_start3A_33 : memref<400x128xf32, #tpu.memory_space<hbm>>) target(%dma_start3A_29 : memref<400x128xf32, #tpu.memory_space<vmem_shared>>) target_semaphore(%run_scoped3A : memref<!tpu.dma_semaphore, #tpu.memory_space<semaphore_mem>>)
        %dma_wait3A = arith.constant 9600 : i32
        %dma_wait3A_34 = arith.constant 0 : i32
        %dma_wait3A_35 = tpu.memref_slice %arg9[%dma_wait3A, %dma_wait3A_34] : memref<10000x128xf32, #tpu.memory_space<vmem_shared>> -> memref<400x128xf32, #tpu.memory_space<vmem_shared>>
        %dma_wait3A_36 = arith.constant 9600 : i32
        %dma_wait3A_37 = arith.constant 0 : i32
        %dma_wait3A_38 = tpu.memref_slice %arg4[%arg0, %dma_wait3A_36, %dma_wait3A_37] : memref<2x10000x128xf32, #tpu.memory_space<hbm>> -> memref<1x400x128xf32, #tpu.memory_space<hbm>>
        %dma_wait3A_39 = tpu.memref_squeeze %dma_wait3A_38 : memref<1x400x128xf32, #tpu.memory_space<hbm>> -> memref<400x128xf32, #tpu.memory_space<hbm>>
        tpu.wait_dma2 semaphore(%run_scoped3A : memref<!tpu.dma_semaphore, #tpu.memory_space<semaphore_mem>>) src(%dma_wait3A_39 : memref<400x128xf32, #tpu.memory_space<hbm>>) dst(%dma_wait3A_35 : memref<400x128xf32, #tpu.memory_space<vmem_shared>>)
        tpu.yield
      }) : () -> ()
    } else {
    }
    "tpu.region"() ({
      %run_scoped3A = tpu.sem_alloc : memref<!tpu.dma_semaphore, #tpu.memory_space<semaphore_mem>>
      %dma_start3A_27 = arith.constant 0 : i32
      %dma_start3A_28 = arith.constant 0 : i32
      %dma_start3A_29 = tpu.memref_slice %arg3[%add3A, %dma_start3A_27, %dma_start3A_28] : memref<32x25x80xi32, #tpu.memory_space<hbm>> -> memref<1x25x80xi32, #tpu.memory_space<hbm>>
      %dma_start3A_30 = tpu.memref_squeeze %dma_start3A_29 : memref<1x25x80xi32, #tpu.memory_space<hbm>> -> memref<25x80xi32, #tpu.memory_space<hbm>>
      %dma_start3A_31 = arith.constant 0 : i32
      %dma_start3A_32 = arith.constant 0 : i32
      %dma_start3A_33 = tpu.memref_slice %arg3[%add3A, %dma_start3A_31, %dma_start3A_32] : memref<32x25x80xi32, #tpu.memory_space<hbm>> -> memref<1x25x80xi32, #tpu.memory_space<hbm>>
      %dma_start3A_34 = tpu.memref_squeeze %dma_start3A_33 : memref<1x25x80xi32, #tpu.memory_space<hbm>> -> memref<25x80xi32, #tpu.memory_space<hbm>>
      tpu.enqueue_dma source(%dma_start3A_34 : memref<25x80xi32, #tpu.memory_space<hbm>>) target(%arg6 : memref<25x80xi32, #tpu.memory_space<vmem>>) target_semaphore(%run_scoped3A : memref<!tpu.dma_semaphore, #tpu.memory_space<semaphore_mem>>)
      %dma_wait3A = arith.constant 0 : i32
      %dma_wait3A_35 = arith.constant 0 : i32
      %dma_wait3A_36 = tpu.memref_slice %arg3[%add3A, %dma_wait3A, %dma_wait3A_35] : memref<32x25x80xi32, #tpu.memory_space<hbm>> -> memref<1x25x80xi32, #tpu.memory_space<hbm>>
      %dma_wait3A_37 = tpu.memref_squeeze %dma_wait3A_36 : memref<1x25x80xi32, #tpu.memory_space<hbm>> -> memref<25x80xi32, #tpu.memory_space<hbm>>
      %dma_wait3A_38 = arith.constant 0 : i32
      %dma_wait3A_39 = arith.constant 0 : i32
      %dma_wait3A_40 = tpu.memref_slice %arg3[%add3A, %dma_wait3A_38, %dma_wait3A_39] : memref<32x25x80xi32, #tpu.memory_space<hbm>> -> memref<1x25x80xi32, #tpu.memory_space<hbm>>
      %dma_wait3A_41 = tpu.memref_squeeze %dma_wait3A_40 : memref<1x25x80xi32, #tpu.memory_space<hbm>> -> memref<25x80xi32, #tpu.memory_space<hbm>>
      tpu.wait_dma2 semaphore(%run_scoped3A : memref<!tpu.dma_semaphore, #tpu.memory_space<semaphore_mem>>) src(%dma_wait3A_41 : memref<25x80xi32, #tpu.memory_space<hbm>>) dst(%arg6 : memref<25x80xi32, #tpu.memory_space<vmem>>)
      tpu.yield
    }) : () -> ()
    %barrier3A = arith.constant 0 : index
    tpu.barrier barrier_id(%barrier3A)
    %mul3A_7 = arith.constant 2000 : i32
    %mul3A_8 = arith.muli %add3A, %mul3A_7 : i32
    %dma_start3A = arith.constant 0 : i32
    %dma_start3A_9 = tpu.memref_slice %arg2[%mul3A_8, %dma_start3A] : memref<64000x128xf32, #tpu.memory_space<hbm>> -> memref<80x128xf32, #tpu.memory_space<hbm>>
    %dma_start3A_10 = arith.constant 0 : i32
    %dma_start3A_11 = tpu.memref_slice %arg2[%mul3A_8, %dma_start3A_10] : memref<64000x128xf32, #tpu.memory_space<hbm>> -> memref<80x128xf32, #tpu.memory_space<hbm>>
    tpu.enqueue_dma source(%dma_start3A_11 : memref<80x128xf32, #tpu.memory_space<hbm>>) target(%arg7 : memref<80x128xf32, #tpu.memory_space<vmem>>) target_semaphore(%arg10 : memref<!tpu.dma_semaphore, #tpu.memory_space<semaphore_mem>>)
    %scan3A = arith.constant 0 : i32
    %scan3A_12 = arith.constant 13 : i32
    %scan3A_13 = arith.addi %scan3A, %scan3A_12 : i32
    %scan3A_14 = arith.constant 1 : i32
    scf.for %scan3A_27 = %scan3A to %scan3A_13 step %scan3A_14  : i32 {
      %mul3A_28 = arith.constant 2 : i32
      %mul3A_29 = arith.muli %scan3A_27, %mul3A_28 : i32
      %add3A_30 = arith.constant 0 : i32
      %add3A_31 = arith.addi %add3A_30, %mul3A_29 : i32
      %mul3A_32 = arith.constant 80 : i32
      %mul3A_33 = arith.muli %add3A_31, %mul3A_32 : i32
      %add3A_34 = arith.addi %mul3A_8, %mul3A_33 : i32
      %multiple_of3A = tpu.assume_multiple %add3A_34, 80 : i32
      %dma_wait3A = arith.constant 0 : i32
      %dma_wait3A_35 = tpu.memref_slice %arg2[%multiple_of3A, %dma_wait3A] : memref<64000x128xf32, #tpu.memory_space<hbm>> -> memref<80x128xf32, #tpu.memory_space<hbm>>
      %dma_wait3A_36 = arith.constant 0 : i32
      %dma_wait3A_37 = tpu.memref_slice %arg2[%multiple_of3A, %dma_wait3A_36] : memref<64000x128xf32, #tpu.memory_space<hbm>> -> memref<80x128xf32, #tpu.memory_space<hbm>>
      tpu.wait_dma2 semaphore(%arg10 : memref<!tpu.dma_semaphore, #tpu.memory_space<semaphore_mem>>) src(%dma_wait3A_37 : memref<80x128xf32, #tpu.memory_space<hbm>>) dst(%arg7 : memref<80x128xf32, #tpu.memory_space<vmem>>)
      %add3A_38 = arith.constant 1 : i32
      %add3A_39 = arith.addi %add3A_31, %add3A_38 : i32
      %lt3A_40 = arith.constant 25 : i32
      %lt3A_41 = arith.cmpi slt, %add3A_39, %lt3A_40 : i32
      %convert_element_type3A_42 = arith.extui %lt3A_41 : i1 to i32
      %cond3A_43 = arith.constant 0 : i32
      %cond3A_44 = arith.cmpi ne, %convert_element_type3A_42, %cond3A_43 : i32
      scf.if %cond3A_44 {
        %add3A_52 = arith.constant 1 : i32
        %add3A_53 = arith.addi %add3A_31, %add3A_52 : i32
        %mul3A_54 = arith.constant 80 : i32
        %mul3A_55 = arith.muli %add3A_53, %mul3A_54 : i32
        %add3A_56 = arith.addi %mul3A_8, %mul3A_55 : i32
        %multiple_of3A_57 = tpu.assume_multiple %add3A_56, 80 : i32
        %dma_start3A_58 = arith.constant 0 : i32
        %dma_start3A_59 = tpu.memref_slice %arg2[%multiple_of3A_57, %dma_start3A_58] : memref<64000x128xf32, #tpu.memory_space<hbm>> -> memref<80x128xf32, #tpu.memory_space<hbm>>
        %dma_start3A_60 = arith.constant 0 : i32
        %dma_start3A_61 = tpu.memref_slice %arg2[%multiple_of3A_57, %dma_start3A_60] : memref<64000x128xf32, #tpu.memory_space<hbm>> -> memref<80x128xf32, #tpu.memory_space<hbm>>
        tpu.enqueue_dma source(%dma_start3A_61 : memref<80x128xf32, #tpu.memory_space<hbm>>) target(%arg8 : memref<80x128xf32, #tpu.memory_space<vmem>>) target_semaphore(%arg11 : memref<!tpu.dma_semaphore, #tpu.memory_space<semaphore_mem>>)
      } else {
      }
      "tpu.region"() ({
        %run_scoped3A = tpu.sem_alloc : memref<!tpu.dma_semaphore, #tpu.memory_space<semaphore_mem>>
        %dma_start3A_52 = arith.constant 0 : i32
        %dma_start3A_53 = tpu.memref_slice %arg6[%add3A_31, %dma_start3A_52] : memref<25x80xi32, #tpu.memory_space<vmem>> -> memref<1x80xi32, #tpu.memory_space<vmem>>
        %dma_start3A_54 = tpu.memref_squeeze %dma_start3A_53 : memref<1x80xi32, #tpu.memory_space<vmem>> -> memref<80xi32, #tpu.memory_space<vmem>>
        %dma_start3A_55 = arith.constant 0 : i32
        %dma_start3A_56 = arith.constant 0 : i32
        %dma_start3A_57 = tpu.memref_slice %arg9[%dma_start3A_55, %dma_start3A_56] : memref<10000x128xf32, #tpu.memory_space<vmem_shared>> -> memref<10000x128xf32, #tpu.memory_space<vmem_shared>>
        tpu.enqueue_indirect_dma source(%arg7 : memref<80x128xf32, #tpu.memory_space<vmem>>) target(%dma_start3A_57 : memref<10000x128xf32, #tpu.memory_space<vmem_shared>>) offsets(%dma_start3A_54 : memref<80xi32, #tpu.memory_space<vmem>>) semaphore(%run_scoped3A : memref<!tpu.dma_semaphore, #tpu.memory_space<semaphore_mem>>) {add = true}
        %dma_wait3A_58 = arith.constant 0 : i32
        %dma_wait3A_59 = tpu.memref_slice %arg6[%add3A_31, %dma_wait3A_58] : memref<25x80xi32, #tpu.memory_space<vmem>> -> memref<1x80xi32, #tpu.memory_space<vmem>>
        %dma_wait3A_60 = tpu.memref_squeeze %dma_wait3A_59 : memref<1x80xi32, #tpu.memory_space<vmem>> -> memref<80xi32, #tpu.memory_space<vmem>>
        %dma_wait3A_61 = arith.constant 0 : i32
        %dma_wait3A_62 = arith.constant 0 : i32
        %dma_wait3A_63 = tpu.memref_slice %arg9[%dma_wait3A_61, %dma_wait3A_62] : memref<10000x128xf32, #tpu.memory_space<vmem_shared>> -> memref<10000x128xf32, #tpu.memory_space<vmem_shared>>
        tpu.wait_indirect_dma semaphore(%run_scoped3A : memref<!tpu.dma_semaphore, #tpu.memory_space<semaphore_mem>>) src(%arg7 : memref<80x128xf32, #tpu.memory_space<vmem>>) dst(%dma_wait3A_63 : memref<10000x128xf32, #tpu.memory_space<vmem_shared>>)
        tpu.yield
      }) : () -> ()
      %add3A_45 = arith.constant 1 : i32
      %add3A_46 = arith.addi %add3A_31, %add3A_45 : i32
      %lt3A_47 = arith.constant 25 : i32
      %lt3A_48 = arith.cmpi slt, %add3A_46, %lt3A_47 : i32
      %convert_element_type3A_49 = arith.extui %lt3A_48 : i1 to i32
      %cond3A_50 = arith.constant 0 : i32
      %cond3A_51 = arith.cmpi ne, %convert_element_type3A_49, %cond3A_50 : i32
      scf.if %cond3A_51 {
        %add3A_52 = arith.constant 1 : i32
        %add3A_53 = arith.addi %add3A_31, %add3A_52 : i32
        %mul3A_54 = arith.constant 80 : i32
        %mul3A_55 = arith.muli %add3A_53, %mul3A_54 : i32
        %add3A_56 = arith.addi %mul3A_8, %mul3A_55 : i32
        %multiple_of3A_57 = tpu.assume_multiple %add3A_56, 80 : i32
        %dma_wait3A_58 = arith.constant 0 : i32
        %dma_wait3A_59 = tpu.memref_slice %arg2[%multiple_of3A_57, %dma_wait3A_58] : memref<64000x128xf32, #tpu.memory_space<hbm>> -> memref<80x128xf32, #tpu.memory_space<hbm>>
        %dma_wait3A_60 = arith.constant 0 : i32
        %dma_wait3A_61 = tpu.memref_slice %arg2[%multiple_of3A_57, %dma_wait3A_60] : memref<64000x128xf32, #tpu.memory_space<hbm>> -> memref<80x128xf32, #tpu.memory_space<hbm>>
        tpu.wait_dma2 semaphore(%arg11 : memref<!tpu.dma_semaphore, #tpu.memory_space<semaphore_mem>>) src(%dma_wait3A_61 : memref<80x128xf32, #tpu.memory_space<hbm>>) dst(%arg8 : memref<80x128xf32, #tpu.memory_space<vmem>>)
        %add3A_62 = arith.constant 2 : i32
        %add3A_63 = arith.addi %add3A_31, %add3A_62 : i32
        %lt3A_64 = arith.constant 25 : i32
        %lt3A_65 = arith.cmpi slt, %add3A_63, %lt3A_64 : i32
        %convert_element_type3A_66 = arith.extui %lt3A_65 : i1 to i32
        %cond3A_67 = arith.constant 0 : i32
        %cond3A_68 = arith.cmpi ne, %convert_element_type3A_66, %cond3A_67 : i32
        scf.if %cond3A_68 {
          %add3A_71 = arith.constant 2 : i32
          %add3A_72 = arith.addi %add3A_31, %add3A_71 : i32
          %mul3A_73 = arith.constant 80 : i32
          %mul3A_74 = arith.muli %add3A_72, %mul3A_73 : i32
          %add3A_75 = arith.addi %mul3A_8, %mul3A_74 : i32
          %multiple_of3A_76 = tpu.assume_multiple %add3A_75, 80 : i32
          %dma_start3A_77 = arith.constant 0 : i32
          %dma_start3A_78 = tpu.memref_slice %arg2[%multiple_of3A_76, %dma_start3A_77] : memref<64000x128xf32, #tpu.memory_space<hbm>> -> memref<80x128xf32, #tpu.memory_space<hbm>>
          %dma_start3A_79 = arith.constant 0 : i32
          %dma_start3A_80 = tpu.memref_slice %arg2[%multiple_of3A_76, %dma_start3A_79] : memref<64000x128xf32, #tpu.memory_space<hbm>> -> memref<80x128xf32, #tpu.memory_space<hbm>>
          tpu.enqueue_dma source(%dma_start3A_80 : memref<80x128xf32, #tpu.memory_space<hbm>>) target(%arg7 : memref<80x128xf32, #tpu.memory_space<vmem>>) target_semaphore(%arg10 : memref<!tpu.dma_semaphore, #tpu.memory_space<semaphore_mem>>)
        } else {
        }
        %add3A_69 = arith.constant 1 : i32
        %add3A_70 = arith.addi %add3A_31, %add3A_69 : i32
        "tpu.region"() ({
          %run_scoped3A = tpu.sem_alloc : memref<!tpu.dma_semaphore, #tpu.memory_space<semaphore_mem>>
          %dma_start3A_71 = arith.constant 0 : i32
          %dma_start3A_72 = tpu.memref_slice %arg6[%add3A_70, %dma_start3A_71] : memref<25x80xi32, #tpu.memory_space<vmem>> -> memref<1x80xi32, #tpu.memory_space<vmem>>
          %dma_start3A_73 = tpu.memref_squeeze %dma_start3A_72 : memref<1x80xi32, #tpu.memory_space<vmem>> -> memref<80xi32, #tpu.memory_space<vmem>>
          %dma_start3A_74 = arith.constant 0 : i32
          %dma_start3A_75 = arith.constant 0 : i32
          %dma_start3A_76 = tpu.memref_slice %arg9[%dma_start3A_74, %dma_start3A_75] : memref<10000x128xf32, #tpu.memory_space<vmem_shared>> -> memref<10000x128xf32, #tpu.memory_space<vmem_shared>>
          tpu.enqueue_indirect_dma source(%arg8 : memref<80x128xf32, #tpu.memory_space<vmem>>) target(%dma_start3A_76 : memref<10000x128xf32, #tpu.memory_space<vmem_shared>>) offsets(%dma_start3A_73 : memref<80xi32, #tpu.memory_space<vmem>>) semaphore(%run_scoped3A : memref<!tpu.dma_semaphore, #tpu.memory_space<semaphore_mem>>) {add = true}
          %dma_wait3A_77 = arith.constant 0 : i32
          %dma_wait3A_78 = tpu.memref_slice %arg6[%add3A_70, %dma_wait3A_77] : memref<25x80xi32, #tpu.memory_space<vmem>> -> memref<1x80xi32, #tpu.memory_space<vmem>>
          %dma_wait3A_79 = tpu.memref_squeeze %dma_wait3A_78 : memref<1x80xi32, #tpu.memory_space<vmem>> -> memref<80xi32, #tpu.memory_space<vmem>>
          %dma_wait3A_80 = arith.constant 0 : i32
          %dma_wait3A_81 = arith.constant 0 : i32
          %dma_wait3A_82 = tpu.memref_slice %arg9[%dma_wait3A_80, %dma_wait3A_81] : memref<10000x128xf32, #tpu.memory_space<vmem_shared>> -> memref<10000x128xf32, #tpu.memory_space<vmem_shared>>
          tpu.wait_indirect_dma semaphore(%run_scoped3A : memref<!tpu.dma_semaphore, #tpu.memory_space<semaphore_mem>>) src(%arg8 : memref<80x128xf32, #tpu.memory_space<vmem>>) dst(%dma_wait3A_82 : memref<10000x128xf32, #tpu.memory_space<vmem_shared>>)
          tpu.yield
        }) : () -> ()
      } else {
      }
    }
    %scan3A_15 = arith.constant 13 : i32
    %barrier3A_16 = arith.constant 0 : index
    tpu.barrier barrier_id(%barrier3A_16)
    %lt3A_17 = arith.constant 15 : i32
    %lt3A_18 = arith.cmpi slt, %arg1, %lt3A_17 : i32
    %convert_element_type3A_19 = arith.extui %lt3A_18 : i1 to i32
    %cond3A_20 = arith.constant 0 : i32
    %cond3A_21 = arith.cmpi ne, %convert_element_type3A_19, %cond3A_20 : i32
    scf.if %cond3A_21 {
      %mul3A_27 = arith.constant 640 : i32
      %mul3A_28 = arith.muli %arg1, %mul3A_27 : i32
      %mul3A_29 = arith.constant 640 : i32
      %mul3A_30 = arith.muli %arg1, %mul3A_29 : i32
      "tpu.region"() ({
        %run_scoped3A = tpu.sem_alloc : memref<!tpu.dma_semaphore, #tpu.memory_space<semaphore_mem>>
        %dma_start3A_31 = arith.constant 0 : i32
        %dma_start3A_32 = tpu.memref_slice %arg5[%arg0, %mul3A_30, %dma_start3A_31] : memref<2x10000x128xf32, #tpu.memory_space<hbm>> -> memref<1x640x128xf32, #tpu.memory_space<hbm>>
        %dma_start3A_33 = tpu.memref_squeeze %dma_start3A_32 : memref<1x640x128xf32, #tpu.memory_space<hbm>> -> memref<640x128xf32, #tpu.memory_space<hbm>>
        %dma_start3A_34 = arith.constant 0 : i32
        %dma_start3A_35 = tpu.memref_slice %arg9[%mul3A_28, %dma_start3A_34] : memref<10000x128xf32, #tpu.memory_space<vmem_shared>> -> memref<640x128xf32, #tpu.memory_space<vmem_shared>>
        tpu.enqueue_dma source(%dma_start3A_35 : memref<640x128xf32, #tpu.memory_space<vmem_shared>>) target(%dma_start3A_33 : memref<640x128xf32, #tpu.memory_space<hbm>>) target_semaphore(%run_scoped3A : memref<!tpu.dma_semaphore, #tpu.memory_space<semaphore_mem>>)
        %dma_wait3A = arith.constant 0 : i32
        %dma_wait3A_36 = tpu.memref_slice %arg5[%arg0, %mul3A_30, %dma_wait3A] : memref<2x10000x128xf32, #tpu.memory_space<hbm>> -> memref<1x640x128xf32, #tpu.memory_space<hbm>>
        %dma_wait3A_37 = tpu.memref_squeeze %dma_wait3A_36 : memref<1x640x128xf32, #tpu.memory_space<hbm>> -> memref<640x128xf32, #tpu.memory_space<hbm>>
        %dma_wait3A_38 = arith.constant 0 : i32
        %dma_wait3A_39 = tpu.memref_slice %arg9[%mul3A_28, %dma_wait3A_38] : memref<10000x128xf32, #tpu.memory_space<vmem_shared>> -> memref<640x128xf32, #tpu.memory_space<vmem_shared>>
        tpu.wait_dma2 semaphore(%run_scoped3A : memref<!tpu.dma_semaphore, #tpu.memory_space<semaphore_mem>>) src(%dma_wait3A_39 : memref<640x128xf32, #tpu.memory_space<vmem_shared>>) dst(%dma_wait3A_37 : memref<640x128xf32, #tpu.memory_space<hbm>>)
        tpu.yield
      }) : () -> ()
    } else {
    }
    %eq3A_22 = arith.constant 15 : i32
    %eq3A_23 = arith.cmpi eq, %arg1, %eq3A_22 : i32
    %convert_element_type3A_24 = arith.extui %eq3A_23 : i1 to i32
    %cond3A_25 = arith.constant 0 : i32
    %cond3A_26 = arith.cmpi ne, %convert_element_type3A_24, %cond3A_25 : i32
    scf.if %cond3A_26 {
      "tpu.region"() ({
        %run_scoped3A = tpu.sem_alloc : memref<!tpu.dma_semaphore, #tpu.memory_space<semaphore_mem>>
        %dma_start3A_27 = arith.constant 9600 : i32
        %dma_start3A_28 = arith.constant 0 : i32
        %dma_start3A_29 = tpu.memref_slice %arg5[%arg0, %dma_start3A_27, %dma_start3A_28] : memref<2x10000x128xf32, #tpu.memory_space<hbm>> -> memref<1x400x128xf32, #tpu.memory_space<hbm>>
        %dma_start3A_30 = tpu.memref_squeeze %dma_start3A_29 : memref<1x400x128xf32, #tpu.memory_space<hbm>> -> memref<400x128xf32, #tpu.memory_space<hbm>>
        %dma_start3A_31 = arith.constant 9600 : i32
        %dma_start3A_32 = arith.constant 0 : i32
        %dma_start3A_33 = tpu.memref_slice %arg9[%dma_start3A_31, %dma_start3A_32] : memref<10000x128xf32, #tpu.memory_space<vmem_shared>> -> memref<400x128xf32, #tpu.memory_space<vmem_shared>>
        tpu.enqueue_dma source(%dma_start3A_33 : memref<400x128xf32, #tpu.memory_space<vmem_shared>>) target(%dma_start3A_30 : memref<400x128xf32, #tpu.memory_space<hbm>>) target_semaphore(%run_scoped3A : memref<!tpu.dma_semaphore, #tpu.memory_space<semaphore_mem>>)
        %dma_wait3A = arith.constant 9600 : i32
        %dma_wait3A_34 = arith.constant 0 : i32
        %dma_wait3A_35 = tpu.memref_slice %arg5[%arg0, %dma_wait3A, %dma_wait3A_34] : memref<2x10000x128xf32, #tpu.memory_space<hbm>> -> memref<1x400x128xf32, #tpu.memory_space<hbm>>
        %dma_wait3A_36 = tpu.memref_squeeze %dma_wait3A_35 : memref<1x400x128xf32, #tpu.memory_space<hbm>> -> memref<400x128xf32, #tpu.memory_space<hbm>>
        %dma_wait3A_37 = arith.constant 9600 : i32
        %dma_wait3A_38 = arith.constant 0 : i32
        %dma_wait3A_39 = tpu.memref_slice %arg9[%dma_wait3A_37, %dma_wait3A_38] : memref<10000x128xf32, #tpu.memory_space<vmem_shared>> -> memref<400x128xf32, #tpu.memory_space<vmem_shared>>
        tpu.wait_dma2 semaphore(%run_scoped3A : memref<!tpu.dma_semaphore, #tpu.memory_space<semaphore_mem>>) src(%dma_wait3A_39 : memref<400x128xf32, #tpu.memory_space<vmem_shared>>) dst(%dma_wait3A_36 : memref<400x128xf32, #tpu.memory_space<hbm>>)
        tpu.yield
      }) : () -> ()
    } else {
    }
    return
  }
}

#map = affine_map<(d0, d1) -> (0, 0)>
#map1 = affine_map<(d0, d1) -> (0, 0, 0)>
module attributes {stable_mosaic.version = 14 : i64} {
  func.func @_scatter_body(%arg0: i32, %arg1: i32, %arg2: memref<64000x128xf32, #tpu.memory_space<hbm>>, %arg3: memref<32x25x80xi32, #tpu.memory_space<hbm>>, %arg4: memref<2x10000x128xf32, #tpu.memory_space<hbm>>, %arg5: memref<2x10000x128xf32, #tpu.memory_space<hbm>>, %arg6: memref<25x80xi32, #tpu.memory_space<vmem>>, %arg7: memref<80x128xf32, #tpu.memory_space<vmem>>, %arg8: memref<80x128xf32, #tpu.memory_space<vmem>>, %arg9: memref<10000x128xf32, #tpu.memory_space<vmem_shared>>, %arg10: memref<!tpu.dma_semaphore, #tpu.memory_space<semaphore_mem>>, %arg11: memref<!tpu.dma_semaphore, #tpu.memory_space<semaphore_mem>>) attributes {dimension_semantics = [#tpu.dimension_semantics<core_parallel>, #tpu.dimension_semantics<subcore_parallel>], iteration_bounds = array<i64: 2, 16>, scalar_prefetch = 0 : i64, scratch_operands = 6 : i64, tpu.core_type = #tpu.core_type<sc_vector_subcore>, window_params = [{transform_indices = #map}, {transform_indices = #map1}, {transform_indices = #map1}, {transform_indices = #map1}]} {
    %mul3A = arith.constant 2 : i32
    %mul3A_0 = arith.muli %arg1, %mul3A : i32
    %add3A = arith.addi %mul3A_0, %arg0 : i32
    %lt3A = arith.constant 15 : i32
    %lt3A_1 = arith.cmpi slt, %arg1, %lt3A : i32
    %convert_element_type3A = arith.extui %lt3A_1 : i1 to i32
    %cond3A = arith.constant 0 : i32
    %cond3A_2 = arith.cmpi ne, %convert_element_type3A, %cond3A : i32
    scf.if %cond3A_2 {
      %mul3A_27 = arith.constant 640 : i32
      %mul3A_28 = arith.muli %arg1, %mul3A_27 : i32
      %mul3A_29 = arith.constant 640 : i32
      %mul3A_30 = arith.muli %arg1, %mul3A_29 : i32
      "tpu.region"() ({
        %run_scoped3A = tpu.sem_alloc : memref<!tpu.dma_semaphore, #tpu.memory_space<semaphore_mem>>
        %dma_start3A_31 = arith.constant 0 : i32
        %dma_start3A_32 = tpu.memref_slice %arg9[%mul3A_30, %dma_start3A_31] : memref<10000x128xf32, #tpu.memory_space<vmem_shared>> -> memref<640x128xf32, #tpu.memory_space<vmem_shared>>
        %dma_start3A_33 = arith.constant 0 : i32
        %dma_start3A_34 = tpu.memref_slice %arg4[%arg0, %mul3A_28, %dma_start3A_33] : memref<2x10000x128xf32, #tpu.memory_space<hbm>> -> memref<1x640x128xf32, #tpu.memory_space<hbm>>
        %dma_start3A_35 = tpu.memref_squeeze %dma_start3A_34 : memref<1x640x128xf32, #tpu.memory_space<hbm>> -> memref<640x128xf32, #tpu.memory_space<hbm>>
        tpu.enqueue_dma source(%dma_start3A_35 : memref<640x128xf32, #tpu.memory_space<hbm>>) target(%dma_start3A_32 : memref<640x128xf32, #tpu.memory_space<vmem_shared>>) target_semaphore(%run_scoped3A : memref<!tpu.dma_semaphore, #tpu.memory_space<semaphore_mem>>)
        %dma_wait3A = arith.constant 0 : i32
        %dma_wait3A_36 = tpu.memref_slice %arg9[%mul3A_30, %dma_wait3A] : memref<10000x128xf32, #tpu.memory_space<vmem_shared>> -> memref<640x128xf32, #tpu.memory_space<vmem_shared>>
        %dma_wait3A_37 = arith.constant 0 : i32
        %dma_wait3A_38 = tpu.memref_slice %arg4[%arg0, %mul3A_28, %dma_wait3A_37] : memref<2x10000x128xf32, #tpu.memory_space<hbm>> -> memref<1x640x128xf32, #tpu.memory_space<hbm>>
        %dma_wait3A_39 = tpu.memref_squeeze %dma_wait3A_38 : memref<1x640x128xf32, #tpu.memory_space<hbm>> -> memref<640x128xf32, #tpu.memory_space<hbm>>
        tpu.wait_dma2 semaphore(%run_scoped3A : memref<!tpu.dma_semaphore, #tpu.memory_space<semaphore_mem>>) src(%dma_wait3A_39 : memref<640x128xf32, #tpu.memory_space<hbm>>) dst(%dma_wait3A_36 : memref<640x128xf32, #tpu.memory_space<vmem_shared>>)
        tpu.yield
      }) : () -> ()
    } else {
    }
    %eq3A = arith.constant 15 : i32
    %eq3A_3 = arith.cmpi eq, %arg1, %eq3A : i32
    %convert_element_type3A_4 = arith.extui %eq3A_3 : i1 to i32
    %cond3A_5 = arith.constant 0 : i32
    %cond3A_6 = arith.cmpi ne, %convert_element_type3A_4, %cond3A_5 : i32
    scf.if %cond3A_6 {
      "tpu.region"() ({
        %run_scoped3A = tpu.sem_alloc : memref<!tpu.dma_semaphore, #tpu.memory_space<semaphore_mem>>
        %dma_start3A_27 = arith.constant 9600 : i32
        %dma_start3A_28 = arith.constant 0 : i32
        %dma_start3A_29 = tpu.memref_slice %arg9[%dma_start3A_27, %dma_start3A_28] : memref<10000x128xf32, #tpu.memory_space<vmem_shared>> -> memref<400x128xf32, #tpu.memory_space<vmem_shared>>
        %dma_start3A_30 = arith.constant 9600 : i32
        %dma_start3A_31 = arith.constant 0 : i32
        %dma_start3A_32 = tpu.memref_slice %arg4[%arg0, %dma_start3A_30, %dma_start3A_31] : memref<2x10000x128xf32, #tpu.memory_space<hbm>> -> memref<1x400x128xf32, #tpu.memory_space<hbm>>
        %dma_start3A_33 = tpu.memref_squeeze %dma_start3A_32 : memref<1x400x128xf32, #tpu.memory_space<hbm>> -> memref<400x128xf32, #tpu.memory_space<hbm>>
        tpu.enqueue_dma source(%dma_start3A_33 : memref<400x128xf32, #tpu.memory_space<hbm>>) target(%dma_start3A_29 : memref<400x128xf32, #tpu.memory_space<vmem_shared>>) target_semaphore(%run_scoped3A : memref<!tpu.dma_semaphore, #tpu.memory_space<semaphore_mem>>)
        %dma_wait3A = arith.constant 9600 : i32
        %dma_wait3A_34 = arith.constant 0 : i32
        %dma_wait3A_35 = tpu.memref_slice %arg9[%dma_wait3A, %dma_wait3A_34] : memref<10000x128xf32, #tpu.memory_space<vmem_shared>> -> memref<400x128xf32, #tpu.memory_space<vmem_shared>>
        %dma_wait3A_36 = arith.constant 9600 : i32
        %dma_wait3A_37 = arith.constant 0 : i32
        %dma_wait3A_38 = tpu.memref_slice %arg4[%arg0, %dma_wait3A_36, %dma_wait3A_37] : memref<2x10000x128xf32, #tpu.memory_space<hbm>> -> memref<1x400x128xf32, #tpu.memory_space<hbm>>
        %dma_wait3A_39 = tpu.memref_squeeze %dma_wait3A_38 : memref<1x400x128xf32, #tpu.memory_space<hbm>> -> memref<400x128xf32, #tpu.memory_space<hbm>>
        tpu.wait_dma2 semaphore(%run_scoped3A : memref<!tpu.dma_semaphore, #tpu.memory_space<semaphore_mem>>) src(%dma_wait3A_39 : memref<400x128xf32, #tpu.memory_space<hbm>>) dst(%dma_wait3A_35 : memref<400x128xf32, #tpu.memory_space<vmem_shared>>)
        tpu.yield
      }) : () -> ()
    } else {
    }
    "tpu.region"() ({
      %run_scoped3A = tpu.sem_alloc : memref<!tpu.dma_semaphore, #tpu.memory_space<semaphore_mem>>
      %dma_start3A_27 = arith.constant 0 : i32
      %dma_start3A_28 = arith.constant 0 : i32
      %dma_start3A_29 = tpu.memref_slice %arg3[%add3A, %dma_start3A_27, %dma_start3A_28] : memref<32x25x80xi32, #tpu.memory_space<hbm>> -> memref<1x25x80xi32, #tpu.memory_space<hbm>>
      %dma_start3A_30 = tpu.memref_squeeze %dma_start3A_29 : memref<1x25x80xi32, #tpu.memory_space<hbm>> -> memref<25x80xi32, #tpu.memory_space<hbm>>
      %dma_start3A_31 = arith.constant 0 : i32
      %dma_start3A_32 = arith.constant 0 : i32
      %dma_start3A_33 = tpu.memref_slice %arg3[%add3A, %dma_start3A_31, %dma_start3A_32] : memref<32x25x80xi32, #tpu.memory_space<hbm>> -> memref<1x25x80xi32, #tpu.memory_space<hbm>>
      %dma_start3A_34 = tpu.memref_squeeze %dma_start3A_33 : memref<1x25x80xi32, #tpu.memory_space<hbm>> -> memref<25x80xi32, #tpu.memory_space<hbm>>
      tpu.enqueue_dma source(%dma_start3A_34 : memref<25x80xi32, #tpu.memory_space<hbm>>) target(%arg6 : memref<25x80xi32, #tpu.memory_space<vmem>>) target_semaphore(%run_scoped3A : memref<!tpu.dma_semaphore, #tpu.memory_space<semaphore_mem>>)
      %dma_wait3A = arith.constant 0 : i32
      %dma_wait3A_35 = arith.constant 0 : i32
      %dma_wait3A_36 = tpu.memref_slice %arg3[%add3A, %dma_wait3A, %dma_wait3A_35] : memref<32x25x80xi32, #tpu.memory_space<hbm>> -> memref<1x25x80xi32, #tpu.memory_space<hbm>>
      %dma_wait3A_37 = tpu.memref_squeeze %dma_wait3A_36 : memref<1x25x80xi32, #tpu.memory_space<hbm>> -> memref<25x80xi32, #tpu.memory_space<hbm>>
      %dma_wait3A_38 = arith.constant 0 : i32
      %dma_wait3A_39 = arith.constant 0 : i32
      %dma_wait3A_40 = tpu.memref_slice %arg3[%add3A, %dma_wait3A_38, %dma_wait3A_39] : memref<32x25x80xi32, #tpu.memory_space<hbm>> -> memref<1x25x80xi32, #tpu.memory_space<hbm>>
      %dma_wait3A_41 = tpu.memref_squeeze %dma_wait3A_40 : memref<1x25x80xi32, #tpu.memory_space<hbm>> -> memref<25x80xi32, #tpu.memory_space<hbm>>
      tpu.wait_dma2 semaphore(%run_scoped3A : memref<!tpu.dma_semaphore, #tpu.memory_space<semaphore_mem>>) src(%dma_wait3A_41 : memref<25x80xi32, #tpu.memory_space<hbm>>) dst(%arg6 : memref<25x80xi32, #tpu.memory_space<vmem>>)
      tpu.yield
    }) : () -> ()
    %barrier3A = arith.constant 0 : index
    tpu.barrier barrier_id(%barrier3A)
    %mul3A_7 = arith.constant 2000 : i32
    %mul3A_8 = arith.muli %add3A, %mul3A_7 : i32
    %dma_start3A = arith.constant 0 : i32
    %dma_start3A_9 = tpu.memref_slice %arg2[%mul3A_8, %dma_start3A] : memref<64000x128xf32, #tpu.memory_space<hbm>> -> memref<80x128xf32, #tpu.memory_space<hbm>>
    %dma_start3A_10 = arith.constant 0 : i32
    %dma_start3A_11 = tpu.memref_slice %arg2[%mul3A_8, %dma_start3A_10] : memref<64000x128xf32, #tpu.memory_space<hbm>> -> memref<80x128xf32, #tpu.memory_space<hbm>>
    tpu.enqueue_dma source(%dma_start3A_11 : memref<80x128xf32, #tpu.memory_space<hbm>>) target(%arg7 : memref<80x128xf32, #tpu.memory_space<vmem>>) target_semaphore(%arg10 : memref<!tpu.dma_semaphore, #tpu.memory_space<semaphore_mem>>)
    %scan3A = arith.constant 0 : i32
    %scan3A_12 = arith.constant 13 : i32
    %scan3A_13 = arith.addi %scan3A, %scan3A_12 : i32
    %scan3A_14 = arith.constant 1 : i32
    scf.for %scan3A_27 = %scan3A to %scan3A_13 step %scan3A_14  : i32 {
      %mul3A_28 = arith.constant 2 : i32
      %mul3A_29 = arith.muli %scan3A_27, %mul3A_28 : i32
      %add3A_30 = arith.constant 0 : i32
      %add3A_31 = arith.addi %add3A_30, %mul3A_29 : i32
      %mul3A_32 = arith.constant 80 : i32
      %mul3A_33 = arith.muli %add3A_31, %mul3A_32 : i32
      %add3A_34 = arith.addi %mul3A_8, %mul3A_33 : i32
      %multiple_of3A = tpu.assume_multiple %add3A_34, 80 : i32
      %dma_wait3A = arith.constant 0 : i32
      %dma_wait3A_35 = tpu.memref_slice %arg2[%multiple_of3A, %dma_wait3A] : memref<64000x128xf32, #tpu.memory_space<hbm>> -> memref<80x128xf32, #tpu.memory_space<hbm>>
      %dma_wait3A_36 = arith.constant 0 : i32
      %dma_wait3A_37 = tpu.memref_slice %arg2[%multiple_of3A, %dma_wait3A_36] : memref<64000x128xf32, #tpu.memory_space<hbm>> -> memref<80x128xf32, #tpu.memory_space<hbm>>
      tpu.wait_dma2 semaphore(%arg10 : memref<!tpu.dma_semaphore, #tpu.memory_space<semaphore_mem>>) src(%dma_wait3A_37 : memref<80x128xf32, #tpu.memory_space<hbm>>) dst(%arg7 : memref<80x128xf32, #tpu.memory_space<vmem>>)
      %add3A_38 = arith.constant 1 : i32
      %add3A_39 = arith.addi %add3A_31, %add3A_38 : i32
      %lt3A_40 = arith.constant 25 : i32
      %lt3A_41 = arith.cmpi slt, %add3A_39, %lt3A_40 : i32
      %convert_element_type3A_42 = arith.extui %lt3A_41 : i1 to i32
      %cond3A_43 = arith.constant 0 : i32
      %cond3A_44 = arith.cmpi ne, %convert_element_type3A_42, %cond3A_43 : i32
      scf.if %cond3A_44 {
        %add3A_52 = arith.constant 1 : i32
        %add3A_53 = arith.addi %add3A_31, %add3A_52 : i32
        %mul3A_54 = arith.constant 80 : i32
        %mul3A_55 = arith.muli %add3A_53, %mul3A_54 : i32
        %add3A_56 = arith.addi %mul3A_8, %mul3A_55 : i32
        %multiple_of3A_57 = tpu.assume_multiple %add3A_56, 80 : i32
        %dma_start3A_58 = arith.constant 0 : i32
        %dma_start3A_59 = tpu.memref_slice %arg2[%multiple_of3A_57, %dma_start3A_58] : memref<64000x128xf32, #tpu.memory_space<hbm>> -> memref<80x128xf32, #tpu.memory_space<hbm>>
        %dma_start3A_60 = arith.constant 0 : i32
        %dma_start3A_61 = tpu.memref_slice %arg2[%multiple_of3A_57, %dma_start3A_60] : memref<64000x128xf32, #tpu.memory_space<hbm>> -> memref<80x128xf32, #tpu.memory_space<hbm>>
        tpu.enqueue_dma source(%dma_start3A_61 : memref<80x128xf32, #tpu.memory_space<hbm>>) target(%arg8 : memref<80x128xf32, #tpu.memory_space<vmem>>) target_semaphore(%arg11 : memref<!tpu.dma_semaphore, #tpu.memory_space<semaphore_mem>>)
      } else {
      }
      "tpu.region"() ({
        %run_scoped3A = tpu.sem_alloc : memref<!tpu.dma_semaphore, #tpu.memory_space<semaphore_mem>>
        %dma_start3A_52 = arith.constant 0 : i32
        %dma_start3A_53 = tpu.memref_slice %arg6[%add3A_31, %dma_start3A_52] : memref<25x80xi32, #tpu.memory_space<vmem>> -> memref<1x80xi32, #tpu.memory_space<vmem>>
        %dma_start3A_54 = tpu.memref_squeeze %dma_start3A_53 : memref<1x80xi32, #tpu.memory_space<vmem>> -> memref<80xi32, #tpu.memory_space<vmem>>
        %dma_start3A_55 = arith.constant 0 : i32
        %dma_start3A_56 = arith.constant 0 : i32
        %dma_start3A_57 = tpu.memref_slice %arg9[%dma_start3A_55, %dma_start3A_56] : memref<10000x128xf32, #tpu.memory_space<vmem_shared>> -> memref<10000x128xf32, #tpu.memory_space<vmem_shared>>
        tpu.enqueue_indirect_dma source(%arg7 : memref<80x128xf32, #tpu.memory_space<vmem>>) target(%dma_start3A_57 : memref<10000x128xf32, #tpu.memory_space<vmem_shared>>) offsets(%dma_start3A_54 : memref<80xi32, #tpu.memory_space<vmem>>) semaphore(%run_scoped3A : memref<!tpu.dma_semaphore, #tpu.memory_space<semaphore_mem>>) {add = true}
        %dma_wait3A_58 = arith.constant 0 : i32
        %dma_wait3A_59 = tpu.memref_slice %arg6[%add3A_31, %dma_wait3A_58] : memref<25x80xi32, #tpu.memory_space<vmem>> -> memref<1x80xi32, #tpu.memory_space<vmem>>
        %dma_wait3A_60 = tpu.memref_squeeze %dma_wait3A_59 : memref<1x80xi32, #tpu.memory_space<vmem>> -> memref<80xi32, #tpu.memory_space<vmem>>
        %dma_wait3A_61 = arith.constant 0 : i32
        %dma_wait3A_62 = arith.constant 0 : i32
        %dma_wait3A_63 = tpu.memref_slice %arg9[%dma_wait3A_61, %dma_wait3A_62] : memref<10000x128xf32, #tpu.memory_space<vmem_shared>> -> memref<10000x128xf32, #tpu.memory_space<vmem_shared>>
        tpu.wait_indirect_dma semaphore(%run_scoped3A : memref<!tpu.dma_semaphore, #tpu.memory_space<semaphore_mem>>) src(%arg7 : memref<80x128xf32, #tpu.memory_space<vmem>>) dst(%dma_wait3A_63 : memref<10000x128xf32, #tpu.memory_space<vmem_shared>>)
        tpu.yield
      }) : () -> ()
      %add3A_45 = arith.constant 1 : i32
      %add3A_46 = arith.addi %add3A_31, %add3A_45 : i32
      %lt3A_47 = arith.constant 25 : i32
      %lt3A_48 = arith.cmpi slt, %add3A_46, %lt3A_47 : i32
      %convert_element_type3A_49 = arith.extui %lt3A_48 : i1 to i32
      %cond3A_50 = arith.constant 0 : i32
      %cond3A_51 = arith.cmpi ne, %convert_element_type3A_49, %cond3A_50 : i32
      scf.if %cond3A_51 {
        %add3A_52 = arith.constant 1 : i32
        %add3A_53 = arith.addi %add3A_31, %add3A_52 : i32
        %mul3A_54 = arith.constant 80 : i32
        %mul3A_55 = arith.muli %add3A_53, %mul3A_54 : i32
        %add3A_56 = arith.addi %mul3A_8, %mul3A_55 : i32
        %multiple_of3A_57 = tpu.assume_multiple %add3A_56, 80 : i32
        %dma_wait3A_58 = arith.constant 0 : i32
        %dma_wait3A_59 = tpu.memref_slice %arg2[%multiple_of3A_57, %dma_wait3A_58] : memref<64000x128xf32, #tpu.memory_space<hbm>> -> memref<80x128xf32, #tpu.memory_space<hbm>>
        %dma_wait3A_60 = arith.constant 0 : i32
        %dma_wait3A_61 = tpu.memref_slice %arg2[%multiple_of3A_57, %dma_wait3A_60] : memref<64000x128xf32, #tpu.memory_space<hbm>> -> memref<80x128xf32, #tpu.memory_space<hbm>>
        tpu.wait_dma2 semaphore(%arg11 : memref<!tpu.dma_semaphore, #tpu.memory_space<semaphore_mem>>) src(%dma_wait3A_61 : memref<80x128xf32, #tpu.memory_space<hbm>>) dst(%arg8 : memref<80x128xf32, #tpu.memory_space<vmem>>)
        %add3A_62 = arith.constant 2 : i32
        %add3A_63 = arith.addi %add3A_31, %add3A_62 : i32
        %lt3A_64 = arith.constant 25 : i32
        %lt3A_65 = arith.cmpi slt, %add3A_63, %lt3A_64 : i32
        %convert_element_type3A_66 = arith.extui %lt3A_65 : i1 to i32
        %cond3A_67 = arith.constant 0 : i32
        %cond3A_68 = arith.cmpi ne, %convert_element_type3A_66, %cond3A_67 : i32
        scf.if %cond3A_68 {
          %add3A_71 = arith.constant 2 : i32
          %add3A_72 = arith.addi %add3A_31, %add3A_71 : i32
          %mul3A_73 = arith.constant 80 : i32
          %mul3A_74 = arith.muli %add3A_72, %mul3A_73 : i32
          %add3A_75 = arith.addi %mul3A_8, %mul3A_74 : i32
          %multiple_of3A_76 = tpu.assume_multiple %add3A_75, 80 : i32
          %dma_start3A_77 = arith.constant 0 : i32
          %dma_start3A_78 = tpu.memref_slice %arg2[%multiple_of3A_76, %dma_start3A_77] : memref<64000x128xf32, #tpu.memory_space<hbm>> -> memref<80x128xf32, #tpu.memory_space<hbm>>
          %dma_start3A_79 = arith.constant 0 : i32
          %dma_start3A_80 = tpu.memref_slice %arg2[%multiple_of3A_76, %dma_start3A_79] : memref<64000x128xf32, #tpu.memory_space<hbm>> -> memref<80x128xf32, #tpu.memory_space<hbm>>
          tpu.enqueue_dma source(%dma_start3A_80 : memref<80x128xf32, #tpu.memory_space<hbm>>) target(%arg7 : memref<80x128xf32, #tpu.memory_space<vmem>>) target_semaphore(%arg10 : memref<!tpu.dma_semaphore, #tpu.memory_space<semaphore_mem>>)
        } else {
        }
        %add3A_69 = arith.constant 1 : i32
        %add3A_70 = arith.addi %add3A_31, %add3A_69 : i32
        "tpu.region"() ({
          %run_scoped3A = tpu.sem_alloc : memref<!tpu.dma_semaphore, #tpu.memory_space<semaphore_mem>>
          %dma_start3A_71 = arith.constant 0 : i32
          %dma_start3A_72 = tpu.memref_slice %arg6[%add3A_70, %dma_start3A_71] : memref<25x80xi32, #tpu.memory_space<vmem>> -> memref<1x80xi32, #tpu.memory_space<vmem>>
          %dma_start3A_73 = tpu.memref_squeeze %dma_start3A_72 : memref<1x80xi32, #tpu.memory_space<vmem>> -> memref<80xi32, #tpu.memory_space<vmem>>
          %dma_start3A_74 = arith.constant 0 : i32
          %dma_start3A_75 = arith.constant 0 : i32
          %dma_start3A_76 = tpu.memref_slice %arg9[%dma_start3A_74, %dma_start3A_75] : memref<10000x128xf32, #tpu.memory_space<vmem_shared>> -> memref<10000x128xf32, #tpu.memory_space<vmem_shared>>
          tpu.enqueue_indirect_dma source(%arg8 : memref<80x128xf32, #tpu.memory_space<vmem>>) target(%dma_start3A_76 : memref<10000x128xf32, #tpu.memory_space<vmem_shared>>) offsets(%dma_start3A_73 : memref<80xi32, #tpu.memory_space<vmem>>) semaphore(%run_scoped3A : memref<!tpu.dma_semaphore, #tpu.memory_space<semaphore_mem>>) {add = true}
          %dma_wait3A_77 = arith.constant 0 : i32
          %dma_wait3A_78 = tpu.memref_slice %arg6[%add3A_70, %dma_wait3A_77] : memref<25x80xi32, #tpu.memory_space<vmem>> -> memref<1x80xi32, #tpu.memory_space<vmem>>
          %dma_wait3A_79 = tpu.memref_squeeze %dma_wait3A_78 : memref<1x80xi32, #tpu.memory_space<vmem>> -> memref<80xi32, #tpu.memory_space<vmem>>
          %dma_wait3A_80 = arith.constant 0 : i32
          %dma_wait3A_81 = arith.constant 0 : i32
          %dma_wait3A_82 = tpu.memref_slice %arg9[%dma_wait3A_80, %dma_wait3A_81] : memref<10000x128xf32, #tpu.memory_space<vmem_shared>> -> memref<10000x128xf32, #tpu.memory_space<vmem_shared>>
          tpu.wait_indirect_dma semaphore(%run_scoped3A : memref<!tpu.dma_semaphore, #tpu.memory_space<semaphore_mem>>) src(%arg8 : memref<80x128xf32, #tpu.memory_space<vmem>>) dst(%dma_wait3A_82 : memref<10000x128xf32, #tpu.memory_space<vmem_shared>>)
          tpu.yield
        }) : () -> ()
      } else {
      }
    }
    %scan3A_15 = arith.constant 13 : i32
    %barrier3A_16 = arith.constant 0 : index
    tpu.barrier barrier_id(%barrier3A_16)
    %lt3A_17 = arith.constant 15 : i32
    %lt3A_18 = arith.cmpi slt, %arg1, %lt3A_17 : i32
    %convert_element_type3A_19 = arith.extui %lt3A_18 : i1 to i32
    %cond3A_20 = arith.constant 0 : i32
    %cond3A_21 = arith.cmpi ne, %convert_element_type3A_19, %cond3A_20 : i32
    scf.if %cond3A_21 {
      %mul3A_27 = arith.constant 640 : i32
      %mul3A_28 = arith.muli %arg1, %mul3A_27 : i32
      %mul3A_29 = arith.constant 640 : i32
      %mul3A_30 = arith.muli %arg1, %mul3A_29 : i32
      "tpu.region"() ({
        %run_scoped3A = tpu.sem_alloc : memref<!tpu.dma_semaphore, #tpu.memory_space<semaphore_mem>>
        %dma_start3A_31 = arith.constant 0 : i32
        %dma_start3A_32 = tpu.memref_slice %arg5[%arg0, %mul3A_30, %dma_start3A_31] : memref<2x10000x128xf32, #tpu.memory_space<hbm>> -> memref<1x640x128xf32, #tpu.memory_space<hbm>>
        %dma_start3A_33 = tpu.memref_squeeze %dma_start3A_32 : memref<1x640x128xf32, #tpu.memory_space<hbm>> -> memref<640x128xf32, #tpu.memory_space<hbm>>
        %dma_start3A_34 = arith.constant 0 : i32
        %dma_start3A_35 = tpu.memref_slice %arg9[%mul3A_28, %dma_start3A_34] : memref<10000x128xf32, #tpu.memory_space<vmem_shared>> -> memref<640x128xf32, #tpu.memory_space<vmem_shared>>
        tpu.enqueue_dma source(%dma_start3A_35 : memref<640x128xf32, #tpu.memory_space<vmem_shared>>) target(%dma_start3A_33 : memref<640x128xf32, #tpu.memory_space<hbm>>) target_semaphore(%run_scoped3A : memref<!tpu.dma_semaphore, #tpu.memory_space<semaphore_mem>>)
        %dma_wait3A = arith.constant 0 : i32
        %dma_wait3A_36 = tpu.memref_slice %arg5[%arg0, %mul3A_30, %dma_wait3A] : memref<2x10000x128xf32, #tpu.memory_space<hbm>> -> memref<1x640x128xf32, #tpu.memory_space<hbm>>
        %dma_wait3A_37 = tpu.memref_squeeze %dma_wait3A_36 : memref<1x640x128xf32, #tpu.memory_space<hbm>> -> memref<640x128xf32, #tpu.memory_space<hbm>>
        %dma_wait3A_38 = arith.constant 0 : i32
        %dma_wait3A_39 = tpu.memref_slice %arg9[%mul3A_28, %dma_wait3A_38] : memref<10000x128xf32, #tpu.memory_space<vmem_shared>> -> memref<640x128xf32, #tpu.memory_space<vmem_shared>>
        tpu.wait_dma2 semaphore(%run_scoped3A : memref<!tpu.dma_semaphore, #tpu.memory_space<semaphore_mem>>) src(%dma_wait3A_39 : memref<640x128xf32, #tpu.memory_space<vmem_shared>>) dst(%dma_wait3A_37 : memref<640x128xf32, #tpu.memory_space<hbm>>)
        tpu.yield
      }) : () -> ()
    } else {
    }
    %eq3A_22 = arith.constant 15 : i32
    %eq3A_23 = arith.cmpi eq, %arg1, %eq3A_22 : i32
    %convert_element_type3A_24 = arith.extui %eq3A_23 : i1 to i32
    %cond3A_25 = arith.constant 0 : i32
    %cond3A_26 = arith.cmpi ne, %convert_element_type3A_24, %cond3A_25 : i32
    scf.if %cond3A_26 {
      "tpu.region"() ({
        %run_scoped3A = tpu.sem_alloc : memref<!tpu.dma_semaphore, #tpu.memory_space<semaphore_mem>>
        %dma_start3A_27 = arith.constant 9600 : i32
        %dma_start3A_28 = arith.constant 0 : i32
        %dma_start3A_29 = tpu.memref_slice %arg5[%arg0, %dma_start3A_27, %dma_start3A_28] : memref<2x10000x128xf32, #tpu.memory_space<hbm>> -> memref<1x400x128xf32, #tpu.memory_space<hbm>>
        %dma_start3A_30 = tpu.memref_squeeze %dma_start3A_29 : memref<1x400x128xf32, #tpu.memory_space<hbm>> -> memref<400x128xf32, #tpu.memory_space<hbm>>
        %dma_start3A_31 = arith.constant 9600 : i32
        %dma_start3A_32 = arith.constant 0 : i32
        %dma_start3A_33 = tpu.memref_slice %arg9[%dma_start3A_31, %dma_start3A_32] : memref<10000x128xf32, #tpu.memory_space<vmem_shared>> -> memref<400x128xf32, #tpu.memory_space<vmem_shared>>
        tpu.enqueue_dma source(%dma_start3A_33 : memref<400x128xf32, #tpu.memory_space<vmem_shared>>) target(%dma_start3A_30 : memref<400x128xf32, #tpu.memory_space<hbm>>) target_semaphore(%run_scoped3A : memref<!tpu.dma_semaphore, #tpu.memory_space<semaphore_mem>>)
        %dma_wait3A = arith.constant 9600 : i32
        %dma_wait3A_34 = arith.constant 0 : i32
        %dma_wait3A_35 = tpu.memref_slice %arg5[%arg0, %dma_wait3A, %dma_wait3A_34] : memref<2x10000x128xf32, #tpu.memory_space<hbm>> -> memref<1x400x128xf32, #tpu.memory_space<hbm>>
        %dma_wait3A_36 = tpu.memref_squeeze %dma_wait3A_35 : memref<1x400x128xf32, #tpu.memory_space<hbm>> -> memref<400x128xf32, #tpu.memory_space<hbm>>
        %dma_wait3A_37 = arith.constant 9600 : i32
        %dma_wait3A_38 = arith.constant 0 : i32
        %dma_wait3A_39 = tpu.memref_slice %arg9[%dma_wait3A_37, %dma_wait3A_38] : memref<10000x128xf32, #tpu.memory_space<vmem_shared>> -> memref<400x128xf32, #tpu.memory_space<vmem_shared>>
        tpu.wait_dma2 semaphore(%run_scoped3A : memref<!tpu.dma_semaphore, #tpu.memory_space<semaphore_mem>>) src(%dma_wait3A_39 : memref<400x128xf32, #tpu.memory_space<vmem_shared>>) dst(%dma_wait3A_36 : memref<400x128xf32, #tpu.memory_space<hbm>>)
        tpu.yield
      }) : () -> ()
    } else {
    }
    return
  }
}

#map = affine_map<(d0, d1) -> (0, 0)>
#map1 = affine_map<(d0, d1) -> (0, 0, 0)>
module attributes {stable_mosaic.version = 14 : i64} {
  func.func @_scatter_body(%arg0: i32, %arg1: i32, %arg2: memref<64000x128xf32, #tpu.memory_space<hbm>>, %arg3: memref<32x25x80xi32, #tpu.memory_space<hbm>>, %arg4: memref<2x10000x128xf32, #tpu.memory_space<hbm>>, %arg5: memref<2x10000x128xf32, #tpu.memory_space<hbm>>, %arg6: memref<25x80xi32, #tpu.memory_space<vmem>>, %arg7: memref<80x128xf32, #tpu.memory_space<vmem>>, %arg8: memref<80x128xf32, #tpu.memory_space<vmem>>, %arg9: memref<10000x128xf32, #tpu.memory_space<vmem_shared>>, %arg10: memref<!tpu.dma_semaphore, #tpu.memory_space<semaphore_mem>>, %arg11: memref<!tpu.dma_semaphore, #tpu.memory_space<semaphore_mem>>) attributes {dimension_semantics = [#tpu.dimension_semantics<core_parallel>, #tpu.dimension_semantics<subcore_parallel>], iteration_bounds = array<i64: 2, 16>, scalar_prefetch = 0 : i64, scratch_operands = 6 : i64, tpu.core_type = #tpu.core_type<sc_vector_subcore>, window_params = [{transform_indices = #map}, {transform_indices = #map1}, {transform_indices = #map1}, {transform_indices = #map1}]} {
    %mul3A = arith.constant 2 : i32
    %mul3A_0 = arith.muli %arg1, %mul3A : i32
    %add3A = arith.addi %mul3A_0, %arg0 : i32
    %lt3A = arith.constant 15 : i32
    %lt3A_1 = arith.cmpi slt, %arg1, %lt3A : i32
    %convert_element_type3A = arith.extui %lt3A_1 : i1 to i32
    %cond3A = arith.constant 0 : i32
    %cond3A_2 = arith.cmpi ne, %convert_element_type3A, %cond3A : i32
    scf.if %cond3A_2 {
      %mul3A_27 = arith.constant 640 : i32
      %mul3A_28 = arith.muli %arg1, %mul3A_27 : i32
      %mul3A_29 = arith.constant 640 : i32
      %mul3A_30 = arith.muli %arg1, %mul3A_29 : i32
      "tpu.region"() ({
        %run_scoped3A = tpu.sem_alloc : memref<!tpu.dma_semaphore, #tpu.memory_space<semaphore_mem>>
        %dma_start3A_31 = arith.constant 0 : i32
        %dma_start3A_32 = tpu.memref_slice %arg9[%mul3A_30, %dma_start3A_31] : memref<10000x128xf32, #tpu.memory_space<vmem_shared>> -> memref<640x128xf32, #tpu.memory_space<vmem_shared>>
        %dma_start3A_33 = arith.constant 0 : i32
        %dma_start3A_34 = tpu.memref_slice %arg4[%arg0, %mul3A_28, %dma_start3A_33] : memref<2x10000x128xf32, #tpu.memory_space<hbm>> -> memref<1x640x128xf32, #tpu.memory_space<hbm>>
        %dma_start3A_35 = tpu.memref_squeeze %dma_start3A_34 : memref<1x640x128xf32, #tpu.memory_space<hbm>> -> memref<640x128xf32, #tpu.memory_space<hbm>>
        tpu.enqueue_dma source(%dma_start3A_35 : memref<640x128xf32, #tpu.memory_space<hbm>>) target(%dma_start3A_32 : memref<640x128xf32, #tpu.memory_space<vmem_shared>>) target_semaphore(%run_scoped3A : memref<!tpu.dma_semaphore, #tpu.memory_space<semaphore_mem>>)
        %dma_wait3A = arith.constant 0 : i32
        %dma_wait3A_36 = tpu.memref_slice %arg9[%mul3A_30, %dma_wait3A] : memref<10000x128xf32, #tpu.memory_space<vmem_shared>> -> memref<640x128xf32, #tpu.memory_space<vmem_shared>>
        %dma_wait3A_37 = arith.constant 0 : i32
        %dma_wait3A_38 = tpu.memref_slice %arg4[%arg0, %mul3A_28, %dma_wait3A_37] : memref<2x10000x128xf32, #tpu.memory_space<hbm>> -> memref<1x640x128xf32, #tpu.memory_space<hbm>>
        %dma_wait3A_39 = tpu.memref_squeeze %dma_wait3A_38 : memref<1x640x128xf32, #tpu.memory_space<hbm>> -> memref<640x128xf32, #tpu.memory_space<hbm>>
        tpu.wait_dma2 semaphore(%run_scoped3A : memref<!tpu.dma_semaphore, #tpu.memory_space<semaphore_mem>>) src(%dma_wait3A_39 : memref<640x128xf32, #tpu.memory_space<hbm>>) dst(%dma_wait3A_36 : memref<640x128xf32, #tpu.memory_space<vmem_shared>>)
        tpu.yield
      }) : () -> ()
    } else {
    }
    %eq3A = arith.constant 15 : i32
    %eq3A_3 = arith.cmpi eq, %arg1, %eq3A : i32
    %convert_element_type3A_4 = arith.extui %eq3A_3 : i1 to i32
    %cond3A_5 = arith.constant 0 : i32
    %cond3A_6 = arith.cmpi ne, %convert_element_type3A_4, %cond3A_5 : i32
    scf.if %cond3A_6 {
      "tpu.region"() ({
        %run_scoped3A = tpu.sem_alloc : memref<!tpu.dma_semaphore, #tpu.memory_space<semaphore_mem>>
        %dma_start3A_27 = arith.constant 9600 : i32
        %dma_start3A_28 = arith.constant 0 : i32
        %dma_start3A_29 = tpu.memref_slice %arg9[%dma_start3A_27, %dma_start3A_28] : memref<10000x128xf32, #tpu.memory_space<vmem_shared>> -> memref<400x128xf32, #tpu.memory_space<vmem_shared>>
        %dma_start3A_30 = arith.constant 9600 : i32
        %dma_start3A_31 = arith.constant 0 : i32
        %dma_start3A_32 = tpu.memref_slice %arg4[%arg0, %dma_start3A_30, %dma_start3A_31] : memref<2x10000x128xf32, #tpu.memory_space<hbm>> -> memref<1x400x128xf32, #tpu.memory_space<hbm>>
        %dma_start3A_33 = tpu.memref_squeeze %dma_start3A_32 : memref<1x400x128xf32, #tpu.memory_space<hbm>> -> memref<400x128xf32, #tpu.memory_space<hbm>>
        tpu.enqueue_dma source(%dma_start3A_33 : memref<400x128xf32, #tpu.memory_space<hbm>>) target(%dma_start3A_29 : memref<400x128xf32, #tpu.memory_space<vmem_shared>>) target_semaphore(%run_scoped3A : memref<!tpu.dma_semaphore, #tpu.memory_space<semaphore_mem>>)
        %dma_wait3A = arith.constant 9600 : i32
        %dma_wait3A_34 = arith.constant 0 : i32
        %dma_wait3A_35 = tpu.memref_slice %arg9[%dma_wait3A, %dma_wait3A_34] : memref<10000x128xf32, #tpu.memory_space<vmem_shared>> -> memref<400x128xf32, #tpu.memory_space<vmem_shared>>
        %dma_wait3A_36 = arith.constant 9600 : i32
        %dma_wait3A_37 = arith.constant 0 : i32
        %dma_wait3A_38 = tpu.memref_slice %arg4[%arg0, %dma_wait3A_36, %dma_wait3A_37] : memref<2x10000x128xf32, #tpu.memory_space<hbm>> -> memref<1x400x128xf32, #tpu.memory_space<hbm>>
        %dma_wait3A_39 = tpu.memref_squeeze %dma_wait3A_38 : memref<1x400x128xf32, #tpu.memory_space<hbm>> -> memref<400x128xf32, #tpu.memory_space<hbm>>
        tpu.wait_dma2 semaphore(%run_scoped3A : memref<!tpu.dma_semaphore, #tpu.memory_space<semaphore_mem>>) src(%dma_wait3A_39 : memref<400x128xf32, #tpu.memory_space<hbm>>) dst(%dma_wait3A_35 : memref<400x128xf32, #tpu.memory_space<vmem_shared>>)
        tpu.yield
      }) : () -> ()
    } else {
    }
    "tpu.region"() ({
      %run_scoped3A = tpu.sem_alloc : memref<!tpu.dma_semaphore, #tpu.memory_space<semaphore_mem>>
      %dma_start3A_27 = arith.constant 0 : i32
      %dma_start3A_28 = arith.constant 0 : i32
      %dma_start3A_29 = tpu.memref_slice %arg3[%add3A, %dma_start3A_27, %dma_start3A_28] : memref<32x25x80xi32, #tpu.memory_space<hbm>> -> memref<1x25x80xi32, #tpu.memory_space<hbm>>
      %dma_start3A_30 = tpu.memref_squeeze %dma_start3A_29 : memref<1x25x80xi32, #tpu.memory_space<hbm>> -> memref<25x80xi32, #tpu.memory_space<hbm>>
      %dma_start3A_31 = arith.constant 0 : i32
      %dma_start3A_32 = arith.constant 0 : i32
      %dma_start3A_33 = tpu.memref_slice %arg3[%add3A, %dma_start3A_31, %dma_start3A_32] : memref<32x25x80xi32, #tpu.memory_space<hbm>> -> memref<1x25x80xi32, #tpu.memory_space<hbm>>
      %dma_start3A_34 = tpu.memref_squeeze %dma_start3A_33 : memref<1x25x80xi32, #tpu.memory_space<hbm>> -> memref<25x80xi32, #tpu.memory_space<hbm>>
      tpu.enqueue_dma source(%dma_start3A_34 : memref<25x80xi32, #tpu.memory_space<hbm>>) target(%arg6 : memref<25x80xi32, #tpu.memory_space<vmem>>) target_semaphore(%run_scoped3A : memref<!tpu.dma_semaphore, #tpu.memory_space<semaphore_mem>>)
      %dma_wait3A = arith.constant 0 : i32
      %dma_wait3A_35 = arith.constant 0 : i32
      %dma_wait3A_36 = tpu.memref_slice %arg3[%add3A, %dma_wait3A, %dma_wait3A_35] : memref<32x25x80xi32, #tpu.memory_space<hbm>> -> memref<1x25x80xi32, #tpu.memory_space<hbm>>
      %dma_wait3A_37 = tpu.memref_squeeze %dma_wait3A_36 : memref<1x25x80xi32, #tpu.memory_space<hbm>> -> memref<25x80xi32, #tpu.memory_space<hbm>>
      %dma_wait3A_38 = arith.constant 0 : i32
      %dma_wait3A_39 = arith.constant 0 : i32
      %dma_wait3A_40 = tpu.memref_slice %arg3[%add3A, %dma_wait3A_38, %dma_wait3A_39] : memref<32x25x80xi32, #tpu.memory_space<hbm>> -> memref<1x25x80xi32, #tpu.memory_space<hbm>>
      %dma_wait3A_41 = tpu.memref_squeeze %dma_wait3A_40 : memref<1x25x80xi32, #tpu.memory_space<hbm>> -> memref<25x80xi32, #tpu.memory_space<hbm>>
      tpu.wait_dma2 semaphore(%run_scoped3A : memref<!tpu.dma_semaphore, #tpu.memory_space<semaphore_mem>>) src(%dma_wait3A_41 : memref<25x80xi32, #tpu.memory_space<hbm>>) dst(%arg6 : memref<25x80xi32, #tpu.memory_space<vmem>>)
      tpu.yield
    }) : () -> ()
    %barrier3A = arith.constant 0 : index
    tpu.barrier barrier_id(%barrier3A)
    %mul3A_7 = arith.constant 2000 : i32
    %mul3A_8 = arith.muli %add3A, %mul3A_7 : i32
    %dma_start3A = arith.constant 0 : i32
    %dma_start3A_9 = tpu.memref_slice %arg2[%mul3A_8, %dma_start3A] : memref<64000x128xf32, #tpu.memory_space<hbm>> -> memref<80x128xf32, #tpu.memory_space<hbm>>
    %dma_start3A_10 = arith.constant 0 : i32
    %dma_start3A_11 = tpu.memref_slice %arg2[%mul3A_8, %dma_start3A_10] : memref<64000x128xf32, #tpu.memory_space<hbm>> -> memref<80x128xf32, #tpu.memory_space<hbm>>
    tpu.enqueue_dma source(%dma_start3A_11 : memref<80x128xf32, #tpu.memory_space<hbm>>) target(%arg7 : memref<80x128xf32, #tpu.memory_space<vmem>>) target_semaphore(%arg10 : memref<!tpu.dma_semaphore, #tpu.memory_space<semaphore_mem>>)
    %scan3A = arith.constant 0 : i32
    %scan3A_12 = arith.constant 13 : i32
    %scan3A_13 = arith.addi %scan3A, %scan3A_12 : i32
    %scan3A_14 = arith.constant 1 : i32
    scf.for %scan3A_27 = %scan3A to %scan3A_13 step %scan3A_14  : i32 {
      %mul3A_28 = arith.constant 2 : i32
      %mul3A_29 = arith.muli %scan3A_27, %mul3A_28 : i32
      %add3A_30 = arith.constant 0 : i32
      %add3A_31 = arith.addi %add3A_30, %mul3A_29 : i32
      %mul3A_32 = arith.constant 80 : i32
      %mul3A_33 = arith.muli %add3A_31, %mul3A_32 : i32
      %add3A_34 = arith.addi %mul3A_8, %mul3A_33 : i32
      %multiple_of3A = tpu.assume_multiple %add3A_34, 80 : i32
      %dma_wait3A = arith.constant 0 : i32
      %dma_wait3A_35 = tpu.memref_slice %arg2[%multiple_of3A, %dma_wait3A] : memref<64000x128xf32, #tpu.memory_space<hbm>> -> memref<80x128xf32, #tpu.memory_space<hbm>>
      %dma_wait3A_36 = arith.constant 0 : i32
      %dma_wait3A_37 = tpu.memref_slice %arg2[%multiple_of3A, %dma_wait3A_36] : memref<64000x128xf32, #tpu.memory_space<hbm>> -> memref<80x128xf32, #tpu.memory_space<hbm>>
      tpu.wait_dma2 semaphore(%arg10 : memref<!tpu.dma_semaphore, #tpu.memory_space<semaphore_mem>>) src(%dma_wait3A_37 : memref<80x128xf32, #tpu.memory_space<hbm>>) dst(%arg7 : memref<80x128xf32, #tpu.memory_space<vmem>>)
      %add3A_38 = arith.constant 1 : i32
      %add3A_39 = arith.addi %add3A_31, %add3A_38 : i32
      %lt3A_40 = arith.constant 25 : i32
      %lt3A_41 = arith.cmpi slt, %add3A_39, %lt3A_40 : i32
      %convert_element_type3A_42 = arith.extui %lt3A_41 : i1 to i32
      %cond3A_43 = arith.constant 0 : i32
      %cond3A_44 = arith.cmpi ne, %convert_element_type3A_42, %cond3A_43 : i32
      scf.if %cond3A_44 {
        %add3A_52 = arith.constant 1 : i32
        %add3A_53 = arith.addi %add3A_31, %add3A_52 : i32
        %mul3A_54 = arith.constant 80 : i32
        %mul3A_55 = arith.muli %add3A_53, %mul3A_54 : i32
        %add3A_56 = arith.addi %mul3A_8, %mul3A_55 : i32
        %multiple_of3A_57 = tpu.assume_multiple %add3A_56, 80 : i32
        %dma_start3A_58 = arith.constant 0 : i32
        %dma_start3A_59 = tpu.memref_slice %arg2[%multiple_of3A_57, %dma_start3A_58] : memref<64000x128xf32, #tpu.memory_space<hbm>> -> memref<80x128xf32, #tpu.memory_space<hbm>>
        %dma_start3A_60 = arith.constant 0 : i32
        %dma_start3A_61 = tpu.memref_slice %arg2[%multiple_of3A_57, %dma_start3A_60] : memref<64000x128xf32, #tpu.memory_space<hbm>> -> memref<80x128xf32, #tpu.memory_space<hbm>>
        tpu.enqueue_dma source(%dma_start3A_61 : memref<80x128xf32, #tpu.memory_space<hbm>>) target(%arg8 : memref<80x128xf32, #tpu.memory_space<vmem>>) target_semaphore(%arg11 : memref<!tpu.dma_semaphore, #tpu.memory_space<semaphore_mem>>)
      } else {
      }
      "tpu.region"() ({
        %run_scoped3A = tpu.sem_alloc : memref<!tpu.dma_semaphore, #tpu.memory_space<semaphore_mem>>
        %dma_start3A_52 = arith.constant 0 : i32
        %dma_start3A_53 = tpu.memref_slice %arg6[%add3A_31, %dma_start3A_52] : memref<25x80xi32, #tpu.memory_space<vmem>> -> memref<1x80xi32, #tpu.memory_space<vmem>>
        %dma_start3A_54 = tpu.memref_squeeze %dma_start3A_53 : memref<1x80xi32, #tpu.memory_space<vmem>> -> memref<80xi32, #tpu.memory_space<vmem>>
        %dma_start3A_55 = arith.constant 0 : i32
        %dma_start3A_56 = arith.constant 0 : i32
        %dma_start3A_57 = tpu.memref_slice %arg9[%dma_start3A_55, %dma_start3A_56] : memref<10000x128xf32, #tpu.memory_space<vmem_shared>> -> memref<10000x128xf32, #tpu.memory_space<vmem_shared>>
        tpu.enqueue_indirect_dma source(%arg7 : memref<80x128xf32, #tpu.memory_space<vmem>>) target(%dma_start3A_57 : memref<10000x128xf32, #tpu.memory_space<vmem_shared>>) offsets(%dma_start3A_54 : memref<80xi32, #tpu.memory_space<vmem>>) semaphore(%run_scoped3A : memref<!tpu.dma_semaphore, #tpu.memory_space<semaphore_mem>>) {add = true}
        %dma_wait3A_58 = arith.constant 0 : i32
        %dma_wait3A_59 = tpu.memref_slice %arg6[%add3A_31, %dma_wait3A_58] : memref<25x80xi32, #tpu.memory_space<vmem>> -> memref<1x80xi32, #tpu.memory_space<vmem>>
        %dma_wait3A_60 = tpu.memref_squeeze %dma_wait3A_59 : memref<1x80xi32, #tpu.memory_space<vmem>> -> memref<80xi32, #tpu.memory_space<vmem>>
        %dma_wait3A_61 = arith.constant 0 : i32
        %dma_wait3A_62 = arith.constant 0 : i32
        %dma_wait3A_63 = tpu.memref_slice %arg9[%dma_wait3A_61, %dma_wait3A_62] : memref<10000x128xf32, #tpu.memory_space<vmem_shared>> -> memref<10000x128xf32, #tpu.memory_space<vmem_shared>>
        tpu.wait_indirect_dma semaphore(%run_scoped3A : memref<!tpu.dma_semaphore, #tpu.memory_space<semaphore_mem>>) src(%arg7 : memref<80x128xf32, #tpu.memory_space<vmem>>) dst(%dma_wait3A_63 : memref<10000x128xf32, #tpu.memory_space<vmem_shared>>)
        tpu.yield
      }) : () -> ()
      %add3A_45 = arith.constant 1 : i32
      %add3A_46 = arith.addi %add3A_31, %add3A_45 : i32
      %lt3A_47 = arith.constant 25 : i32
      %lt3A_48 = arith.cmpi slt, %add3A_46, %lt3A_47 : i32
      %convert_element_type3A_49 = arith.extui %lt3A_48 : i1 to i32
      %cond3A_50 = arith.constant 0 : i32
      %cond3A_51 = arith.cmpi ne, %convert_element_type3A_49, %cond3A_50 : i32
      scf.if %cond3A_51 {
        %add3A_52 = arith.constant 1 : i32
        %add3A_53 = arith.addi %add3A_31, %add3A_52 : i32
        %mul3A_54 = arith.constant 80 : i32
        %mul3A_55 = arith.muli %add3A_53, %mul3A_54 : i32
        %add3A_56 = arith.addi %mul3A_8, %mul3A_55 : i32
        %multiple_of3A_57 = tpu.assume_multiple %add3A_56, 80 : i32
        %dma_wait3A_58 = arith.constant 0 : i32
        %dma_wait3A_59 = tpu.memref_slice %arg2[%multiple_of3A_57, %dma_wait3A_58] : memref<64000x128xf32, #tpu.memory_space<hbm>> -> memref<80x128xf32, #tpu.memory_space<hbm>>
        %dma_wait3A_60 = arith.constant 0 : i32
        %dma_wait3A_61 = tpu.memref_slice %arg2[%multiple_of3A_57, %dma_wait3A_60] : memref<64000x128xf32, #tpu.memory_space<hbm>> -> memref<80x128xf32, #tpu.memory_space<hbm>>
        tpu.wait_dma2 semaphore(%arg11 : memref<!tpu.dma_semaphore, #tpu.memory_space<semaphore_mem>>) src(%dma_wait3A_61 : memref<80x128xf32, #tpu.memory_space<hbm>>) dst(%arg8 : memref<80x128xf32, #tpu.memory_space<vmem>>)
        %add3A_62 = arith.constant 2 : i32
        %add3A_63 = arith.addi %add3A_31, %add3A_62 : i32
        %lt3A_64 = arith.constant 25 : i32
        %lt3A_65 = arith.cmpi slt, %add3A_63, %lt3A_64 : i32
        %convert_element_type3A_66 = arith.extui %lt3A_65 : i1 to i32
        %cond3A_67 = arith.constant 0 : i32
        %cond3A_68 = arith.cmpi ne, %convert_element_type3A_66, %cond3A_67 : i32
        scf.if %cond3A_68 {
          %add3A_71 = arith.constant 2 : i32
          %add3A_72 = arith.addi %add3A_31, %add3A_71 : i32
          %mul3A_73 = arith.constant 80 : i32
          %mul3A_74 = arith.muli %add3A_72, %mul3A_73 : i32
          %add3A_75 = arith.addi %mul3A_8, %mul3A_74 : i32
          %multiple_of3A_76 = tpu.assume_multiple %add3A_75, 80 : i32
          %dma_start3A_77 = arith.constant 0 : i32
          %dma_start3A_78 = tpu.memref_slice %arg2[%multiple_of3A_76, %dma_start3A_77] : memref<64000x128xf32, #tpu.memory_space<hbm>> -> memref<80x128xf32, #tpu.memory_space<hbm>>
          %dma_start3A_79 = arith.constant 0 : i32
          %dma_start3A_80 = tpu.memref_slice %arg2[%multiple_of3A_76, %dma_start3A_79] : memref<64000x128xf32, #tpu.memory_space<hbm>> -> memref<80x128xf32, #tpu.memory_space<hbm>>
          tpu.enqueue_dma source(%dma_start3A_80 : memref<80x128xf32, #tpu.memory_space<hbm>>) target(%arg7 : memref<80x128xf32, #tpu.memory_space<vmem>>) target_semaphore(%arg10 : memref<!tpu.dma_semaphore, #tpu.memory_space<semaphore_mem>>)
        } else {
        }
        %add3A_69 = arith.constant 1 : i32
        %add3A_70 = arith.addi %add3A_31, %add3A_69 : i32
        "tpu.region"() ({
          %run_scoped3A = tpu.sem_alloc : memref<!tpu.dma_semaphore, #tpu.memory_space<semaphore_mem>>
          %dma_start3A_71 = arith.constant 0 : i32
          %dma_start3A_72 = tpu.memref_slice %arg6[%add3A_70, %dma_start3A_71] : memref<25x80xi32, #tpu.memory_space<vmem>> -> memref<1x80xi32, #tpu.memory_space<vmem>>
          %dma_start3A_73 = tpu.memref_squeeze %dma_start3A_72 : memref<1x80xi32, #tpu.memory_space<vmem>> -> memref<80xi32, #tpu.memory_space<vmem>>
          %dma_start3A_74 = arith.constant 0 : i32
          %dma_start3A_75 = arith.constant 0 : i32
          %dma_start3A_76 = tpu.memref_slice %arg9[%dma_start3A_74, %dma_start3A_75] : memref<10000x128xf32, #tpu.memory_space<vmem_shared>> -> memref<10000x128xf32, #tpu.memory_space<vmem_shared>>
          tpu.enqueue_indirect_dma source(%arg8 : memref<80x128xf32, #tpu.memory_space<vmem>>) target(%dma_start3A_76 : memref<10000x128xf32, #tpu.memory_space<vmem_shared>>) offsets(%dma_start3A_73 : memref<80xi32, #tpu.memory_space<vmem>>) semaphore(%run_scoped3A : memref<!tpu.dma_semaphore, #tpu.memory_space<semaphore_mem>>) {add = true}
          %dma_wait3A_77 = arith.constant 0 : i32
          %dma_wait3A_78 = tpu.memref_slice %arg6[%add3A_70, %dma_wait3A_77] : memref<25x80xi32, #tpu.memory_space<vmem>> -> memref<1x80xi32, #tpu.memory_space<vmem>>
          %dma_wait3A_79 = tpu.memref_squeeze %dma_wait3A_78 : memref<1x80xi32, #tpu.memory_space<vmem>> -> memref<80xi32, #tpu.memory_space<vmem>>
          %dma_wait3A_80 = arith.constant 0 : i32
          %dma_wait3A_81 = arith.constant 0 : i32
          %dma_wait3A_82 = tpu.memref_slice %arg9[%dma_wait3A_80, %dma_wait3A_81] : memref<10000x128xf32, #tpu.memory_space<vmem_shared>> -> memref<10000x128xf32, #tpu.memory_space<vmem_shared>>
          tpu.wait_indirect_dma semaphore(%run_scoped3A : memref<!tpu.dma_semaphore, #tpu.memory_space<semaphore_mem>>) src(%arg8 : memref<80x128xf32, #tpu.memory_space<vmem>>) dst(%dma_wait3A_82 : memref<10000x128xf32, #tpu.memory_space<vmem_shared>>)
          tpu.yield
        }) : () -> ()
      } else {
      }
    }
    %scan3A_15 = arith.constant 13 : i32
    %barrier3A_16 = arith.constant 0 : index
    tpu.barrier barrier_id(%barrier3A_16)
    %lt3A_17 = arith.constant 15 : i32
    %lt3A_18 = arith.cmpi slt, %arg1, %lt3A_17 : i32
    %convert_element_type3A_19 = arith.extui %lt3A_18 : i1 to i32
    %cond3A_20 = arith.constant 0 : i32
    %cond3A_21 = arith.cmpi ne, %convert_element_type3A_19, %cond3A_20 : i32
    scf.if %cond3A_21 {
      %mul3A_27 = arith.constant 640 : i32
      %mul3A_28 = arith.muli %arg1, %mul3A_27 : i32
      %mul3A_29 = arith.constant 640 : i32
      %mul3A_30 = arith.muli %arg1, %mul3A_29 : i32
      "tpu.region"() ({
        %run_scoped3A = tpu.sem_alloc : memref<!tpu.dma_semaphore, #tpu.memory_space<semaphore_mem>>
        %dma_start3A_31 = arith.constant 0 : i32
        %dma_start3A_32 = tpu.memref_slice %arg5[%arg0, %mul3A_30, %dma_start3A_31] : memref<2x10000x128xf32, #tpu.memory_space<hbm>> -> memref<1x640x128xf32, #tpu.memory_space<hbm>>
        %dma_start3A_33 = tpu.memref_squeeze %dma_start3A_32 : memref<1x640x128xf32, #tpu.memory_space<hbm>> -> memref<640x128xf32, #tpu.memory_space<hbm>>
        %dma_start3A_34 = arith.constant 0 : i32
        %dma_start3A_35 = tpu.memref_slice %arg9[%mul3A_28, %dma_start3A_34] : memref<10000x128xf32, #tpu.memory_space<vmem_shared>> -> memref<640x128xf32, #tpu.memory_space<vmem_shared>>
        tpu.enqueue_dma source(%dma_start3A_35 : memref<640x128xf32, #tpu.memory_space<vmem_shared>>) target(%dma_start3A_33 : memref<640x128xf32, #tpu.memory_space<hbm>>) target_semaphore(%run_scoped3A : memref<!tpu.dma_semaphore, #tpu.memory_space<semaphore_mem>>)
        %dma_wait3A = arith.constant 0 : i32
        %dma_wait3A_36 = tpu.memref_slice %arg5[%arg0, %mul3A_30, %dma_wait3A] : memref<2x10000x128xf32, #tpu.memory_space<hbm>> -> memref<1x640x128xf32, #tpu.memory_space<hbm>>
        %dma_wait3A_37 = tpu.memref_squeeze %dma_wait3A_36 : memref<1x640x128xf32, #tpu.memory_space<hbm>> -> memref<640x128xf32, #tpu.memory_space<hbm>>
        %dma_wait3A_38 = arith.constant 0 : i32
        %dma_wait3A_39 = tpu.memref_slice %arg9[%mul3A_28, %dma_wait3A_38] : memref<10000x128xf32, #tpu.memory_space<vmem_shared>> -> memref<640x128xf32, #tpu.memory_space<vmem_shared>>
        tpu.wait_dma2 semaphore(%run_scoped3A : memref<!tpu.dma_semaphore, #tpu.memory_space<semaphore_mem>>) src(%dma_wait3A_39 : memref<640x128xf32, #tpu.memory_space<vmem_shared>>) dst(%dma_wait3A_37 : memref<640x128xf32, #tpu.memory_space<hbm>>)
        tpu.yield
      }) : () -> ()
    } else {
    }
    %eq3A_22 = arith.constant 15 : i32
    %eq3A_23 = arith.cmpi eq, %arg1, %eq3A_22 : i32
    %convert_element_type3A_24 = arith.extui %eq3A_23 : i1 to i32
    %cond3A_25 = arith.constant 0 : i32
    %cond3A_26 = arith.cmpi ne, %convert_element_type3A_24, %cond3A_25 : i32
    scf.if %cond3A_26 {
      "tpu.region"() ({
        %run_scoped3A = tpu.sem_alloc : memref<!tpu.dma_semaphore, #tpu.memory_space<semaphore_mem>>
        %dma_start3A_27 = arith.constant 9600 : i32
        %dma_start3A_28 = arith.constant 0 : i32
        %dma_start3A_29 = tpu.memref_slice %arg5[%arg0, %dma_start3A_27, %dma_start3A_28] : memref<2x10000x128xf32, #tpu.memory_space<hbm>> -> memref<1x400x128xf32, #tpu.memory_space<hbm>>
        %dma_start3A_30 = tpu.memref_squeeze %dma_start3A_29 : memref<1x400x128xf32, #tpu.memory_space<hbm>> -> memref<400x128xf32, #tpu.memory_space<hbm>>
        %dma_start3A_31 = arith.constant 9600 : i32
        %dma_start3A_32 = arith.constant 0 : i32
        %dma_start3A_33 = tpu.memref_slice %arg9[%dma_start3A_31, %dma_start3A_32] : memref<10000x128xf32, #tpu.memory_space<vmem_shared>> -> memref<400x128xf32, #tpu.memory_space<vmem_shared>>
        tpu.enqueue_dma source(%dma_start3A_33 : memref<400x128xf32, #tpu.memory_space<vmem_shared>>) target(%dma_start3A_30 : memref<400x128xf32, #tpu.memory_space<hbm>>) target_semaphore(%run_scoped3A : memref<!tpu.dma_semaphore, #tpu.memory_space<semaphore_mem>>)
        %dma_wait3A = arith.constant 9600 : i32
        %dma_wait3A_34 = arith.constant 0 : i32
        %dma_wait3A_35 = tpu.memref_slice %arg5[%arg0, %dma_wait3A, %dma_wait3A_34] : memref<2x10000x128xf32, #tpu.memory_space<hbm>> -> memref<1x400x128xf32, #tpu.memory_space<hbm>>
        %dma_wait3A_36 = tpu.memref_squeeze %dma_wait3A_35 : memref<1x400x128xf32, #tpu.memory_space<hbm>> -> memref<400x128xf32, #tpu.memory_space<hbm>>
        %dma_wait3A_37 = arith.constant 9600 : i32
        %dma_wait3A_38 = arith.constant 0 : i32
        %dma_wait3A_39 = tpu.memref_slice %arg9[%dma_wait3A_37, %dma_wait3A_38] : memref<10000x128xf32, #tpu.memory_space<vmem_shared>> -> memref<400x128xf32, #tpu.memory_space<vmem_shared>>
        tpu.wait_dma2 semaphore(%run_scoped3A : memref<!tpu.dma_semaphore, #tpu.memory_space<semaphore_mem>>) src(%dma_wait3A_39 : memref<400x128xf32, #tpu.memory_space<vmem_shared>>) dst(%dma_wait3A_36 : memref<400x128xf32, #tpu.memory_space<hbm>>)
        tpu.yield
      }) : () -> ()
    } else {
    }
    return
  }
}

#map = affine_map<(d0, d1) -> (0, 0)>
#map1 = affine_map<(d0, d1) -> (0, 0, 0)>
module attributes {stable_mosaic.version = 14 : i64} {
  func.func @_scatter_body(%arg0: i32, %arg1: i32, %arg2: memref<64000x128xf32, #tpu.memory_space<hbm>>, %arg3: memref<32x25x80xi32, #tpu.memory_space<hbm>>, %arg4: memref<2x10000x128xf32, #tpu.memory_space<hbm>>, %arg5: memref<2x10000x128xf32, #tpu.memory_space<hbm>>, %arg6: memref<25x80xi32, #tpu.memory_space<vmem>>, %arg7: memref<80x128xf32, #tpu.memory_space<vmem>>, %arg8: memref<80x128xf32, #tpu.memory_space<vmem>>, %arg9: memref<10000x128xf32, #tpu.memory_space<vmem_shared>>, %arg10: memref<!tpu.dma_semaphore, #tpu.memory_space<semaphore_mem>>, %arg11: memref<!tpu.dma_semaphore, #tpu.memory_space<semaphore_mem>>) attributes {dimension_semantics = [#tpu.dimension_semantics<core_parallel>, #tpu.dimension_semantics<subcore_parallel>], iteration_bounds = array<i64: 2, 16>, scalar_prefetch = 0 : i64, scratch_operands = 6 : i64, tpu.core_type = #tpu.core_type<sc_vector_subcore>, window_params = [{transform_indices = #map}, {transform_indices = #map1}, {transform_indices = #map1}, {transform_indices = #map1}]} {
    %mul3A = arith.constant 2 : i32
    %mul3A_0 = arith.muli %arg1, %mul3A : i32
    %add3A = arith.addi %mul3A_0, %arg0 : i32
    %lt3A = arith.constant 15 : i32
    %lt3A_1 = arith.cmpi slt, %arg1, %lt3A : i32
    %convert_element_type3A = arith.extui %lt3A_1 : i1 to i32
    %cond3A = arith.constant 0 : i32
    %cond3A_2 = arith.cmpi ne, %convert_element_type3A, %cond3A : i32
    scf.if %cond3A_2 {
      %mul3A_27 = arith.constant 640 : i32
      %mul3A_28 = arith.muli %arg1, %mul3A_27 : i32
      %mul3A_29 = arith.constant 640 : i32
      %mul3A_30 = arith.muli %arg1, %mul3A_29 : i32
      "tpu.region"() ({
        %run_scoped3A = tpu.sem_alloc : memref<!tpu.dma_semaphore, #tpu.memory_space<semaphore_mem>>
        %dma_start3A_31 = arith.constant 0 : i32
        %dma_start3A_32 = tpu.memref_slice %arg9[%mul3A_30, %dma_start3A_31] : memref<10000x128xf32, #tpu.memory_space<vmem_shared>> -> memref<640x128xf32, #tpu.memory_space<vmem_shared>>
        %dma_start3A_33 = arith.constant 0 : i32
        %dma_start3A_34 = tpu.memref_slice %arg4[%arg0, %mul3A_28, %dma_start3A_33] : memref<2x10000x128xf32, #tpu.memory_space<hbm>> -> memref<1x640x128xf32, #tpu.memory_space<hbm>>
        %dma_start3A_35 = tpu.memref_squeeze %dma_start3A_34 : memref<1x640x128xf32, #tpu.memory_space<hbm>> -> memref<640x128xf32, #tpu.memory_space<hbm>>
        tpu.enqueue_dma source(%dma_start3A_35 : memref<640x128xf32, #tpu.memory_space<hbm>>) target(%dma_start3A_32 : memref<640x128xf32, #tpu.memory_space<vmem_shared>>) target_semaphore(%run_scoped3A : memref<!tpu.dma_semaphore, #tpu.memory_space<semaphore_mem>>)
        %dma_wait3A = arith.constant 0 : i32
        %dma_wait3A_36 = tpu.memref_slice %arg9[%mul3A_30, %dma_wait3A] : memref<10000x128xf32, #tpu.memory_space<vmem_shared>> -> memref<640x128xf32, #tpu.memory_space<vmem_shared>>
        %dma_wait3A_37 = arith.constant 0 : i32
        %dma_wait3A_38 = tpu.memref_slice %arg4[%arg0, %mul3A_28, %dma_wait3A_37] : memref<2x10000x128xf32, #tpu.memory_space<hbm>> -> memref<1x640x128xf32, #tpu.memory_space<hbm>>
        %dma_wait3A_39 = tpu.memref_squeeze %dma_wait3A_38 : memref<1x640x128xf32, #tpu.memory_space<hbm>> -> memref<640x128xf32, #tpu.memory_space<hbm>>
        tpu.wait_dma2 semaphore(%run_scoped3A : memref<!tpu.dma_semaphore, #tpu.memory_space<semaphore_mem>>) src(%dma_wait3A_39 : memref<640x128xf32, #tpu.memory_space<hbm>>) dst(%dma_wait3A_36 : memref<640x128xf32, #tpu.memory_space<vmem_shared>>)
        tpu.yield
      }) : () -> ()
    } else {
    }
    %eq3A = arith.constant 15 : i32
    %eq3A_3 = arith.cmpi eq, %arg1, %eq3A : i32
    %convert_element_type3A_4 = arith.extui %eq3A_3 : i1 to i32
    %cond3A_5 = arith.constant 0 : i32
    %cond3A_6 = arith.cmpi ne, %convert_element_type3A_4, %cond3A_5 : i32
    scf.if %cond3A_6 {
      "tpu.region"() ({
        %run_scoped3A = tpu.sem_alloc : memref<!tpu.dma_semaphore, #tpu.memory_space<semaphore_mem>>
        %dma_start3A_27 = arith.constant 9600 : i32
        %dma_start3A_28 = arith.constant 0 : i32
        %dma_start3A_29 = tpu.memref_slice %arg9[%dma_start3A_27, %dma_start3A_28] : memref<10000x128xf32, #tpu.memory_space<vmem_shared>> -> memref<400x128xf32, #tpu.memory_space<vmem_shared>>
        %dma_start3A_30 = arith.constant 9600 : i32
        %dma_start3A_31 = arith.constant 0 : i32
        %dma_start3A_32 = tpu.memref_slice %arg4[%arg0, %dma_start3A_30, %dma_start3A_31] : memref<2x10000x128xf32, #tpu.memory_space<hbm>> -> memref<1x400x128xf32, #tpu.memory_space<hbm>>
        %dma_start3A_33 = tpu.memref_squeeze %dma_start3A_32 : memref<1x400x128xf32, #tpu.memory_space<hbm>> -> memref<400x128xf32, #tpu.memory_space<hbm>>
        tpu.enqueue_dma source(%dma_start3A_33 : memref<400x128xf32, #tpu.memory_space<hbm>>) target(%dma_start3A_29 : memref<400x128xf32, #tpu.memory_space<vmem_shared>>) target_semaphore(%run_scoped3A : memref<!tpu.dma_semaphore, #tpu.memory_space<semaphore_mem>>)
        %dma_wait3A = arith.constant 9600 : i32
        %dma_wait3A_34 = arith.constant 0 : i32
        %dma_wait3A_35 = tpu.memref_slice %arg9[%dma_wait3A, %dma_wait3A_34] : memref<10000x128xf32, #tpu.memory_space<vmem_shared>> -> memref<400x128xf32, #tpu.memory_space<vmem_shared>>
        %dma_wait3A_36 = arith.constant 9600 : i32
        %dma_wait3A_37 = arith.constant 0 : i32
        %dma_wait3A_38 = tpu.memref_slice %arg4[%arg0, %dma_wait3A_36, %dma_wait3A_37] : memref<2x10000x128xf32, #tpu.memory_space<hbm>> -> memref<1x400x128xf32, #tpu.memory_space<hbm>>
        %dma_wait3A_39 = tpu.memref_squeeze %dma_wait3A_38 : memref<1x400x128xf32, #tpu.memory_space<hbm>> -> memref<400x128xf32, #tpu.memory_space<hbm>>
        tpu.wait_dma2 semaphore(%run_scoped3A : memref<!tpu.dma_semaphore, #tpu.memory_space<semaphore_mem>>) src(%dma_wait3A_39 : memref<400x128xf32, #tpu.memory_space<hbm>>) dst(%dma_wait3A_35 : memref<400x128xf32, #tpu.memory_space<vmem_shared>>)
        tpu.yield
      }) : () -> ()
    } else {
    }
    "tpu.region"() ({
      %run_scoped3A = tpu.sem_alloc : memref<!tpu.dma_semaphore, #tpu.memory_space<semaphore_mem>>
      %dma_start3A_27 = arith.constant 0 : i32
      %dma_start3A_28 = arith.constant 0 : i32
      %dma_start3A_29 = tpu.memref_slice %arg3[%add3A, %dma_start3A_27, %dma_start3A_28] : memref<32x25x80xi32, #tpu.memory_space<hbm>> -> memref<1x25x80xi32, #tpu.memory_space<hbm>>
      %dma_start3A_30 = tpu.memref_squeeze %dma_start3A_29 : memref<1x25x80xi32, #tpu.memory_space<hbm>> -> memref<25x80xi32, #tpu.memory_space<hbm>>
      %dma_start3A_31 = arith.constant 0 : i32
      %dma_start3A_32 = arith.constant 0 : i32
      %dma_start3A_33 = tpu.memref_slice %arg3[%add3A, %dma_start3A_31, %dma_start3A_32] : memref<32x25x80xi32, #tpu.memory_space<hbm>> -> memref<1x25x80xi32, #tpu.memory_space<hbm>>
      %dma_start3A_34 = tpu.memref_squeeze %dma_start3A_33 : memref<1x25x80xi32, #tpu.memory_space<hbm>> -> memref<25x80xi32, #tpu.memory_space<hbm>>
      tpu.enqueue_dma source(%dma_start3A_34 : memref<25x80xi32, #tpu.memory_space<hbm>>) target(%arg6 : memref<25x80xi32, #tpu.memory_space<vmem>>) target_semaphore(%run_scoped3A : memref<!tpu.dma_semaphore, #tpu.memory_space<semaphore_mem>>)
      %dma_wait3A = arith.constant 0 : i32
      %dma_wait3A_35 = arith.constant 0 : i32
      %dma_wait3A_36 = tpu.memref_slice %arg3[%add3A, %dma_wait3A, %dma_wait3A_35] : memref<32x25x80xi32, #tpu.memory_space<hbm>> -> memref<1x25x80xi32, #tpu.memory_space<hbm>>
      %dma_wait3A_37 = tpu.memref_squeeze %dma_wait3A_36 : memref<1x25x80xi32, #tpu.memory_space<hbm>> -> memref<25x80xi32, #tpu.memory_space<hbm>>
      %dma_wait3A_38 = arith.constant 0 : i32
      %dma_wait3A_39 = arith.constant 0 : i32
      %dma_wait3A_40 = tpu.memref_slice %arg3[%add3A, %dma_wait3A_38, %dma_wait3A_39] : memref<32x25x80xi32, #tpu.memory_space<hbm>> -> memref<1x25x80xi32, #tpu.memory_space<hbm>>
      %dma_wait3A_41 = tpu.memref_squeeze %dma_wait3A_40 : memref<1x25x80xi32, #tpu.memory_space<hbm>> -> memref<25x80xi32, #tpu.memory_space<hbm>>
      tpu.wait_dma2 semaphore(%run_scoped3A : memref<!tpu.dma_semaphore, #tpu.memory_space<semaphore_mem>>) src(%dma_wait3A_41 : memref<25x80xi32, #tpu.memory_space<hbm>>) dst(%arg6 : memref<25x80xi32, #tpu.memory_space<vmem>>)
      tpu.yield
    }) : () -> ()
    %barrier3A = arith.constant 0 : index
    tpu.barrier barrier_id(%barrier3A)
    %mul3A_7 = arith.constant 2000 : i32
    %mul3A_8 = arith.muli %add3A, %mul3A_7 : i32
    %dma_start3A = arith.constant 0 : i32
    %dma_start3A_9 = tpu.memref_slice %arg2[%mul3A_8, %dma_start3A] : memref<64000x128xf32, #tpu.memory_space<hbm>> -> memref<80x128xf32, #tpu.memory_space<hbm>>
    %dma_start3A_10 = arith.constant 0 : i32
    %dma_start3A_11 = tpu.memref_slice %arg2[%mul3A_8, %dma_start3A_10] : memref<64000x128xf32, #tpu.memory_space<hbm>> -> memref<80x128xf32, #tpu.memory_space<hbm>>
    tpu.enqueue_dma source(%dma_start3A_11 : memref<80x128xf32, #tpu.memory_space<hbm>>) target(%arg7 : memref<80x128xf32, #tpu.memory_space<vmem>>) target_semaphore(%arg10 : memref<!tpu.dma_semaphore, #tpu.memory_space<semaphore_mem>>)
    %scan3A = arith.constant 0 : i32
    %scan3A_12 = arith.constant 13 : i32
    %scan3A_13 = arith.addi %scan3A, %scan3A_12 : i32
    %scan3A_14 = arith.constant 1 : i32
    scf.for %scan3A_27 = %scan3A to %scan3A_13 step %scan3A_14  : i32 {
      %mul3A_28 = arith.constant 2 : i32
      %mul3A_29 = arith.muli %scan3A_27, %mul3A_28 : i32
      %add3A_30 = arith.constant 0 : i32
      %add3A_31 = arith.addi %add3A_30, %mul3A_29 : i32
      %mul3A_32 = arith.constant 80 : i32
      %mul3A_33 = arith.muli %add3A_31, %mul3A_32 : i32
      %add3A_34 = arith.addi %mul3A_8, %mul3A_33 : i32
      %multiple_of3A = tpu.assume_multiple %add3A_34, 80 : i32
      %dma_wait3A = arith.constant 0 : i32
      %dma_wait3A_35 = tpu.memref_slice %arg2[%multiple_of3A, %dma_wait3A] : memref<64000x128xf32, #tpu.memory_space<hbm>> -> memref<80x128xf32, #tpu.memory_space<hbm>>
      %dma_wait3A_36 = arith.constant 0 : i32
      %dma_wait3A_37 = tpu.memref_slice %arg2[%multiple_of3A, %dma_wait3A_36] : memref<64000x128xf32, #tpu.memory_space<hbm>> -> memref<80x128xf32, #tpu.memory_space<hbm>>
      tpu.wait_dma2 semaphore(%arg10 : memref<!tpu.dma_semaphore, #tpu.memory_space<semaphore_mem>>) src(%dma_wait3A_37 : memref<80x128xf32, #tpu.memory_space<hbm>>) dst(%arg7 : memref<80x128xf32, #tpu.memory_space<vmem>>)
      %add3A_38 = arith.constant 1 : i32
      %add3A_39 = arith.addi %add3A_31, %add3A_38 : i32
      %lt3A_40 = arith.constant 25 : i32
      %lt3A_41 = arith.cmpi slt, %add3A_39, %lt3A_40 : i32
      %convert_element_type3A_42 = arith.extui %lt3A_41 : i1 to i32
      %cond3A_43 = arith.constant 0 : i32
      %cond3A_44 = arith.cmpi ne, %convert_element_type3A_42, %cond3A_43 : i32
      scf.if %cond3A_44 {
        %add3A_52 = arith.constant 1 : i32
        %add3A_53 = arith.addi %add3A_31, %add3A_52 : i32
        %mul3A_54 = arith.constant 80 : i32
        %mul3A_55 = arith.muli %add3A_53, %mul3A_54 : i32
        %add3A_56 = arith.addi %mul3A_8, %mul3A_55 : i32
        %multiple_of3A_57 = tpu.assume_multiple %add3A_56, 80 : i32
        %dma_start3A_58 = arith.constant 0 : i32
        %dma_start3A_59 = tpu.memref_slice %arg2[%multiple_of3A_57, %dma_start3A_58] : memref<64000x128xf32, #tpu.memory_space<hbm>> -> memref<80x128xf32, #tpu.memory_space<hbm>>
        %dma_start3A_60 = arith.constant 0 : i32
        %dma_start3A_61 = tpu.memref_slice %arg2[%multiple_of3A_57, %dma_start3A_60] : memref<64000x128xf32, #tpu.memory_space<hbm>> -> memref<80x128xf32, #tpu.memory_space<hbm>>
        tpu.enqueue_dma source(%dma_start3A_61 : memref<80x128xf32, #tpu.memory_space<hbm>>) target(%arg8 : memref<80x128xf32, #tpu.memory_space<vmem>>) target_semaphore(%arg11 : memref<!tpu.dma_semaphore, #tpu.memory_space<semaphore_mem>>)
      } else {
      }
      "tpu.region"() ({
        %run_scoped3A = tpu.sem_alloc : memref<!tpu.dma_semaphore, #tpu.memory_space<semaphore_mem>>
        %dma_start3A_52 = arith.constant 0 : i32
        %dma_start3A_53 = tpu.memref_slice %arg6[%add3A_31, %dma_start3A_52] : memref<25x80xi32, #tpu.memory_space<vmem>> -> memref<1x80xi32, #tpu.memory_space<vmem>>
        %dma_start3A_54 = tpu.memref_squeeze %dma_start3A_53 : memref<1x80xi32, #tpu.memory_space<vmem>> -> memref<80xi32, #tpu.memory_space<vmem>>
        %dma_start3A_55 = arith.constant 0 : i32
        %dma_start3A_56 = arith.constant 0 : i32
        %dma_start3A_57 = tpu.memref_slice %arg9[%dma_start3A_55, %dma_start3A_56] : memref<10000x128xf32, #tpu.memory_space<vmem_shared>> -> memref<10000x128xf32, #tpu.memory_space<vmem_shared>>
        tpu.enqueue_indirect_dma source(%arg7 : memref<80x128xf32, #tpu.memory_space<vmem>>) target(%dma_start3A_57 : memref<10000x128xf32, #tpu.memory_space<vmem_shared>>) offsets(%dma_start3A_54 : memref<80xi32, #tpu.memory_space<vmem>>) semaphore(%run_scoped3A : memref<!tpu.dma_semaphore, #tpu.memory_space<semaphore_mem>>) {add = true}
        %dma_wait3A_58 = arith.constant 0 : i32
        %dma_wait3A_59 = tpu.memref_slice %arg6[%add3A_31, %dma_wait3A_58] : memref<25x80xi32, #tpu.memory_space<vmem>> -> memref<1x80xi32, #tpu.memory_space<vmem>>
        %dma_wait3A_60 = tpu.memref_squeeze %dma_wait3A_59 : memref<1x80xi32, #tpu.memory_space<vmem>> -> memref<80xi32, #tpu.memory_space<vmem>>
        %dma_wait3A_61 = arith.constant 0 : i32
        %dma_wait3A_62 = arith.constant 0 : i32
        %dma_wait3A_63 = tpu.memref_slice %arg9[%dma_wait3A_61, %dma_wait3A_62] : memref<10000x128xf32, #tpu.memory_space<vmem_shared>> -> memref<10000x128xf32, #tpu.memory_space<vmem_shared>>
        tpu.wait_indirect_dma semaphore(%run_scoped3A : memref<!tpu.dma_semaphore, #tpu.memory_space<semaphore_mem>>) src(%arg7 : memref<80x128xf32, #tpu.memory_space<vmem>>) dst(%dma_wait3A_63 : memref<10000x128xf32, #tpu.memory_space<vmem_shared>>)
        tpu.yield
      }) : () -> ()
      %add3A_45 = arith.constant 1 : i32
      %add3A_46 = arith.addi %add3A_31, %add3A_45 : i32
      %lt3A_47 = arith.constant 25 : i32
      %lt3A_48 = arith.cmpi slt, %add3A_46, %lt3A_47 : i32
      %convert_element_type3A_49 = arith.extui %lt3A_48 : i1 to i32
      %cond3A_50 = arith.constant 0 : i32
      %cond3A_51 = arith.cmpi ne, %convert_element_type3A_49, %cond3A_50 : i32
      scf.if %cond3A_51 {
        %add3A_52 = arith.constant 1 : i32
        %add3A_53 = arith.addi %add3A_31, %add3A_52 : i32
        %mul3A_54 = arith.constant 80 : i32
        %mul3A_55 = arith.muli %add3A_53, %mul3A_54 : i32
        %add3A_56 = arith.addi %mul3A_8, %mul3A_55 : i32
        %multiple_of3A_57 = tpu.assume_multiple %add3A_56, 80 : i32
        %dma_wait3A_58 = arith.constant 0 : i32
        %dma_wait3A_59 = tpu.memref_slice %arg2[%multiple_of3A_57, %dma_wait3A_58] : memref<64000x128xf32, #tpu.memory_space<hbm>> -> memref<80x128xf32, #tpu.memory_space<hbm>>
        %dma_wait3A_60 = arith.constant 0 : i32
        %dma_wait3A_61 = tpu.memref_slice %arg2[%multiple_of3A_57, %dma_wait3A_60] : memref<64000x128xf32, #tpu.memory_space<hbm>> -> memref<80x128xf32, #tpu.memory_space<hbm>>
        tpu.wait_dma2 semaphore(%arg11 : memref<!tpu.dma_semaphore, #tpu.memory_space<semaphore_mem>>) src(%dma_wait3A_61 : memref<80x128xf32, #tpu.memory_space<hbm>>) dst(%arg8 : memref<80x128xf32, #tpu.memory_space<vmem>>)
        %add3A_62 = arith.constant 2 : i32
        %add3A_63 = arith.addi %add3A_31, %add3A_62 : i32
        %lt3A_64 = arith.constant 25 : i32
        %lt3A_65 = arith.cmpi slt, %add3A_63, %lt3A_64 : i32
        %convert_element_type3A_66 = arith.extui %lt3A_65 : i1 to i32
        %cond3A_67 = arith.constant 0 : i32
        %cond3A_68 = arith.cmpi ne, %convert_element_type3A_66, %cond3A_67 : i32
        scf.if %cond3A_68 {
          %add3A_71 = arith.constant 2 : i32
          %add3A_72 = arith.addi %add3A_31, %add3A_71 : i32
          %mul3A_73 = arith.constant 80 : i32
          %mul3A_74 = arith.muli %add3A_72, %mul3A_73 : i32
          %add3A_75 = arith.addi %mul3A_8, %mul3A_74 : i32
          %multiple_of3A_76 = tpu.assume_multiple %add3A_75, 80 : i32
          %dma_start3A_77 = arith.constant 0 : i32
          %dma_start3A_78 = tpu.memref_slice %arg2[%multiple_of3A_76, %dma_start3A_77] : memref<64000x128xf32, #tpu.memory_space<hbm>> -> memref<80x128xf32, #tpu.memory_space<hbm>>
          %dma_start3A_79 = arith.constant 0 : i32
          %dma_start3A_80 = tpu.memref_slice %arg2[%multiple_of3A_76, %dma_start3A_79] : memref<64000x128xf32, #tpu.memory_space<hbm>> -> memref<80x128xf32, #tpu.memory_space<hbm>>
          tpu.enqueue_dma source(%dma_start3A_80 : memref<80x128xf32, #tpu.memory_space<hbm>>) target(%arg7 : memref<80x128xf32, #tpu.memory_space<vmem>>) target_semaphore(%arg10 : memref<!tpu.dma_semaphore, #tpu.memory_space<semaphore_mem>>)
        } else {
        }
        %add3A_69 = arith.constant 1 : i32
        %add3A_70 = arith.addi %add3A_31, %add3A_69 : i32
        "tpu.region"() ({
          %run_scoped3A = tpu.sem_alloc : memref<!tpu.dma_semaphore, #tpu.memory_space<semaphore_mem>>
          %dma_start3A_71 = arith.constant 0 : i32
          %dma_start3A_72 = tpu.memref_slice %arg6[%add3A_70, %dma_start3A_71] : memref<25x80xi32, #tpu.memory_space<vmem>> -> memref<1x80xi32, #tpu.memory_space<vmem>>
          %dma_start3A_73 = tpu.memref_squeeze %dma_start3A_72 : memref<1x80xi32, #tpu.memory_space<vmem>> -> memref<80xi32, #tpu.memory_space<vmem>>
          %dma_start3A_74 = arith.constant 0 : i32
          %dma_start3A_75 = arith.constant 0 : i32
          %dma_start3A_76 = tpu.memref_slice %arg9[%dma_start3A_74, %dma_start3A_75] : memref<10000x128xf32, #tpu.memory_space<vmem_shared>> -> memref<10000x128xf32, #tpu.memory_space<vmem_shared>>
          tpu.enqueue_indirect_dma source(%arg8 : memref<80x128xf32, #tpu.memory_space<vmem>>) target(%dma_start3A_76 : memref<10000x128xf32, #tpu.memory_space<vmem_shared>>) offsets(%dma_start3A_73 : memref<80xi32, #tpu.memory_space<vmem>>) semaphore(%run_scoped3A : memref<!tpu.dma_semaphore, #tpu.memory_space<semaphore_mem>>) {add = true}
          %dma_wait3A_77 = arith.constant 0 : i32
          %dma_wait3A_78 = tpu.memref_slice %arg6[%add3A_70, %dma_wait3A_77] : memref<25x80xi32, #tpu.memory_space<vmem>> -> memref<1x80xi32, #tpu.memory_space<vmem>>
          %dma_wait3A_79 = tpu.memref_squeeze %dma_wait3A_78 : memref<1x80xi32, #tpu.memory_space<vmem>> -> memref<80xi32, #tpu.memory_space<vmem>>
          %dma_wait3A_80 = arith.constant 0 : i32
          %dma_wait3A_81 = arith.constant 0 : i32
          %dma_wait3A_82 = tpu.memref_slice %arg9[%dma_wait3A_80, %dma_wait3A_81] : memref<10000x128xf32, #tpu.memory_space<vmem_shared>> -> memref<10000x128xf32, #tpu.memory_space<vmem_shared>>
          tpu.wait_indirect_dma semaphore(%run_scoped3A : memref<!tpu.dma_semaphore, #tpu.memory_space<semaphore_mem>>) src(%arg8 : memref<80x128xf32, #tpu.memory_space<vmem>>) dst(%dma_wait3A_82 : memref<10000x128xf32, #tpu.memory_space<vmem_shared>>)
          tpu.yield
        }) : () -> ()
      } else {
      }
    }
    %scan3A_15 = arith.constant 13 : i32
    %barrier3A_16 = arith.constant 0 : index
    tpu.barrier barrier_id(%barrier3A_16)
    %lt3A_17 = arith.constant 15 : i32
    %lt3A_18 = arith.cmpi slt, %arg1, %lt3A_17 : i32
    %convert_element_type3A_19 = arith.extui %lt3A_18 : i1 to i32
    %cond3A_20 = arith.constant 0 : i32
    %cond3A_21 = arith.cmpi ne, %convert_element_type3A_19, %cond3A_20 : i32
    scf.if %cond3A_21 {
      %mul3A_27 = arith.constant 640 : i32
      %mul3A_28 = arith.muli %arg1, %mul3A_27 : i32
      %mul3A_29 = arith.constant 640 : i32
      %mul3A_30 = arith.muli %arg1, %mul3A_29 : i32
      "tpu.region"() ({
        %run_scoped3A = tpu.sem_alloc : memref<!tpu.dma_semaphore, #tpu.memory_space<semaphore_mem>>
        %dma_start3A_31 = arith.constant 0 : i32
        %dma_start3A_32 = tpu.memref_slice %arg5[%arg0, %mul3A_30, %dma_start3A_31] : memref<2x10000x128xf32, #tpu.memory_space<hbm>> -> memref<1x640x128xf32, #tpu.memory_space<hbm>>
        %dma_start3A_33 = tpu.memref_squeeze %dma_start3A_32 : memref<1x640x128xf32, #tpu.memory_space<hbm>> -> memref<640x128xf32, #tpu.memory_space<hbm>>
        %dma_start3A_34 = arith.constant 0 : i32
        %dma_start3A_35 = tpu.memref_slice %arg9[%mul3A_28, %dma_start3A_34] : memref<10000x128xf32, #tpu.memory_space<vmem_shared>> -> memref<640x128xf32, #tpu.memory_space<vmem_shared>>
        tpu.enqueue_dma source(%dma_start3A_35 : memref<640x128xf32, #tpu.memory_space<vmem_shared>>) target(%dma_start3A_33 : memref<640x128xf32, #tpu.memory_space<hbm>>) target_semaphore(%run_scoped3A : memref<!tpu.dma_semaphore, #tpu.memory_space<semaphore_mem>>)
        %dma_wait3A = arith.constant 0 : i32
        %dma_wait3A_36 = tpu.memref_slice %arg5[%arg0, %mul3A_30, %dma_wait3A] : memref<2x10000x128xf32, #tpu.memory_space<hbm>> -> memref<1x640x128xf32, #tpu.memory_space<hbm>>
        %dma_wait3A_37 = tpu.memref_squeeze %dma_wait3A_36 : memref<1x640x128xf32, #tpu.memory_space<hbm>> -> memref<640x128xf32, #tpu.memory_space<hbm>>
        %dma_wait3A_38 = arith.constant 0 : i32
        %dma_wait3A_39 = tpu.memref_slice %arg9[%mul3A_28, %dma_wait3A_38] : memref<10000x128xf32, #tpu.memory_space<vmem_shared>> -> memref<640x128xf32, #tpu.memory_space<vmem_shared>>
        tpu.wait_dma2 semaphore(%run_scoped3A : memref<!tpu.dma_semaphore, #tpu.memory_space<semaphore_mem>>) src(%dma_wait3A_39 : memref<640x128xf32, #tpu.memory_space<vmem_shared>>) dst(%dma_wait3A_37 : memref<640x128xf32, #tpu.memory_space<hbm>>)
        tpu.yield
      }) : () -> ()
    } else {
    }
    %eq3A_22 = arith.constant 15 : i32
    %eq3A_23 = arith.cmpi eq, %arg1, %eq3A_22 : i32
    %convert_element_type3A_24 = arith.extui %eq3A_23 : i1 to i32
    %cond3A_25 = arith.constant 0 : i32
    %cond3A_26 = arith.cmpi ne, %convert_element_type3A_24, %cond3A_25 : i32
    scf.if %cond3A_26 {
      "tpu.region"() ({
        %run_scoped3A = tpu.sem_alloc : memref<!tpu.dma_semaphore, #tpu.memory_space<semaphore_mem>>
        %dma_start3A_27 = arith.constant 9600 : i32
        %dma_start3A_28 = arith.constant 0 : i32
        %dma_start3A_29 = tpu.memref_slice %arg5[%arg0, %dma_start3A_27, %dma_start3A_28] : memref<2x10000x128xf32, #tpu.memory_space<hbm>> -> memref<1x400x128xf32, #tpu.memory_space<hbm>>
        %dma_start3A_30 = tpu.memref_squeeze %dma_start3A_29 : memref<1x400x128xf32, #tpu.memory_space<hbm>> -> memref<400x128xf32, #tpu.memory_space<hbm>>
        %dma_start3A_31 = arith.constant 9600 : i32
        %dma_start3A_32 = arith.constant 0 : i32
        %dma_start3A_33 = tpu.memref_slice %arg9[%dma_start3A_31, %dma_start3A_32] : memref<10000x128xf32, #tpu.memory_space<vmem_shared>> -> memref<400x128xf32, #tpu.memory_space<vmem_shared>>
        tpu.enqueue_dma source(%dma_start3A_33 : memref<400x128xf32, #tpu.memory_space<vmem_shared>>) target(%dma_start3A_30 : memref<400x128xf32, #tpu.memory_space<hbm>>) target_semaphore(%run_scoped3A : memref<!tpu.dma_semaphore, #tpu.memory_space<semaphore_mem>>)
        %dma_wait3A = arith.constant 9600 : i32
        %dma_wait3A_34 = arith.constant 0 : i32
        %dma_wait3A_35 = tpu.memref_slice %arg5[%arg0, %dma_wait3A, %dma_wait3A_34] : memref<2x10000x128xf32, #tpu.memory_space<hbm>> -> memref<1x400x128xf32, #tpu.memory_space<hbm>>
        %dma_wait3A_36 = tpu.memref_squeeze %dma_wait3A_35 : memref<1x400x128xf32, #tpu.memory_space<hbm>> -> memref<400x128xf32, #tpu.memory_space<hbm>>
        %dma_wait3A_37 = arith.constant 9600 : i32
        %dma_wait3A_38 = arith.constant 0 : i32
        %dma_wait3A_39 = tpu.memref_slice %arg9[%dma_wait3A_37, %dma_wait3A_38] : memref<10000x128xf32, #tpu.memory_space<vmem_shared>> -> memref<400x128xf32, #tpu.memory_space<vmem_shared>>
        tpu.wait_dma2 semaphore(%run_scoped3A : memref<!tpu.dma_semaphore, #tpu.memory_space<semaphore_mem>>) src(%dma_wait3A_39 : memref<400x128xf32, #tpu.memory_space<vmem_shared>>) dst(%dma_wait3A_36 : memref<400x128xf32, #tpu.memory_space<hbm>>)
        tpu.yield
      }) : () -> ()
    } else {
    }
    return
  }
}

#map = affine_map<(d0, d1) -> (0, 0)>
#map1 = affine_map<(d0, d1) -> (0, 0, 0)>
module attributes {stable_mosaic.version = 14 : i64} {
  func.func @_scatter_body(%arg0: i32, %arg1: i32, %arg2: memref<64000x128xf32, #tpu.memory_space<hbm>>, %arg3: memref<32x25x80xi32, #tpu.memory_space<hbm>>, %arg4: memref<2x10000x128xf32, #tpu.memory_space<hbm>>, %arg5: memref<2x10000x128xf32, #tpu.memory_space<hbm>>, %arg6: memref<25x80xi32, #tpu.memory_space<vmem>>, %arg7: memref<80x128xf32, #tpu.memory_space<vmem>>, %arg8: memref<80x128xf32, #tpu.memory_space<vmem>>, %arg9: memref<10000x128xf32, #tpu.memory_space<vmem_shared>>, %arg10: memref<!tpu.dma_semaphore, #tpu.memory_space<semaphore_mem>>, %arg11: memref<!tpu.dma_semaphore, #tpu.memory_space<semaphore_mem>>) attributes {dimension_semantics = [#tpu.dimension_semantics<core_parallel>, #tpu.dimension_semantics<subcore_parallel>], iteration_bounds = array<i64: 2, 16>, scalar_prefetch = 0 : i64, scratch_operands = 6 : i64, tpu.core_type = #tpu.core_type<sc_vector_subcore>, window_params = [{transform_indices = #map}, {transform_indices = #map1}, {transform_indices = #map1}, {transform_indices = #map1}]} {
    %mul3A = arith.constant 2 : i32
    %mul3A_0 = arith.muli %arg1, %mul3A : i32
    %add3A = arith.addi %mul3A_0, %arg0 : i32
    %lt3A = arith.constant 15 : i32
    %lt3A_1 = arith.cmpi slt, %arg1, %lt3A : i32
    %convert_element_type3A = arith.extui %lt3A_1 : i1 to i32
    %cond3A = arith.constant 0 : i32
    %cond3A_2 = arith.cmpi ne, %convert_element_type3A, %cond3A : i32
    scf.if %cond3A_2 {
      %mul3A_27 = arith.constant 640 : i32
      %mul3A_28 = arith.muli %arg1, %mul3A_27 : i32
      %mul3A_29 = arith.constant 640 : i32
      %mul3A_30 = arith.muli %arg1, %mul3A_29 : i32
      "tpu.region"() ({
        %run_scoped3A = tpu.sem_alloc : memref<!tpu.dma_semaphore, #tpu.memory_space<semaphore_mem>>
        %dma_start3A_31 = arith.constant 0 : i32
        %dma_start3A_32 = tpu.memref_slice %arg9[%mul3A_30, %dma_start3A_31] : memref<10000x128xf32, #tpu.memory_space<vmem_shared>> -> memref<640x128xf32, #tpu.memory_space<vmem_shared>>
        %dma_start3A_33 = arith.constant 0 : i32
        %dma_start3A_34 = tpu.memref_slice %arg4[%arg0, %mul3A_28, %dma_start3A_33] : memref<2x10000x128xf32, #tpu.memory_space<hbm>> -> memref<1x640x128xf32, #tpu.memory_space<hbm>>
        %dma_start3A_35 = tpu.memref_squeeze %dma_start3A_34 : memref<1x640x128xf32, #tpu.memory_space<hbm>> -> memref<640x128xf32, #tpu.memory_space<hbm>>
        tpu.enqueue_dma source(%dma_start3A_35 : memref<640x128xf32, #tpu.memory_space<hbm>>) target(%dma_start3A_32 : memref<640x128xf32, #tpu.memory_space<vmem_shared>>) target_semaphore(%run_scoped3A : memref<!tpu.dma_semaphore, #tpu.memory_space<semaphore_mem>>)
        %dma_wait3A = arith.constant 0 : i32
        %dma_wait3A_36 = tpu.memref_slice %arg9[%mul3A_30, %dma_wait3A] : memref<10000x128xf32, #tpu.memory_space<vmem_shared>> -> memref<640x128xf32, #tpu.memory_space<vmem_shared>>
        %dma_wait3A_37 = arith.constant 0 : i32
        %dma_wait3A_38 = tpu.memref_slice %arg4[%arg0, %mul3A_28, %dma_wait3A_37] : memref<2x10000x128xf32, #tpu.memory_space<hbm>> -> memref<1x640x128xf32, #tpu.memory_space<hbm>>
        %dma_wait3A_39 = tpu.memref_squeeze %dma_wait3A_38 : memref<1x640x128xf32, #tpu.memory_space<hbm>> -> memref<640x128xf32, #tpu.memory_space<hbm>>
        tpu.wait_dma2 semaphore(%run_scoped3A : memref<!tpu.dma_semaphore, #tpu.memory_space<semaphore_mem>>) src(%dma_wait3A_39 : memref<640x128xf32, #tpu.memory_space<hbm>>) dst(%dma_wait3A_36 : memref<640x128xf32, #tpu.memory_space<vmem_shared>>)
        tpu.yield
      }) : () -> ()
    } else {
    }
    %eq3A = arith.constant 15 : i32
    %eq3A_3 = arith.cmpi eq, %arg1, %eq3A : i32
    %convert_element_type3A_4 = arith.extui %eq3A_3 : i1 to i32
    %cond3A_5 = arith.constant 0 : i32
    %cond3A_6 = arith.cmpi ne, %convert_element_type3A_4, %cond3A_5 : i32
    scf.if %cond3A_6 {
      "tpu.region"() ({
        %run_scoped3A = tpu.sem_alloc : memref<!tpu.dma_semaphore, #tpu.memory_space<semaphore_mem>>
        %dma_start3A_27 = arith.constant 9600 : i32
        %dma_start3A_28 = arith.constant 0 : i32
        %dma_start3A_29 = tpu.memref_slice %arg9[%dma_start3A_27, %dma_start3A_28] : memref<10000x128xf32, #tpu.memory_space<vmem_shared>> -> memref<400x128xf32, #tpu.memory_space<vmem_shared>>
        %dma_start3A_30 = arith.constant 9600 : i32
        %dma_start3A_31 = arith.constant 0 : i32
        %dma_start3A_32 = tpu.memref_slice %arg4[%arg0, %dma_start3A_30, %dma_start3A_31] : memref<2x10000x128xf32, #tpu.memory_space<hbm>> -> memref<1x400x128xf32, #tpu.memory_space<hbm>>
        %dma_start3A_33 = tpu.memref_squeeze %dma_start3A_32 : memref<1x400x128xf32, #tpu.memory_space<hbm>> -> memref<400x128xf32, #tpu.memory_space<hbm>>
        tpu.enqueue_dma source(%dma_start3A_33 : memref<400x128xf32, #tpu.memory_space<hbm>>) target(%dma_start3A_29 : memref<400x128xf32, #tpu.memory_space<vmem_shared>>) target_semaphore(%run_scoped3A : memref<!tpu.dma_semaphore, #tpu.memory_space<semaphore_mem>>)
        %dma_wait3A = arith.constant 9600 : i32
        %dma_wait3A_34 = arith.constant 0 : i32
        %dma_wait3A_35 = tpu.memref_slice %arg9[%dma_wait3A, %dma_wait3A_34] : memref<10000x128xf32, #tpu.memory_space<vmem_shared>> -> memref<400x128xf32, #tpu.memory_space<vmem_shared>>
        %dma_wait3A_36 = arith.constant 9600 : i32
        %dma_wait3A_37 = arith.constant 0 : i32
        %dma_wait3A_38 = tpu.memref_slice %arg4[%arg0, %dma_wait3A_36, %dma_wait3A_37] : memref<2x10000x128xf32, #tpu.memory_space<hbm>> -> memref<1x400x128xf32, #tpu.memory_space<hbm>>
        %dma_wait3A_39 = tpu.memref_squeeze %dma_wait3A_38 : memref<1x400x128xf32, #tpu.memory_space<hbm>> -> memref<400x128xf32, #tpu.memory_space<hbm>>
        tpu.wait_dma2 semaphore(%run_scoped3A : memref<!tpu.dma_semaphore, #tpu.memory_space<semaphore_mem>>) src(%dma_wait3A_39 : memref<400x128xf32, #tpu.memory_space<hbm>>) dst(%dma_wait3A_35 : memref<400x128xf32, #tpu.memory_space<vmem_shared>>)
        tpu.yield
      }) : () -> ()
    } else {
    }
    "tpu.region"() ({
      %run_scoped3A = tpu.sem_alloc : memref<!tpu.dma_semaphore, #tpu.memory_space<semaphore_mem>>
      %dma_start3A_27 = arith.constant 0 : i32
      %dma_start3A_28 = arith.constant 0 : i32
      %dma_start3A_29 = tpu.memref_slice %arg3[%add3A, %dma_start3A_27, %dma_start3A_28] : memref<32x25x80xi32, #tpu.memory_space<hbm>> -> memref<1x25x80xi32, #tpu.memory_space<hbm>>
      %dma_start3A_30 = tpu.memref_squeeze %dma_start3A_29 : memref<1x25x80xi32, #tpu.memory_space<hbm>> -> memref<25x80xi32, #tpu.memory_space<hbm>>
      %dma_start3A_31 = arith.constant 0 : i32
      %dma_start3A_32 = arith.constant 0 : i32
      %dma_start3A_33 = tpu.memref_slice %arg3[%add3A, %dma_start3A_31, %dma_start3A_32] : memref<32x25x80xi32, #tpu.memory_space<hbm>> -> memref<1x25x80xi32, #tpu.memory_space<hbm>>
      %dma_start3A_34 = tpu.memref_squeeze %dma_start3A_33 : memref<1x25x80xi32, #tpu.memory_space<hbm>> -> memref<25x80xi32, #tpu.memory_space<hbm>>
      tpu.enqueue_dma source(%dma_start3A_34 : memref<25x80xi32, #tpu.memory_space<hbm>>) target(%arg6 : memref<25x80xi32, #tpu.memory_space<vmem>>) target_semaphore(%run_scoped3A : memref<!tpu.dma_semaphore, #tpu.memory_space<semaphore_mem>>)
      %dma_wait3A = arith.constant 0 : i32
      %dma_wait3A_35 = arith.constant 0 : i32
      %dma_wait3A_36 = tpu.memref_slice %arg3[%add3A, %dma_wait3A, %dma_wait3A_35] : memref<32x25x80xi32, #tpu.memory_space<hbm>> -> memref<1x25x80xi32, #tpu.memory_space<hbm>>
      %dma_wait3A_37 = tpu.memref_squeeze %dma_wait3A_36 : memref<1x25x80xi32, #tpu.memory_space<hbm>> -> memref<25x80xi32, #tpu.memory_space<hbm>>
      %dma_wait3A_38 = arith.constant 0 : i32
      %dma_wait3A_39 = arith.constant 0 : i32
      %dma_wait3A_40 = tpu.memref_slice %arg3[%add3A, %dma_wait3A_38, %dma_wait3A_39] : memref<32x25x80xi32, #tpu.memory_space<hbm>> -> memref<1x25x80xi32, #tpu.memory_space<hbm>>
      %dma_wait3A_41 = tpu.memref_squeeze %dma_wait3A_40 : memref<1x25x80xi32, #tpu.memory_space<hbm>> -> memref<25x80xi32, #tpu.memory_space<hbm>>
      tpu.wait_dma2 semaphore(%run_scoped3A : memref<!tpu.dma_semaphore, #tpu.memory_space<semaphore_mem>>) src(%dma_wait3A_41 : memref<25x80xi32, #tpu.memory_space<hbm>>) dst(%arg6 : memref<25x80xi32, #tpu.memory_space<vmem>>)
      tpu.yield
    }) : () -> ()
    %barrier3A = arith.constant 0 : index
    tpu.barrier barrier_id(%barrier3A)
    %mul3A_7 = arith.constant 2000 : i32
    %mul3A_8 = arith.muli %add3A, %mul3A_7 : i32
    %dma_start3A = arith.constant 0 : i32
    %dma_start3A_9 = tpu.memref_slice %arg2[%mul3A_8, %dma_start3A] : memref<64000x128xf32, #tpu.memory_space<hbm>> -> memref<80x128xf32, #tpu.memory_space<hbm>>
    %dma_start3A_10 = arith.constant 0 : i32
    %dma_start3A_11 = tpu.memref_slice %arg2[%mul3A_8, %dma_start3A_10] : memref<64000x128xf32, #tpu.memory_space<hbm>> -> memref<80x128xf32, #tpu.memory_space<hbm>>
    tpu.enqueue_dma source(%dma_start3A_11 : memref<80x128xf32, #tpu.memory_space<hbm>>) target(%arg7 : memref<80x128xf32, #tpu.memory_space<vmem>>) target_semaphore(%arg10 : memref<!tpu.dma_semaphore, #tpu.memory_space<semaphore_mem>>)
    %scan3A = arith.constant 0 : i32
    %scan3A_12 = arith.constant 13 : i32
    %scan3A_13 = arith.addi %scan3A, %scan3A_12 : i32
    %scan3A_14 = arith.constant 1 : i32
    scf.for %scan3A_27 = %scan3A to %scan3A_13 step %scan3A_14  : i32 {
      %mul3A_28 = arith.constant 2 : i32
      %mul3A_29 = arith.muli %scan3A_27, %mul3A_28 : i32
      %add3A_30 = arith.constant 0 : i32
      %add3A_31 = arith.addi %add3A_30, %mul3A_29 : i32
      %mul3A_32 = arith.constant 80 : i32
      %mul3A_33 = arith.muli %add3A_31, %mul3A_32 : i32
      %add3A_34 = arith.addi %mul3A_8, %mul3A_33 : i32
      %multiple_of3A = tpu.assume_multiple %add3A_34, 80 : i32
      %dma_wait3A = arith.constant 0 : i32
      %dma_wait3A_35 = tpu.memref_slice %arg2[%multiple_of3A, %dma_wait3A] : memref<64000x128xf32, #tpu.memory_space<hbm>> -> memref<80x128xf32, #tpu.memory_space<hbm>>
      %dma_wait3A_36 = arith.constant 0 : i32
      %dma_wait3A_37 = tpu.memref_slice %arg2[%multiple_of3A, %dma_wait3A_36] : memref<64000x128xf32, #tpu.memory_space<hbm>> -> memref<80x128xf32, #tpu.memory_space<hbm>>
      tpu.wait_dma2 semaphore(%arg10 : memref<!tpu.dma_semaphore, #tpu.memory_space<semaphore_mem>>) src(%dma_wait3A_37 : memref<80x128xf32, #tpu.memory_space<hbm>>) dst(%arg7 : memref<80x128xf32, #tpu.memory_space<vmem>>)
      %add3A_38 = arith.constant 1 : i32
      %add3A_39 = arith.addi %add3A_31, %add3A_38 : i32
      %lt3A_40 = arith.constant 25 : i32
      %lt3A_41 = arith.cmpi slt, %add3A_39, %lt3A_40 : i32
      %convert_element_type3A_42 = arith.extui %lt3A_41 : i1 to i32
      %cond3A_43 = arith.constant 0 : i32
      %cond3A_44 = arith.cmpi ne, %convert_element_type3A_42, %cond3A_43 : i32
      scf.if %cond3A_44 {
        %add3A_52 = arith.constant 1 : i32
        %add3A_53 = arith.addi %add3A_31, %add3A_52 : i32
        %mul3A_54 = arith.constant 80 : i32
        %mul3A_55 = arith.muli %add3A_53, %mul3A_54 : i32
        %add3A_56 = arith.addi %mul3A_8, %mul3A_55 : i32
        %multiple_of3A_57 = tpu.assume_multiple %add3A_56, 80 : i32
        %dma_start3A_58 = arith.constant 0 : i32
        %dma_start3A_59 = tpu.memref_slice %arg2[%multiple_of3A_57, %dma_start3A_58] : memref<64000x128xf32, #tpu.memory_space<hbm>> -> memref<80x128xf32, #tpu.memory_space<hbm>>
        %dma_start3A_60 = arith.constant 0 : i32
        %dma_start3A_61 = tpu.memref_slice %arg2[%multiple_of3A_57, %dma_start3A_60] : memref<64000x128xf32, #tpu.memory_space<hbm>> -> memref<80x128xf32, #tpu.memory_space<hbm>>
        tpu.enqueue_dma source(%dma_start3A_61 : memref<80x128xf32, #tpu.memory_space<hbm>>) target(%arg8 : memref<80x128xf32, #tpu.memory_space<vmem>>) target_semaphore(%arg11 : memref<!tpu.dma_semaphore, #tpu.memory_space<semaphore_mem>>)
      } else {
      }
      "tpu.region"() ({
        %run_scoped3A = tpu.sem_alloc : memref<!tpu.dma_semaphore, #tpu.memory_space<semaphore_mem>>
        %dma_start3A_52 = arith.constant 0 : i32
        %dma_start3A_53 = tpu.memref_slice %arg6[%add3A_31, %dma_start3A_52] : memref<25x80xi32, #tpu.memory_space<vmem>> -> memref<1x80xi32, #tpu.memory_space<vmem>>
        %dma_start3A_54 = tpu.memref_squeeze %dma_start3A_53 : memref<1x80xi32, #tpu.memory_space<vmem>> -> memref<80xi32, #tpu.memory_space<vmem>>
        %dma_start3A_55 = arith.constant 0 : i32
        %dma_start3A_56 = arith.constant 0 : i32
        %dma_start3A_57 = tpu.memref_slice %arg9[%dma_start3A_55, %dma_start3A_56] : memref<10000x128xf32, #tpu.memory_space<vmem_shared>> -> memref<10000x128xf32, #tpu.memory_space<vmem_shared>>
        tpu.enqueue_indirect_dma source(%arg7 : memref<80x128xf32, #tpu.memory_space<vmem>>) target(%dma_start3A_57 : memref<10000x128xf32, #tpu.memory_space<vmem_shared>>) offsets(%dma_start3A_54 : memref<80xi32, #tpu.memory_space<vmem>>) semaphore(%run_scoped3A : memref<!tpu.dma_semaphore, #tpu.memory_space<semaphore_mem>>) {add = true}
        %dma_wait3A_58 = arith.constant 0 : i32
        %dma_wait3A_59 = tpu.memref_slice %arg6[%add3A_31, %dma_wait3A_58] : memref<25x80xi32, #tpu.memory_space<vmem>> -> memref<1x80xi32, #tpu.memory_space<vmem>>
        %dma_wait3A_60 = tpu.memref_squeeze %dma_wait3A_59 : memref<1x80xi32, #tpu.memory_space<vmem>> -> memref<80xi32, #tpu.memory_space<vmem>>
        %dma_wait3A_61 = arith.constant 0 : i32
        %dma_wait3A_62 = arith.constant 0 : i32
        %dma_wait3A_63 = tpu.memref_slice %arg9[%dma_wait3A_61, %dma_wait3A_62] : memref<10000x128xf32, #tpu.memory_space<vmem_shared>> -> memref<10000x128xf32, #tpu.memory_space<vmem_shared>>
        tpu.wait_indirect_dma semaphore(%run_scoped3A : memref<!tpu.dma_semaphore, #tpu.memory_space<semaphore_mem>>) src(%arg7 : memref<80x128xf32, #tpu.memory_space<vmem>>) dst(%dma_wait3A_63 : memref<10000x128xf32, #tpu.memory_space<vmem_shared>>)
        tpu.yield
      }) : () -> ()
      %add3A_45 = arith.constant 1 : i32
      %add3A_46 = arith.addi %add3A_31, %add3A_45 : i32
      %lt3A_47 = arith.constant 25 : i32
      %lt3A_48 = arith.cmpi slt, %add3A_46, %lt3A_47 : i32
      %convert_element_type3A_49 = arith.extui %lt3A_48 : i1 to i32
      %cond3A_50 = arith.constant 0 : i32
      %cond3A_51 = arith.cmpi ne, %convert_element_type3A_49, %cond3A_50 : i32
      scf.if %cond3A_51 {
        %add3A_52 = arith.constant 1 : i32
        %add3A_53 = arith.addi %add3A_31, %add3A_52 : i32
        %mul3A_54 = arith.constant 80 : i32
        %mul3A_55 = arith.muli %add3A_53, %mul3A_54 : i32
        %add3A_56 = arith.addi %mul3A_8, %mul3A_55 : i32
        %multiple_of3A_57 = tpu.assume_multiple %add3A_56, 80 : i32
        %dma_wait3A_58 = arith.constant 0 : i32
        %dma_wait3A_59 = tpu.memref_slice %arg2[%multiple_of3A_57, %dma_wait3A_58] : memref<64000x128xf32, #tpu.memory_space<hbm>> -> memref<80x128xf32, #tpu.memory_space<hbm>>
        %dma_wait3A_60 = arith.constant 0 : i32
        %dma_wait3A_61 = tpu.memref_slice %arg2[%multiple_of3A_57, %dma_wait3A_60] : memref<64000x128xf32, #tpu.memory_space<hbm>> -> memref<80x128xf32, #tpu.memory_space<hbm>>
        tpu.wait_dma2 semaphore(%arg11 : memref<!tpu.dma_semaphore, #tpu.memory_space<semaphore_mem>>) src(%dma_wait3A_61 : memref<80x128xf32, #tpu.memory_space<hbm>>) dst(%arg8 : memref<80x128xf32, #tpu.memory_space<vmem>>)
        %add3A_62 = arith.constant 2 : i32
        %add3A_63 = arith.addi %add3A_31, %add3A_62 : i32
        %lt3A_64 = arith.constant 25 : i32
        %lt3A_65 = arith.cmpi slt, %add3A_63, %lt3A_64 : i32
        %convert_element_type3A_66 = arith.extui %lt3A_65 : i1 to i32
        %cond3A_67 = arith.constant 0 : i32
        %cond3A_68 = arith.cmpi ne, %convert_element_type3A_66, %cond3A_67 : i32
        scf.if %cond3A_68 {
          %add3A_71 = arith.constant 2 : i32
          %add3A_72 = arith.addi %add3A_31, %add3A_71 : i32
          %mul3A_73 = arith.constant 80 : i32
          %mul3A_74 = arith.muli %add3A_72, %mul3A_73 : i32
          %add3A_75 = arith.addi %mul3A_8, %mul3A_74 : i32
          %multiple_of3A_76 = tpu.assume_multiple %add3A_75, 80 : i32
          %dma_start3A_77 = arith.constant 0 : i32
          %dma_start3A_78 = tpu.memref_slice %arg2[%multiple_of3A_76, %dma_start3A_77] : memref<64000x128xf32, #tpu.memory_space<hbm>> -> memref<80x128xf32, #tpu.memory_space<hbm>>
          %dma_start3A_79 = arith.constant 0 : i32
          %dma_start3A_80 = tpu.memref_slice %arg2[%multiple_of3A_76, %dma_start3A_79] : memref<64000x128xf32, #tpu.memory_space<hbm>> -> memref<80x128xf32, #tpu.memory_space<hbm>>
          tpu.enqueue_dma source(%dma_start3A_80 : memref<80x128xf32, #tpu.memory_space<hbm>>) target(%arg7 : memref<80x128xf32, #tpu.memory_space<vmem>>) target_semaphore(%arg10 : memref<!tpu.dma_semaphore, #tpu.memory_space<semaphore_mem>>)
        } else {
        }
        %add3A_69 = arith.constant 1 : i32
        %add3A_70 = arith.addi %add3A_31, %add3A_69 : i32
        "tpu.region"() ({
          %run_scoped3A = tpu.sem_alloc : memref<!tpu.dma_semaphore, #tpu.memory_space<semaphore_mem>>
          %dma_start3A_71 = arith.constant 0 : i32
          %dma_start3A_72 = tpu.memref_slice %arg6[%add3A_70, %dma_start3A_71] : memref<25x80xi32, #tpu.memory_space<vmem>> -> memref<1x80xi32, #tpu.memory_space<vmem>>
          %dma_start3A_73 = tpu.memref_squeeze %dma_start3A_72 : memref<1x80xi32, #tpu.memory_space<vmem>> -> memref<80xi32, #tpu.memory_space<vmem>>
          %dma_start3A_74 = arith.constant 0 : i32
          %dma_start3A_75 = arith.constant 0 : i32
          %dma_start3A_76 = tpu.memref_slice %arg9[%dma_start3A_74, %dma_start3A_75] : memref<10000x128xf32, #tpu.memory_space<vmem_shared>> -> memref<10000x128xf32, #tpu.memory_space<vmem_shared>>
          tpu.enqueue_indirect_dma source(%arg8 : memref<80x128xf32, #tpu.memory_space<vmem>>) target(%dma_start3A_76 : memref<10000x128xf32, #tpu.memory_space<vmem_shared>>) offsets(%dma_start3A_73 : memref<80xi32, #tpu.memory_space<vmem>>) semaphore(%run_scoped3A : memref<!tpu.dma_semaphore, #tpu.memory_space<semaphore_mem>>) {add = true}
          %dma_wait3A_77 = arith.constant 0 : i32
          %dma_wait3A_78 = tpu.memref_slice %arg6[%add3A_70, %dma_wait3A_77] : memref<25x80xi32, #tpu.memory_space<vmem>> -> memref<1x80xi32, #tpu.memory_space<vmem>>
          %dma_wait3A_79 = tpu.memref_squeeze %dma_wait3A_78 : memref<1x80xi32, #tpu.memory_space<vmem>> -> memref<80xi32, #tpu.memory_space<vmem>>
          %dma_wait3A_80 = arith.constant 0 : i32
          %dma_wait3A_81 = arith.constant 0 : i32
          %dma_wait3A_82 = tpu.memref_slice %arg9[%dma_wait3A_80, %dma_wait3A_81] : memref<10000x128xf32, #tpu.memory_space<vmem_shared>> -> memref<10000x128xf32, #tpu.memory_space<vmem_shared>>
          tpu.wait_indirect_dma semaphore(%run_scoped3A : memref<!tpu.dma_semaphore, #tpu.memory_space<semaphore_mem>>) src(%arg8 : memref<80x128xf32, #tpu.memory_space<vmem>>) dst(%dma_wait3A_82 : memref<10000x128xf32, #tpu.memory_space<vmem_shared>>)
          tpu.yield
        }) : () -> ()
      } else {
      }
    }
    %scan3A_15 = arith.constant 13 : i32
    %barrier3A_16 = arith.constant 0 : index
    tpu.barrier barrier_id(%barrier3A_16)
    %lt3A_17 = arith.constant 15 : i32
    %lt3A_18 = arith.cmpi slt, %arg1, %lt3A_17 : i32
    %convert_element_type3A_19 = arith.extui %lt3A_18 : i1 to i32
    %cond3A_20 = arith.constant 0 : i32
    %cond3A_21 = arith.cmpi ne, %convert_element_type3A_19, %cond3A_20 : i32
    scf.if %cond3A_21 {
      %mul3A_27 = arith.constant 640 : i32
      %mul3A_28 = arith.muli %arg1, %mul3A_27 : i32
      %mul3A_29 = arith.constant 640 : i32
      %mul3A_30 = arith.muli %arg1, %mul3A_29 : i32
      "tpu.region"() ({
        %run_scoped3A = tpu.sem_alloc : memref<!tpu.dma_semaphore, #tpu.memory_space<semaphore_mem>>
        %dma_start3A_31 = arith.constant 0 : i32
        %dma_start3A_32 = tpu.memref_slice %arg5[%arg0, %mul3A_30, %dma_start3A_31] : memref<2x10000x128xf32, #tpu.memory_space<hbm>> -> memref<1x640x128xf32, #tpu.memory_space<hbm>>
        %dma_start3A_33 = tpu.memref_squeeze %dma_start3A_32 : memref<1x640x128xf32, #tpu.memory_space<hbm>> -> memref<640x128xf32, #tpu.memory_space<hbm>>
        %dma_start3A_34 = arith.constant 0 : i32
        %dma_start3A_35 = tpu.memref_slice %arg9[%mul3A_28, %dma_start3A_34] : memref<10000x128xf32, #tpu.memory_space<vmem_shared>> -> memref<640x128xf32, #tpu.memory_space<vmem_shared>>
        tpu.enqueue_dma source(%dma_start3A_35 : memref<640x128xf32, #tpu.memory_space<vmem_shared>>) target(%dma_start3A_33 : memref<640x128xf32, #tpu.memory_space<hbm>>) target_semaphore(%run_scoped3A : memref<!tpu.dma_semaphore, #tpu.memory_space<semaphore_mem>>)
        %dma_wait3A = arith.constant 0 : i32
        %dma_wait3A_36 = tpu.memref_slice %arg5[%arg0, %mul3A_30, %dma_wait3A] : memref<2x10000x128xf32, #tpu.memory_space<hbm>> -> memref<1x640x128xf32, #tpu.memory_space<hbm>>
        %dma_wait3A_37 = tpu.memref_squeeze %dma_wait3A_36 : memref<1x640x128xf32, #tpu.memory_space<hbm>> -> memref<640x128xf32, #tpu.memory_space<hbm>>
        %dma_wait3A_38 = arith.constant 0 : i32
        %dma_wait3A_39 = tpu.memref_slice %arg9[%mul3A_28, %dma_wait3A_38] : memref<10000x128xf32, #tpu.memory_space<vmem_shared>> -> memref<640x128xf32, #tpu.memory_space<vmem_shared>>
        tpu.wait_dma2 semaphore(%run_scoped3A : memref<!tpu.dma_semaphore, #tpu.memory_space<semaphore_mem>>) src(%dma_wait3A_39 : memref<640x128xf32, #tpu.memory_space<vmem_shared>>) dst(%dma_wait3A_37 : memref<640x128xf32, #tpu.memory_space<hbm>>)
        tpu.yield
      }) : () -> ()
    } else {
    }
    %eq3A_22 = arith.constant 15 : i32
    %eq3A_23 = arith.cmpi eq, %arg1, %eq3A_22 : i32
    %convert_element_type3A_24 = arith.extui %eq3A_23 : i1 to i32
    %cond3A_25 = arith.constant 0 : i32
    %cond3A_26 = arith.cmpi ne, %convert_element_type3A_24, %cond3A_25 : i32
    scf.if %cond3A_26 {
      "tpu.region"() ({
        %run_scoped3A = tpu.sem_alloc : memref<!tpu.dma_semaphore, #tpu.memory_space<semaphore_mem>>
        %dma_start3A_27 = arith.constant 9600 : i32
        %dma_start3A_28 = arith.constant 0 : i32
        %dma_start3A_29 = tpu.memref_slice %arg5[%arg0, %dma_start3A_27, %dma_start3A_28] : memref<2x10000x128xf32, #tpu.memory_space<hbm>> -> memref<1x400x128xf32, #tpu.memory_space<hbm>>
        %dma_start3A_30 = tpu.memref_squeeze %dma_start3A_29 : memref<1x400x128xf32, #tpu.memory_space<hbm>> -> memref<400x128xf32, #tpu.memory_space<hbm>>
        %dma_start3A_31 = arith.constant 9600 : i32
        %dma_start3A_32 = arith.constant 0 : i32
        %dma_start3A_33 = tpu.memref_slice %arg9[%dma_start3A_31, %dma_start3A_32] : memref<10000x128xf32, #tpu.memory_space<vmem_shared>> -> memref<400x128xf32, #tpu.memory_space<vmem_shared>>
        tpu.enqueue_dma source(%dma_start3A_33 : memref<400x128xf32, #tpu.memory_space<vmem_shared>>) target(%dma_start3A_30 : memref<400x128xf32, #tpu.memory_space<hbm>>) target_semaphore(%run_scoped3A : memref<!tpu.dma_semaphore, #tpu.memory_space<semaphore_mem>>)
        %dma_wait3A = arith.constant 9600 : i32
        %dma_wait3A_34 = arith.constant 0 : i32
        %dma_wait3A_35 = tpu.memref_slice %arg5[%arg0, %dma_wait3A, %dma_wait3A_34] : memref<2x10000x128xf32, #tpu.memory_space<hbm>> -> memref<1x400x128xf32, #tpu.memory_space<hbm>>
        %dma_wait3A_36 = tpu.memref_squeeze %dma_wait3A_35 : memref<1x400x128xf32, #tpu.memory_space<hbm>> -> memref<400x128xf32, #tpu.memory_space<hbm>>
        %dma_wait3A_37 = arith.constant 9600 : i32
        %dma_wait3A_38 = arith.constant 0 : i32
        %dma_wait3A_39 = tpu.memref_slice %arg9[%dma_wait3A_37, %dma_wait3A_38] : memref<10000x128xf32, #tpu.memory_space<vmem_shared>> -> memref<400x128xf32, #tpu.memory_space<vmem_shared>>
        tpu.wait_dma2 semaphore(%run_scoped3A : memref<!tpu.dma_semaphore, #tpu.memory_space<semaphore_mem>>) src(%dma_wait3A_39 : memref<400x128xf32, #tpu.memory_space<vmem_shared>>) dst(%dma_wait3A_36 : memref<400x128xf32, #tpu.memory_space<hbm>>)
        tpu.yield
      }) : () -> ()
    } else {
    }
    return
  }
}

module attributes {stable_mosaic.version = 14 : i64} {
  func.func @_feat_body(%arg0: i32, %arg1: memref<1600x3xf32, #tpu.memory_space<vmem>>, %arg2: memref<9x384xf32, #tpu.memory_space<vmem>>, %arg3: memref<1600x128xf32, #tpu.memory_space<vmem>>) attributes {dimension_semantics = [#tpu.dimension_semantics<arbitrary>], iteration_bounds = array<i64: 40>, scalar_prefetch = 0 : i64, scratch_operands = 0 : i64, tpu.core_type = #tpu.core_type<tc>, window_params = [{transform_indices = @transform_0, window_bounds = array<i64: 1600, 3>}, {pipeline_mode = #tpu.pipeline_mode<synchronous>, transform_indices = @transform_1, window_bounds = array<i64: 9, 384>}, {transform_indices = @transform_2, window_bounds = array<i64: 1600, 128>}]} {
    %get3A = arith.constant 0 : index
    %get3A_0 = arith.constant 0 : index
    %get3A_1 = vector.load %arg1[%get3A, %get3A_0] : memref<1600x3xf32, #tpu.memory_space<vmem>>, vector<1600x3xf32>
    %mul3A = arith.mulf %get3A_1, %get3A_1 : vector<1600x3xf32>
    %slice3A = vector.extract_strided_slice %mul3A {offsets = [0, 0], sizes = [1600, 1], strides = [1, 1]} : vector<1600x3xf32> to vector<1600x1xf32>
    %slice3A_2 = vector.extract_strided_slice %mul3A {offsets = [0, 1], sizes = [1600, 1], strides = [1, 1]} : vector<1600x3xf32> to vector<1600x1xf32>
    %add3A = arith.addf %slice3A, %slice3A_2 : vector<1600x1xf32>
    %slice3A_3 = vector.extract_strided_slice %mul3A {offsets = [0, 2], sizes = [1600, 1], strides = [1, 1]} : vector<1600x3xf32> to vector<1600x1xf32>
    %add3A_4 = arith.addf %add3A, %slice3A_3 : vector<1600x1xf32>
    %rsqrt3A = math.rsqrt %add3A_4 : vector<1600x1xf32>
    %mul3A_5 = arith.mulf %add3A_4, %rsqrt3A : vector<1600x1xf32>
    %mul3A_6 = arith.constant 2.000000e-01 : f32
    %mul3A_7 = vector.broadcast %mul3A_6 : f32 to vector<1600x1xf32>
    %mul3A_8 = arith.mulf %mul3A_5, %mul3A_7 : vector<1600x1xf32>
    %mul3A_9 = arith.mulf %mul3A_8, %mul3A_8 : vector<1600x1xf32>
    %mul3A_10 = arith.mulf %mul3A_9, %mul3A_8 : vector<1600x1xf32>
    %mul3A_11 = arith.mulf %mul3A_10, %mul3A_10 : vector<1600x1xf32>
    %mul3A_12 = arith.constant 2.100000e+01 : f32
    %mul3A_13 = vector.broadcast %mul3A_12 : f32 to vector<1600x1xf32>
    %mul3A_14 = arith.mulf %mul3A_13, %mul3A_8 : vector<1600x1xf32>
    %sub3A = arith.constant 4.800000e+01 : f32
    %sub3A_15 = vector.broadcast %sub3A : f32 to vector<1600x1xf32>
    %sub3A_16 = arith.subf %sub3A_15, %mul3A_14 : vector<1600x1xf32>
    %mul3A_17 = arith.mulf %mul3A_8, %sub3A_16 : vector<1600x1xf32>
    %add3A_18 = arith.constant -2.800000e+01 : f32
    %add3A_19 = vector.broadcast %add3A_18 : f32 to vector<1600x1xf32>
    %add3A_20 = arith.addf %add3A_19, %mul3A_17 : vector<1600x1xf32>
    %mul3A_21 = arith.mulf %mul3A_11, %add3A_20 : vector<1600x1xf32>
    %add3A_22 = arith.constant 1.000000e+00 : f32
    %add3A_23 = vector.broadcast %add3A_22 : f32 to vector<1600x1xf32>
    %add3A_24 = arith.addf %add3A_23, %mul3A_21 : vector<1600x1xf32>
    %lt3A = arith.constant 5.000000e+00 : f32
    %lt3A_25 = vector.broadcast %lt3A : f32 to vector<1600x1xf32>
    %lt3A_26 = arith.cmpf olt, %mul3A_5, %lt3A_25 : vector<1600x1xf32>
    %jit3A = arith.constant 0.000000e+00 : f32
    %broadcast_in_dim3A = vector.broadcast %jit3A : f32 to vector<1600x1xf32>
    %select_n3A = arith.select %lt3A_26, %add3A_24, %broadcast_in_dim3A : vector<1600x1xi1>, vector<1600x1xf32>
    %sqrt3A = arith.constant 4.000000e-01 : f32
    %sqrt3A_27 = math.sqrt %sqrt3A : f32
    %mul3A_28 = vector.broadcast %sqrt3A_27 : f32 to vector<1600x1xf32>
    %mul3A_29 = arith.mulf %mul3A_28, %rsqrt3A : vector<1600x1xf32>
    %mul3A_30 = arith.mulf %select_n3A, %mul3A_29 : vector<1600x1xf32>
    %mul3A_31 = arith.mulf %mul3A_30, %rsqrt3A : vector<1600x1xf32>
    %mul3A_32 = arith.mulf %select_n3A, %rsqrt3A : vector<1600x1xf32>
    %mul3A_33 = vector.broadcast %mul3A_31 : vector<1600x1xf32> to vector<1600x3xf32>
    %mul3A_34 = arith.mulf %mul3A_33, %get3A_1 : vector<1600x3xf32>
    %mul3A_35 = vector.broadcast %mul3A_32 : vector<1600x1xf32> to vector<1600x3xf32>
    %mul3A_36 = arith.mulf %mul3A_35, %get3A_1 : vector<1600x3xf32>
    %concatenate3A = tpu.concatenate %mul3A_5, %mul3A_30, %mul3A_34, %select_n3A, %mul3A_36 in 1 : vector<1600x1xf32>, vector<1600x1xf32>, vector<1600x3xf32>, vector<1600x1xf32>, vector<1600x3xf32> -> vector<1600x9xf32>
    %get3A_37 = arith.constant 0 : index
    %get3A_38 = arith.constant 0 : index
    %get3A_39 = vector.load %arg2[%get3A_37, %get3A_38] : memref<9x384xf32, #tpu.memory_space<vmem>>, vector<9x384xf32>
    %dot_general3A = arith.constant dense<0.000000e+00> : vector<1600x384xf32>
    %dot_general3A_40 = tpu.matmul %concatenate3A, %get3A_39, %dot_general3A {dimension_numbers = #tpu.dot_dimension_numbers<[1], [0], [0], [1], [0, 0, 1, 1], [], []>, precision = #tpu.contract_precision<fp32>, transpose_lhs_hint = false} : vector<1600x9xf32>, vector<9x384xf32>, vector<1600x384xf32> -> vector<1600x384xf32>
    %slice3A_41 = vector.extract_strided_slice %dot_general3A_40 {offsets = [0, 0], sizes = [1600, 128], strides = [1, 1]} : vector<1600x384xf32> to vector<1600x128xf32>
    %slice3A_42 = vector.extract_strided_slice %dot_general3A_40 {offsets = [0, 128], sizes = [1600, 128], strides = [1, 1]} : vector<1600x384xf32> to vector<1600x128xf32>
    %slice3A_43 = vector.extract_strided_slice %dot_general3A_40 {offsets = [0, 256], sizes = [1600, 128], strides = [1, 1]} : vector<1600x384xf32> to vector<1600x128xf32>
    %mul3A_44 = arith.constant 0.318309873 : f32
    %mul3A_45 = vector.broadcast %mul3A_44 : f32 to vector<1600x128xf32>
    %mul3A_46 = arith.mulf %slice3A_41, %mul3A_45 : vector<1600x128xf32>
    %add3A_47 = arith.constant 5.000000e-01 : f32
    %add3A_48 = vector.broadcast %add3A_47 : f32 to vector<1600x128xf32>
    %add3A_49 = arith.addf %mul3A_46, %add3A_48 : vector<1600x128xf32>
    %floor3A = math.floor %add3A_49 : vector<1600x128xf32>
    %mul3A_50 = arith.constant 3.14159274 : f32
    %mul3A_51 = vector.broadcast %mul3A_50 : f32 to vector<1600x128xf32>
    %mul3A_52 = arith.mulf %floor3A, %mul3A_51 : vector<1600x128xf32>
    %sub3A_53 = arith.subf %slice3A_41, %mul3A_52 : vector<1600x128xf32>
    %mul3A_54 = arith.constant 5.000000e-01 : f32
    %mul3A_55 = vector.broadcast %mul3A_54 : f32 to vector<1600x128xf32>
    %mul3A_56 = arith.mulf %mul3A_55, %floor3A : vector<1600x128xf32>
    %floor3A_57 = math.floor %mul3A_56 : vector<1600x128xf32>
    %sub3A_58 = arith.subf %mul3A_56, %floor3A_57 : vector<1600x128xf32>
    %mul3A_59 = arith.constant 4.000000e+00 : f32
    %mul3A_60 = vector.broadcast %mul3A_59 : f32 to vector<1600x128xf32>
    %mul3A_61 = arith.mulf %mul3A_60, %sub3A_58 : vector<1600x128xf32>
    %sub3A_62 = arith.constant 1.000000e+00 : f32
    %sub3A_63 = vector.broadcast %sub3A_62 : f32 to vector<1600x128xf32>
    %sub3A_64 = arith.subf %sub3A_63, %mul3A_61 : vector<1600x128xf32>
    %mul3A_65 = arith.mulf %sub3A_53, %sub3A_53 : vector<1600x128xf32>
    %mul3A_66 = arith.constant 2.75573188E-6 : f32
    %mul3A_67 = vector.broadcast %mul3A_66 : f32 to vector<1600x128xf32>
    %mul3A_68 = arith.mulf %mul3A_65, %mul3A_67 : vector<1600x128xf32>
    %add3A_69 = arith.constant -1.98412701E-4 : f32
    %add3A_70 = vector.broadcast %add3A_69 : f32 to vector<1600x128xf32>
    %add3A_71 = arith.addf %add3A_70, %mul3A_68 : vector<1600x128xf32>
    %mul3A_72 = arith.mulf %mul3A_65, %add3A_71 : vector<1600x128xf32>
    %add3A_73 = arith.constant 0.00833333377 : f32
    %add3A_74 = vector.broadcast %add3A_73 : f32 to vector<1600x128xf32>
    %add3A_75 = arith.addf %add3A_74, %mul3A_72 : vector<1600x128xf32>
    %mul3A_76 = arith.mulf %mul3A_65, %add3A_75 : vector<1600x128xf32>
    %add3A_77 = arith.constant -0.166666672 : f32
    %add3A_78 = vector.broadcast %add3A_77 : f32 to vector<1600x128xf32>
    %add3A_79 = arith.addf %add3A_78, %mul3A_76 : vector<1600x128xf32>
    %mul3A_80 = arith.mulf %mul3A_65, %add3A_79 : vector<1600x128xf32>
    %add3A_81 = arith.constant 1.000000e+00 : f32
    %add3A_82 = vector.broadcast %add3A_81 : f32 to vector<1600x128xf32>
    %add3A_83 = arith.addf %add3A_82, %mul3A_80 : vector<1600x128xf32>
    %mul3A_84 = arith.mulf %sub3A_53, %add3A_83 : vector<1600x128xf32>
    %mul3A_85 = arith.mulf %sub3A_64, %mul3A_84 : vector<1600x128xf32>
    %mul3A_86 = arith.mulf %mul3A_85, %slice3A_42 : vector<1600x128xf32>
    %add3A_87 = arith.addf %mul3A_86, %slice3A_43 : vector<1600x128xf32>
    %swap3A = arith.constant 0 : index
    %swap3A_88 = arith.constant 0 : index
    %swap3A_89 = vector.load %arg3[%swap3A, %swap3A_88] : memref<1600x128xf32, #tpu.memory_space<vmem>>, vector<1600x128xf32>
    tpu.vector_store %arg3[%swap3A, %swap3A_88], %add3A_87 {strides = array<i32>} : memref<1600x128xf32, #tpu.memory_space<vmem>>, vector<1600x128xf32>,
    return
  }
  func.func @transform_0(%arg0: i32) -> (i32, i32) {
    %c0_i32 = arith.constant 0 : i32
    %c0_i32_0 = arith.constant 0 : i32
    return %arg0, %c0_i32 : i32, i32
  }
  func.func @transform_1(%arg0: i32) -> (i32, i32) {
    %c0_i32 = arith.constant 0 : i32
    %c0_i32_0 = arith.constant 0 : i32
    %c0_i32_1 = arith.constant 0 : i32
    return %c0_i32, %c0_i32_0 : i32, i32
  }
  func.func @transform_2(%arg0: i32) -> (i32, i32) {
    %c0_i32 = arith.constant 0 : i32
    %c0_i32_0 = arith.constant 0 : i32
    return %arg0, %c0_i32 : i32, i32
  }
}

module attributes {stable_mosaic.version = 14 : i64} {
  func.func @_combine_body(%arg0: i32, %arg1: memref<2x400x128xf32, #tpu.memory_space<vmem>>, %arg2: memref<400x128xf32, #tpu.memory_space<vmem>>, %arg3: memref<3x400x128xf32, #tpu.memory_space<vmem>>, %arg4: memref<32x384xf32, #tpu.memory_space<vmem>>, %arg5: memref<128x128xf32, #tpu.memory_space<vmem>>, %arg6: memref<1x128xf32, #tpu.memory_space<vmem>>, %arg7: memref<128x384xf32, #tpu.memory_space<vmem>>, %arg8: memref<1x384xf32, #tpu.memory_space<vmem>>, %arg9: memref<3x400x128xf32, #tpu.memory_space<vmem>>, %arg10: memref<400x128xf32, #tpu.memory_space<vmem>>) attributes {dimension_semantics = [#tpu.dimension_semantics<arbitrary>], iteration_bounds = array<i64: 25>, scalar_prefetch = 0 : i64, scratch_operands = 0 : i64, tpu.core_type = #tpu.core_type<tc>, window_params = [{transform_indices = @transform_0, window_bounds = array<i64: 2, 400, 128>}, {transform_indices = @transform_1, window_bounds = array<i64: 400, 128>}, {transform_indices = @transform_2, window_bounds = array<i64: 3, 400, 128>}, {pipeline_mode = #tpu.pipeline_mode<synchronous>, transform_indices = @transform_3, window_bounds = array<i64: 32, 384>}, {pipeline_mode = #tpu.pipeline_mode<synchronous>, transform_indices = @transform_4, window_bounds = array<i64: 128, 128>}, {pipeline_mode = #tpu.pipeline_mode<synchronous>, transform_indices = @transform_5, window_bounds = array<i64: 1, 128>}, {pipeline_mode = #tpu.pipeline_mode<synchronous>, transform_indices = @transform_6, window_bounds = array<i64: 128, 384>}, {pipeline_mode = #tpu.pipeline_mode<synchronous>, transform_indices = @transform_7, window_bounds = array<i64: 1, 384>}, {transform_indices = @transform_8, window_bounds = array<i64: 3, 400, 128>}, {transform_indices = @transform_9, window_bounds = array<i64: 400, 128>}]} {
    %get3A = arith.constant 0 : index
    %get3A_0 = arith.constant 0 : index
    %get3A_1 = arith.constant 0 : index
    %get3A_2 = vector.load %arg1[%get3A, %get3A_0, %get3A_1] : memref<2x400x128xf32, #tpu.memory_space<vmem>>, vector<2x400x128xf32>
    %slice3A = vector.extract_strided_slice %get3A_2 {offsets = [0, 0, 0], sizes = [1, 400, 128], strides = [1, 1, 1]} : vector<2x400x128xf32> to vector<1x400x128xf32>
    %squeeze3A = vector.shape_cast %slice3A : vector<1x400x128xf32> to vector<400x128xf32>
    %slice3A_3 = vector.extract_strided_slice %get3A_2 {offsets = [1, 0, 0], sizes = [1, 400, 128], strides = [1, 1, 1]} : vector<2x400x128xf32> to vector<1x400x128xf32>
    %squeeze3A_4 = vector.shape_cast %slice3A_3 : vector<1x400x128xf32> to vector<400x128xf32>
    %add3A = arith.addf %squeeze3A, %squeeze3A_4 : vector<400x128xf32>
    %get3A_5 = arith.constant 0 : index
    %get3A_6 = arith.constant 0 : index
    %get3A_7 = vector.load %arg2[%get3A_5, %get3A_6] : memref<400x128xf32, #tpu.memory_space<vmem>>, vector<400x128xf32>
    %get3A_8 = arith.constant 0 : index
    %get3A_9 = arith.constant 0 : index
    %get3A_10 = vector.load %arg5[%get3A_8, %get3A_9] : memref<128x128xf32, #tpu.memory_space<vmem>>, vector<128x128xf32>
    %dot_general3A = arith.constant dense<0.000000e+00> : vector<400x128xf32>
    %dot_general3A_11 = tpu.matmul %get3A_7, %get3A_10, %dot_general3A {dimension_numbers = #tpu.dot_dimension_numbers<[1], [0], [0], [1], [0, 0, 1, 1], [], []>, precision = #tpu.contract_precision<fp32>, transpose_lhs_hint = false} : vector<400x128xf32>, vector<128x128xf32>, vector<400x128xf32> -> vector<400x128xf32>
    %get3A_12 = arith.constant 0 : index
    %get3A_13 = arith.constant 0 : index
    %get3A_14 = vector.load %arg6[%get3A_12, %get3A_13] : memref<1x128xf32, #tpu.memory_space<vmem>>, vector<1x128xf32>
    %add3A_15 = vector.broadcast %get3A_14 : vector<1x128xf32> to vector<400x128xf32>
    %add3A_16 = arith.addf %dot_general3A_11, %add3A_15 : vector<400x128xf32>
    %neg3A = arith.constant 0.000000e+00 : f32
    %neg3A_17 = vector.broadcast %neg3A : f32 to vector<400x128xf32>
    %neg3A_18 = arith.subf %neg3A_17, %add3A_16 : vector<400x128xf32>
    %exp3A = math.exp %neg3A_18 : vector<400x128xf32>
    %add3A_19 = arith.constant 1.000000e+00 : f32
    %add3A_20 = vector.broadcast %add3A_19 : f32 to vector<400x128xf32>
    %add3A_21 = arith.addf %add3A_20, %exp3A : vector<400x128xf32>
    %div3A = arith.constant 1.000000e+00 : f32
    %div3A_22 = vector.broadcast %div3A : f32 to vector<400x128xf32>
    %div3A_23 = arith.divf %div3A_22, %add3A_21 : vector<400x128xf32>
    %mul3A = arith.mulf %add3A_16, %div3A_23 : vector<400x128xf32>
    %get3A_24 = arith.constant 0 : index
    %get3A_25 = arith.constant 0 : index
    %get3A_26 = vector.load %arg7[%get3A_24, %get3A_25] : memref<128x384xf32, #tpu.memory_space<vmem>>, vector<128x384xf32>
    %dot_general3A_27 = arith.constant dense<0.000000e+00> : vector<400x384xf32>
    %dot_general3A_28 = tpu.matmul %mul3A, %get3A_26, %dot_general3A_27 {dimension_numbers = #tpu.dot_dimension_numbers<[1], [0], [0], [1], [0, 0, 1, 1], [], []>, precision = #tpu.contract_precision<fp32>, transpose_lhs_hint = false} : vector<400x128xf32>, vector<128x384xf32>, vector<400x384xf32> -> vector<400x384xf32>
    %get3A_29 = arith.constant 0 : index
    %get3A_30 = arith.constant 0 : index
    %get3A_31 = vector.load %arg8[%get3A_29, %get3A_30] : memref<1x384xf32, #tpu.memory_space<vmem>>, vector<1x384xf32>
    %add3A_32 = vector.broadcast %get3A_31 : vector<1x384xf32> to vector<400x384xf32>
    %add3A_33 = arith.addf %dot_general3A_28, %add3A_32 : vector<400x384xf32>
    %get3A_34 = arith.constant 0 : index
    %get3A_35 = arith.constant 0 : index
    %get3A_36 = vector.load %arg4[%get3A_34, %get3A_35] : memref<32x384xf32, #tpu.memory_space<vmem>>, vector<32x384xf32>
    %slice3A_37 = vector.extract_strided_slice %add3A {offsets = [0, 0], sizes = [400, 32], strides = [1, 1]} : vector<400x128xf32> to vector<400x32xf32>
    %slice3A_38 = vector.extract_strided_slice %get3A_36 {offsets = [0, 0], sizes = [32, 128], strides = [1, 1]} : vector<32x384xf32> to vector<32x128xf32>
    %dot_general3A_39 = arith.constant dense<0.000000e+00> : vector<400x128xf32>
    %dot_general3A_40 = tpu.matmul %slice3A_37, %slice3A_38, %dot_general3A_39 {dimension_numbers = #tpu.dot_dimension_numbers<[1], [0], [0], [1], [0, 0, 1, 1], [], []>, precision = #tpu.contract_precision<fp32>, transpose_lhs_hint = false} : vector<400x32xf32>, vector<32x128xf32>, vector<400x128xf32> -> vector<400x128xf32>
    %slice3A_41 = vector.extract_strided_slice %get3A_36 {offsets = [0, 256], sizes = [32, 128], strides = [1, 1]} : vector<32x384xf32> to vector<32x128xf32>
    %dot_general3A_42 = arith.constant dense<0.000000e+00> : vector<400x128xf32>
    %dot_general3A_43 = tpu.matmul %slice3A_37, %slice3A_41, %dot_general3A_42 {dimension_numbers = #tpu.dot_dimension_numbers<[1], [0], [0], [1], [0, 0, 1, 1], [], []>, precision = #tpu.contract_precision<fp32>, transpose_lhs_hint = false} : vector<400x32xf32>, vector<32x128xf32>, vector<400x128xf32> -> vector<400x128xf32>
    %slice3A_44 = vector.extract_strided_slice %add3A_33 {offsets = [0, 0], sizes = [400, 128], strides = [1, 1]} : vector<400x384xf32> to vector<400x128xf32>
    %mul3A_45 = arith.mulf %slice3A_44, %dot_general3A_40 : vector<400x128xf32>
    %slice3A_46 = vector.extract_strided_slice %add3A_33 {offsets = [0, 256], sizes = [400, 128], strides = [1, 1]} : vector<400x384xf32> to vector<400x128xf32>
    %mul3A_47 = arith.mulf %slice3A_46, %dot_general3A_43 : vector<400x128xf32>
    %slice3A_48 = vector.extract_strided_slice %add3A_33 {offsets = [0, 128], sizes = [400, 128], strides = [1, 1]} : vector<400x384xf32> to vector<400x128xf32>
    %get3A_49 = arith.constant 0 : index
    %get3A_50 = arith.constant 0 : index
    %get3A_51 = arith.constant 0 : index
    %get3A_52 = vector.load %arg3[%get3A_49, %get3A_50, %get3A_51] : memref<3x400x128xf32, #tpu.memory_space<vmem>>, vector<3x400x128xf32>
    %slice3A_53 = vector.extract_strided_slice %add3A {offsets = [0, 32], sizes = [400, 32], strides = [1, 1]} : vector<400x128xf32> to vector<400x32xf32>
    %slice3A_54 = vector.extract_strided_slice %get3A_36 {offsets = [0, 128], sizes = [32, 128], strides = [1, 1]} : vector<32x384xf32> to vector<32x128xf32>
    %dot_general3A_55 = arith.constant dense<0.000000e+00> : vector<400x128xf32>
    %dot_general3A_56 = tpu.matmul %slice3A_53, %slice3A_54, %dot_general3A_55 {dimension_numbers = #tpu.dot_dimension_numbers<[1], [0], [0], [1], [0, 0, 1, 1], [], []>, precision = #tpu.contract_precision<fp32>, transpose_lhs_hint = false} : vector<400x32xf32>, vector<32x128xf32>, vector<400x128xf32> -> vector<400x128xf32>
    %mul3A_57 = arith.mulf %slice3A_48, %dot_general3A_56 : vector<400x128xf32>
    %slice3A_58 = vector.extract_strided_slice %get3A_52 {offsets = [0, 0, 0], sizes = [1, 400, 128], strides = [1, 1, 1]} : vector<3x400x128xf32> to vector<1x400x128xf32>
    %squeeze3A_59 = vector.shape_cast %slice3A_58 : vector<1x400x128xf32> to vector<400x128xf32>
    %mul3A_60 = arith.mulf %mul3A_47, %squeeze3A_59 : vector<400x128xf32>
    %add3A_61 = arith.addf %mul3A_57, %mul3A_60 : vector<400x128xf32>
    %slice3A_62 = vector.extract_strided_slice %add3A {offsets = [0, 64], sizes = [400, 32], strides = [1, 1]} : vector<400x128xf32> to vector<400x32xf32>
    %slice3A_63 = vector.extract_strided_slice %get3A_36 {offsets = [0, 128], sizes = [32, 128], strides = [1, 1]} : vector<32x384xf32> to vector<32x128xf32>
    %dot_general3A_64 = arith.constant dense<0.000000e+00> : vector<400x128xf32>
    %dot_general3A_65 = tpu.matmul %slice3A_62, %slice3A_63, %dot_general3A_64 {dimension_numbers = #tpu.dot_dimension_numbers<[1], [0], [0], [1], [0, 0, 1, 1], [], []>, precision = #tpu.contract_precision<fp32>, transpose_lhs_hint = false} : vector<400x32xf32>, vector<32x128xf32>, vector<400x128xf32> -> vector<400x128xf32>
    %mul3A_66 = arith.mulf %slice3A_48, %dot_general3A_65 : vector<400x128xf32>
    %slice3A_67 = vector.extract_strided_slice %get3A_52 {offsets = [1, 0, 0], sizes = [1, 400, 128], strides = [1, 1, 1]} : vector<3x400x128xf32> to vector<1x400x128xf32>
    %squeeze3A_68 = vector.shape_cast %slice3A_67 : vector<1x400x128xf32> to vector<400x128xf32>
    %mul3A_69 = arith.mulf %mul3A_47, %squeeze3A_68 : vector<400x128xf32>
    %add3A_70 = arith.addf %mul3A_66, %mul3A_69 : vector<400x128xf32>
    %slice3A_71 = vector.extract_strided_slice %add3A {offsets = [0, 96], sizes = [400, 32], strides = [1, 1]} : vector<400x128xf32> to vector<400x32xf32>
    %slice3A_72 = vector.extract_strided_slice %get3A_36 {offsets = [0, 128], sizes = [32, 128], strides = [1, 1]} : vector<32x384xf32> to vector<32x128xf32>
    %dot_general3A_73 = arith.constant dense<0.000000e+00> : vector<400x128xf32>
    %dot_general3A_74 = tpu.matmul %slice3A_71, %slice3A_72, %dot_general3A_73 {dimension_numbers = #tpu.dot_dimension_numbers<[1], [0], [0], [1], [0, 0, 1, 1], [], []>, precision = #tpu.contract_precision<fp32>, transpose_lhs_hint = false} : vector<400x32xf32>, vector<32x128xf32>, vector<400x128xf32> -> vector<400x128xf32>
    %mul3A_75 = arith.mulf %slice3A_48, %dot_general3A_74 : vector<400x128xf32>
    %slice3A_76 = vector.extract_strided_slice %get3A_52 {offsets = [2, 0, 0], sizes = [1, 400, 128], strides = [1, 1, 1]} : vector<3x400x128xf32> to vector<1x400x128xf32>
    %squeeze3A_77 = vector.shape_cast %slice3A_76 : vector<1x400x128xf32> to vector<400x128xf32>
    %mul3A_78 = arith.mulf %mul3A_47, %squeeze3A_77 : vector<400x128xf32>
    %add3A_79 = arith.addf %mul3A_75, %mul3A_78 : vector<400x128xf32>
    %stack3A = vector.shape_cast %add3A_61 : vector<400x128xf32> to vector<1x400x128xf32>
    %stack3A_80 = vector.shape_cast %add3A_70 : vector<400x128xf32> to vector<1x400x128xf32>
    %stack3A_81 = vector.shape_cast %add3A_79 : vector<400x128xf32> to vector<1x400x128xf32>
    %stack3A_82 = tpu.concatenate %stack3A, %stack3A_80, %stack3A_81 in 0 : vector<1x400x128xf32>, vector<1x400x128xf32>, vector<1x400x128xf32> -> vector<3x400x128xf32>
    %swap3A = arith.constant 0 : index
    %swap3A_83 = arith.constant 0 : index
    %swap3A_84 = arith.constant 0 : index
    %swap3A_85 = vector.load %arg9[%swap3A, %swap3A_83, %swap3A_84] : memref<3x400x128xf32, #tpu.memory_space<vmem>>, vector<3x400x128xf32>
    tpu.vector_store %arg9[%swap3A, %swap3A_83, %swap3A_84], %stack3A_82 {strides = array<i32>} : memref<3x400x128xf32, #tpu.memory_space<vmem>>, vector<3x400x128xf32>,
    %swap3A_86 = arith.constant 0 : index
    %swap3A_87 = arith.constant 0 : index
    %swap3A_88 = vector.load %arg10[%swap3A_86, %swap3A_87] : memref<400x128xf32, #tpu.memory_space<vmem>>, vector<400x128xf32>
    tpu.vector_store %arg10[%swap3A_86, %swap3A_87], %mul3A_45 {strides = array<i32>} : memref<400x128xf32, #tpu.memory_space<vmem>>, vector<400x128xf32>,
    return
  }
  func.func @transform_0(%arg0: i32) -> (i32, i32, i32) {
    %c0_i32 = arith.constant 0 : i32
    %c0_i32_0 = arith.constant 0 : i32
    %c0_i32_1 = arith.constant 0 : i32
    return %c0_i32, %arg0, %c0_i32_0 : i32, i32, i32
  }
  func.func @transform_1(%arg0: i32) -> (i32, i32) {
    %c0_i32 = arith.constant 0 : i32
    %c0_i32_0 = arith.constant 0 : i32
    return %arg0, %c0_i32 : i32, i32
  }
  func.func @transform_2(%arg0: i32) -> (i32, i32, i32) {
    %c0_i32 = arith.constant 0 : i32
    %c0_i32_0 = arith.constant 0 : i32
    %c0_i32_1 = arith.constant 0 : i32
    return %c0_i32, %arg0, %c0_i32_0 : i32, i32, i32
  }
  func.func @transform_3(%arg0: i32) -> (i32, i32) {
    %c0_i32 = arith.constant 0 : i32
    %c0_i32_0 = arith.constant 0 : i32
    %c0_i32_1 = arith.constant 0 : i32
    return %c0_i32, %c0_i32_0 : i32, i32
  }
  func.func @transform_4(%arg0: i32) -> (i32, i32) {
    %c0_i32 = arith.constant 0 : i32
    %c0_i32_0 = arith.constant 0 : i32
    %c0_i32_1 = arith.constant 0 : i32
    return %c0_i32, %c0_i32_0 : i32, i32
  }
  func.func @transform_5(%arg0: i32) -> (i32, i32) {
    %c0_i32 = arith.constant 0 : i32
    %c0_i32_0 = arith.constant 0 : i32
    %c0_i32_1 = arith.constant 0 : i32
    return %c0_i32, %c0_i32_0 : i32, i32
  }
  func.func @transform_6(%arg0: i32) -> (i32, i32) {
    %c0_i32 = arith.constant 0 : i32
    %c0_i32_0 = arith.constant 0 : i32
    %c0_i32_1 = arith.constant 0 : i32
    return %c0_i32, %c0_i32_0 : i32, i32
  }
  func.func @transform_7(%arg0: i32) -> (i32, i32) {
    %c0_i32 = arith.constant 0 : i32
    %c0_i32_0 = arith.constant 0 : i32
    %c0_i32_1 = arith.constant 0 : i32
    return %c0_i32, %c0_i32_0 : i32, i32
  }
  func.func @transform_8(%arg0: i32) -> (i32, i32, i32) {
    %c0_i32 = arith.constant 0 : i32
    %c0_i32_0 = arith.constant 0 : i32
    %c0_i32_1 = arith.constant 0 : i32
    return %c0_i32, %arg0, %c0_i32_0 : i32, i32, i32
  }
  func.func @transform_9(%arg0: i32) -> (i32, i32) {
    %c0_i32 = arith.constant 0 : i32
    %c0_i32_0 = arith.constant 0 : i32
    return %arg0, %c0_i32 : i32, i32
  }
}

</mosaic_0001>

<sc_bundles>
// kernel: kernel.13.cloned.1.call-start
scs
__scs_entry_jumppad:
0x0: {  	(pc) =	sbr.rel $0x88, $3  }
0x1: {  	(tag) =	ssettag $0x0;
	lr =	simm.s32 $0x1  }
0x2: {  	[smem:$0x3F97] =	sst lr;
	_ =	strace $0xD0000000  }
0x3: {  	_ = 	snop  }
0x4: {  	_ = 	snop  }
0x5: {  	_ = 	snop  }
0x6: {  	_ = 	snop  }
0x7: {  	_ = 	snop  }
__scs_overlays_trampoline_lowered:
0x8: {  	[smem:$0x3FA6] =	sst s0  }
0x9: {  	[smem:$0x3FA7] =	sst s1  }
0xa: {  	[smem:$0x3FA8] =	sst s2  }
0xb: {  	[smem:$0x3FA9] =	sst s3  }
0xc: {  	[smem:$0x3FAA] =	sst s4  }
0xd: {  	[smem:$0x3FAB] =	sst s5  }
0xe: {  	[smem:$0x3FAC] =	sst s6  }
0xf: {  	[smem:$0x3FAD] =	sst s7  }
0x10: {  	[smem:$0x3FAE] =	sst s8  }
0x11: {  	[smem:$0x3FAF] =	sst s9;
	s0 =	simm.s32 @!p0 $0x0  }
0x12: {  	s1 =	sld [smem:$0x3F95];
	s0 =	simm.s32 @p0 $0x1  }
0x13: {  	[smem:$0x3FB0] =	sst s0;
	s0 =	simm.s32 @!p1 $0x0  }
0x14: {  	s2 =	sld [smem:$0x3F94];
	s0 =	simm.s32 @p1 $0x1  }
0x15: {  	[smem:$0x3FB1] =	sst s0;
	s0 =	simm.s32 @!p2 $0x0  }
0x16: {  	s3 =	sld [smem:$0x3FDB];
	s0 =	simm.s32 @p2 $0x1  }
0x17: {  	s4 =	simm.s32 $0x1BF5;
	[smem:$0x3FB3] =	sst s0  }
0x18: {  	s0 =	sld [smem:$0x3F96];
	_ =	swait.ge [sflag:s4], $0x0  }
0x19: {  	s7 =	sld [smem:$0x3F97]  }
0x1a: {  	s8 =	sadd.s32 $0xFFFFE003, lr  }
0x1b: {  	s9 =	sadd.s32 $0xFFFFFEF7, lr;
	s5 =	simm.s32 $0xFFFFFFFF;
	p2 =	slt.u32 s8, $0xFFFFF086  }
0x1c: {  	p1 =	slt.u32 s9, $0xF7A;
	s5 =	simm.s32 @!p2 $0x0  }
0x1d: {  	s5 =	simm.s32 @p1 $0x1;
	p0 =	seq.s32 s7, s2  }
0x1e: {  	s7 =	smul.u32 @!p0 $0xF7A, s2;
	p2 =	seq.s32 @!p0 s5, $0x0  }
0x1f: {  	s9 =	smul.u32 $0xF7A, s1;
	s8 =	simm.s32 @!p0 $0x1BF5;
	p2 =	por !p2, p0  }
0x20: {  	[sflag:s8] =	ssyncset.s32 @!p0 $0xFFFFF086;
	s6 =	sadd.s32 @!p0 s3, s7;
	s7 =	simm.s32 @!p0 $0x108  }
0x21: {  	s3 =	sadd.s32 s3, s9;
	s6 =	sadd.s32 @!p0 $0x88, s6;
	s7 =	simm.s32 @p2 $0x1082  }
0x22: {  	[simem:s7], [sflag:s8] =	dma.local @!p0 [hbm:s6], $0xF7A  }
0x23: {  	s9 =	sor.u32 $0xD0000000, s2;
	s6 =	simm.s32 $0x108;
	_ =	swait.ge @!p0 [sflag:s8], $0x0  }
0x24: {  	s3 =	sadd.s32 $0x88, s3;
	s6 =	simm.s32 @!p1 $0x1082;
	[sflag:s4] =	ssyncset.s32 $0xFFFFF086  }
0x25: {  	[simem:s6], [sflag:s4] =	dma.local [hbm:s3], $0xF7A  }
0x26: {  	[smem:$0x3F97] =	sst s1;
	(tag) =	ssettag s2;
	_ =	strace s9  }
0x27: {  	s1 =	sld [smem:$0x3FA7]  }
0x28: {  	s2 =	sld [smem:$0x3FA8]  }
0x29: {  	s4 =	sld [smem:$0x3FAA]  }
0x2a: {  	p0 =	seq.s32 s5, $0x0;
	s5 =	sld [smem:$0x3FAB]  }
0x2b: {  	s6 =	sld [smem:$0x3FAC]  }
0x2c: {  	s7 =	sld [smem:$0x3FAD]  }
0x2d: {  	s3 =	simm.s32 $0x108;
	s8 =	sld [smem:$0x3FAE]  }
0x2e: {  	s3 =	simm.s32 @!p0 $0x1082;
	s9 =	sld [smem:$0x3FAF]  }
0x2f: {  	lr =	sadd.s32 s0, s3;
	s0 =	sld [smem:$0x3FA6]  }
0x30: {  	s3 =	sld [smem:$0x3FA9]  }
0x31: {  	[smem:$0x3FB2] =	sst s10  }
0x32: {  	s10 =	sld [smem:$0x3FB0];
	_ =	sdelay $0x3  }
0x33: {  	p0 =	seq.s32 s10, $0x1;
	s10 =	sld [smem:$0x3FB2];
	_ =	sdelay $0x3  }
0x34: {  	[smem:$0x3FB2] =	sst s10  }
0x35: {  	s10 =	sld [smem:$0x3FB1];
	_ =	sdelay $0x3  }
0x36: {  	p1 =	seq.s32 s10, $0x1;
	s10 =	sld [smem:$0x3FB2];
	_ =	sdelay $0x3  }
0x37: {  	[smem:$0x3FB2] =	sst s10  }
0x38: {  	s10 =	sld [smem:$0x3FB3]  }
0x39: {  	_ = 	snop;
	(pc) =	sbr.ind lr, $3  }
0x3a: {  	_ = 	snop  }
0x3b: {  	_ = 	snop  }
0x3c: {  	p2 =	seq.s32 s10, $0x1;
	s10 =	sld [smem:$0x3FB2]  }
0x3d: {  	_ =	shalt  }
0x3e: {  	_ =	shalt  }
0x3f: {  	_ =	shalt  }
0x40: {  	_ =	shalt  }
0x41: {  	_ =	shalt  }
0x42: {  	_ =	shalt  }
0x43: {  	_ =	shalt  }
0x44: {  	_ =	shalt  }
0x45: {  	_ =	shalt  }
0x46: {  	_ =	shalt  }
0x47: {  	_ =	shalt  }
0x48: {  	_ =	shalt  }
0x49: {  	_ =	shalt  }
0x4a: {  	_ =	shalt  }
0x4b: {  	_ =	shalt  }
0x4c: {  	_ =	shalt  }
0x4d: {  	_ =	shalt  }
0x4e: {  	_ =	shalt  }
0x4f: {  	_ =	shalt  }
0x50: {  	_ =	shalt  }
0x51: {  	_ =	shalt  }
0x52: {  	_ =	shalt  }
0x53: {  	_ =	shalt  }
0x54: {  	_ =	shalt  }
0x55: {  	_ =	shalt  }
0x56: {  	_ =	shalt  }
0x57: {  	_ =	shalt  }
0x58: {  	_ =	shalt  }
0x59: {  	_ =	shalt  }
0x5a: {  	_ =	shalt  }
0x5b: {  	_ =	shalt  }
0x5c: {  	_ =	shalt  }
0x5d: {  	_ =	shalt  }
0x5e: {  	_ =	shalt  }
0x5f: {  	_ =	shalt  }
0x60: {  	_ =	shalt  }
0x61: {  	_ =	shalt  }
0x62: {  	_ =	shalt  }
0x63: {  	_ =	shalt  }
0x64: {  	_ =	shalt  }
0x65: {  	_ =	shalt  }
0x66: {  	_ =	shalt  }
0x67: {  	_ =	shalt  }
0x68: {  	_ =	shalt  }
0x69: {  	_ =	shalt  }
0x6a: {  	_ =	shalt  }
0x6b: {  	_ =	shalt  }
0x6c: {  	_ =	shalt  }
0x6d: {  	_ =	shalt  }
0x6e: {  	_ =	shalt  }
0x6f: {  	_ =	shalt  }
0x70: {  	_ =	shalt  }
0x71: {  	_ =	shalt  }
0x72: {  	_ =	shalt  }
0x73: {  	_ =	shalt  }
0x74: {  	_ =	shalt  }
0x75: {  	_ =	shalt  }
0x76: {  	_ =	shalt  }
0x77: {  	_ =	shalt  }
0x78: {  	_ =	shalt  }
0x79: {  	_ =	shalt  }
0x7a: {  	_ =	shalt  }
0x7b: {  	_ =	shalt  }
0x7c: {  	_ =	shalt  }
0x7d: {  	_ =	shalt  }
0x7e: {  	_ =	shalt  }
0x7f: {  	_ =	shalt  }
0x80: {  	_ =	shalt  }
0x81: {  	_ =	shalt  }
0x82: {  	_ =	shalt  }
0x83: {  	_ =	shalt  }
0x84: {  	_ =	shalt  }
0x85: {  	_ =	shalt  }
0x86: {  	_ =	shalt  }
0x87: {  	_ =	shalt  }
.Lfunc_end0:
.L_simem_size_0:
called_computation_lowered:
.L_overlay_start_0:
0x88: {  	s2 =	sld [smem:$0x3FD9]  }
0x89: {  	s3 =	sld [smem:$0x3FFE];
	_ =	sdelay $0x1  }
0x8a: {  	s1 =	srdreg.scid  }
0x8b: {  	s0 =	sand.u32 $0x1, s1  }
0x8c: {  	s14 =	sshll.u32 s0, $0xA;
	s2 =	sadd.s32 s3, s2  }
0x8d: {  	s2 =	sadd.s32 s2, s14  }
0x8e: {  	[smem:$0x3FBE] =	sst s2  }
0x8f: {  	_ = 	snop  }
0x90: {  	s2 =	sld [smem:$0x3FD0];
	_ =	sdelay $0x2  }
0x91: {  	s15 =	simm.s32 $0xA;
	s4 =	simm.s32 $0x10  }
0x92: {  	[smem:s4], [sflag:s15] =	dma.local [hbm:s2], $0x1  }
0x93: {  	_ =	swait.eq [sflag:s15], $0x1  }
0x94: {  	[sflag:s15] =	ssyncset.done $0x0  }
0x95: {  	[sflag:s15] =	ssyncadd.s32 $0xFFFFFFFF  }
0x96: {  	s16 =	sld [smem:$0x10];
	(tm) =	ssettm $0x1  }
0x97: {  	s17 =	sld [smem:$0x3FFB];
	_ =	sdelay $0x3  }
0x98: {  	_ =	strace s17  }
0x99: {  	s3 =	sld [smem:$0x3FFC];
	_ =	sdelay $0x3  }
0x9a: {  	_ =	strace s3  }
0x9b: {  	s3 =	sld [smem:$0x3FFD];
	_ =	sdelay $0x3  }
0x9c: {  	_ =	strace s3  }
0x9d: {  	_ =	strace $0x8FFFFFFF  }
0x9e: {  	s18 =	sld [smem:$0x3FDB];
	_ =	sdelay $0x1  }
0x9f: {  	s19 =	simm.s32 $_scs_section_size  }
0xa0: {  	s5 =	simm.s32 $_size__tile_overlayer_lowered;
	s6 =	simm.s32 $_tile_overlayer_lowered  }
0xa1: {  	s22 =	simm.s32 $0x1BFF;
	s21 =	sshll.u32 s6, $0x1;
	s3 =	sadd.s32 s19, s18  }
0xa2: {  	s7 =	simm.s32 $0x0;
	s20 =	sshll.u32 s5, $0x1;
	s5 =	sadd.s32 s21, s3  }
0xa3: {  	[timem:s7], [sflag:s22] =	dma.local [hbm:s5], s20  }
0xa4: {  	_ =	swait.ge [sflag:s22], s20  }
0xa5: {  	s4 =	ssub.s32 $0x0, s20;
	[sflag:s22] =	ssyncset.done $0x0  }
0xa6: {  	[sflag:s22] =	ssyncadd.s32 s4;
	_ =	sdelay $0x1  }
0xa7: {  	s23 =	simm.s32 $0x1B8B  }
0xa8: {  	_ =	swait.ge [sflag:s23], $0x1  }
0xa9: {  	[sflag:s23] =	ssyncset.done $0x0  }
0xaa: {  	s25 =	simm.s32 $0x1B8E;
	s24 =	sld [smem:$0x3FFE];
	[sflag:s23] =	ssyncadd.s32 $0xFFFFFFFF  }
0xab: {  	s26 =	simm.s32 $execute0_lowered;
	[smem:$0x3FD2] =	sst s25  }
0xac: {  	s5 =	sshll.u32 s26, $0x1;
	_ =	strace $0x80000046;
	[dreg:$0x1] =	wrdreg $0xFFFFFFFF  }
0xad: {  	s28 =	simm.s32 $_size_execute0_lowered;
	s3 =	sadd.s32 s3, s5;
	[dreg:$0x0] =	wrdreg $0x0  }
0xae: {  	s5 =	sshll.u32 s28, $0x1;
	[dreg:$0x2] =	wrdreg s3  }
0xaf: {  	[dreg:$0x3] =	wrdreg s5  }
0xb0: {  	[dreg:$0x4] =	wrdreg $0xC0  }
0xb1: {  	_ =	task [dreg:s7], $0x5FFFF  }
0xb2: {  	[dreg:$0x1] =	wrdreg $0xFFFFFFFF  }
0xb3: {  	[dreg:$0x0] =	wrdreg $0x60  }
0xb4: {  	[dreg:$0x2] =	wrdreg s24  }
0xb5: {  	[dreg:$0x3] =	wrdreg s16  }
0xb6: {  	[dreg:$0x4] =	wrdreg $0x60000  }
0xb7: {  	[dreg:$0x5] =	wrdreg $0x9  }
0xb8: {  	_ =	task.clear_ibuf [dreg:s7], $0x6FFFF;
	_ =	strace $0x90000046  }
0xb9: {  	s29 =	simm.s32 $0x9;
	_ =	strace $0x80000048  }
0xba: {  	_ =	swait.ge [sflag:s29], $0x1  }
0xbb: {  	[sflag:s29] =	ssyncadd.s32 $0xFFFFFFFF  }
0xbc: {  	_ =	strace $0x90000048  }
0xbd: {  	_ =	sfence  }
0xbe: {  	s30 =	sld [smem:$0x0];
	_ =	sdelay $0x2  }
0xbf: {  	s31 =	sshll.u32 s1, $0xD;
	s1 =	sshrl.u32 s1, $0x2  }
0xc0: {  	s3 =	sand.u32 $0x4000, s31;
	s1 =	sadd.s32 s1, s30  }
0xc1: {  	s0 =	sor.u32 s3, s0;
	s1 =	sshll.u32 s1, $0x11  }
0xc2: {  	s0 =	sor.u32 s1, s0  }
0xc3: {  	s0 =	sadd.s32 $0x8F2B, s0  }
0xc4: {  	[sflag:s0] =	ssyncadd.remote.s32 $0x1  }
0xc5: {  	_ =	sfence.sel $0xFFFF  }
0xc6: {  	[dreg:$0x0] =	wrdreg $0xFFFFFFFF;
	(pc) =	sbr.abs _section_cstart, $3  }
0xc7: {  	[dreg:$0x1] =	wrdreg $0xFFFFFFFF  }
0xc8: {  	_ =	task.clear_ibuf [dreg:s7], $0x2FFFF;
	_ =	strace $0x9FFFFFFF  }
0xc9: {  	(tm) =	ssettm $0x7FFFFFFF  }
tec
execute0_lowered:
.L_overlay_start_1:
0x0: {  	(tag) =	ssettag $0x1  }
0x1: {  	s4 =	rddreg [dreg:$0x0]  }
0x2: {  	s5 =	rddreg [dreg:$0x1]  }
0x3: {  	s2 =	rddreg [dreg:$0x2]  }
0x4: {  	s0 =	rddreg [dreg:$0x3];
	s6 =	srdreg.scid  }
0x5: {  	s3 =	simm.s32 $0x0;
	s1 =	stileid.u32;
	s19 =	simm.s32 $0x50  }
0x6: {  	s20 =	simm.s32 $0x4;
	s21 =	simm.s32 $0x2;
	s22 =	simm.s32 $0xC00  }
0x7: {  	s23 =	simm.s32 $0x0;
	s7 =	sand.u32 $0x1, s6;
	s9 =	smul.u32 $0x14000, s1  }
0x8: {  	[smem:$0x7FF] =	sst s3;
	s28 =	sshll.u32 s1, $0x1;
	s12 =	smul.u32 $0x50000, s1  }
0x9: {  	s10 =	sadd.s32 $0x110C00, s4;
	s13 =	sadd.s32 $0x12C00, s4;
	s18 =	smul.u32 $0xFA00, s1  }
0xa: {  	s16 =	sadd.s32 $0x12C000, s2;
	p0 =	seq.s32 s1, $0xF;
	s8 =	smul.u32 $0x138800, s7  }
0xb: {  	_ =	strace $0x80000047;
	s6 =	sor.u32 s7, s28;
	s29 =	ssub.s32 $0x2, s7  }
0xc: {  	s31 =	smul.u32 $0x7D00, s7;
	s11 =	sshll.u32 s6, $0x9;
	s14 =	sshrl.u32 s29, $0x1  }
0xd: {  	s12 =	sshrl.u32 s12, $0x2;
	s30 =	smul.u32 $0x7D00, s6;
	s11 =	sadd.s32 s11, s4  }
0xe: {  	s9 =	sadd.s32 s9, s8;
	s14 =	ssub.s32 s29, s14;
	s15 =	sadd.s32 s12, s2  }
0xf: {  	s8 =	sshrl.u32 s8, $0x3;
	s12 =	sshrl.u32 @p0 s16, $0x3;
	s16 =	simm.s32 $0x1000  }
0x10: {  	s9 =	sshrl.u32 s9, $0x3;
	s17 =	sadd.s32 $0x25800, s8;
	s6 =	sadd.s32 $0x10CC00, s11  }
0x11: {  	s7 =	sadd.s32 s10, s30;
	s10 =	sadd.s32 s18, s10;
	s18 =	simm.s32 $0x3800  }
0x12: {  	s4 =	sadd.s32 s5, s9;
	s5 =	sadd.s32 s5, s17;
	s8 =	sadd.s32 s13, s9  }
0x13: {  	s9 =	sadd.s32 s13, s17;
	s11 =	sadd.s32 s31, s10;
	s10 =	smax.u32 s14, $0x1  }
0x14: {  	s13 =	sshll.u32 @!p0 s1, $0x6;
	s14 =	sshrl.u32 @!p0 s15, $0x3;
	s15 =	simm.s32 $0x3  }
0x15: {  	s17 =	simm.s32 $0x1;
	s11 =	sadd.s32 $0x500, s11;
	s13 =	sor.u32 @!p0 $0x1C03, s13  }
.LBB2_1:
0x16: {  	s24 =	simm.s32 @p0 $0x1FC3  }
0x17: {  	[spmem:s12], [sflag:s24] =	dma.local @p0 [hbm:s5], $0x1900  }
0x18: {  	s24 =	simm.s32 @p0 $0x3  }
0x19: {  	_ =	swait.ge @p0 [sflag:s24], $0x1900  }
0x1a: {  	[sflag:s24] =	ssyncset.done @p0 $0x0  }
0x1b: {  	[sflag:s24] =	ssyncadd.s32 @p0 $0xFFFFE700;
	s24 =	simm.s32 @!p0 $0x3  }
0x1c: {  	[spmem:s14], [sflag:s13] =	dma.local @!p0 [hbm:s4], $0x2800  }
0x1d: {  	_ =	swait.ge @!p0 [sflag:s24], $0x2800  }
0x1e: {  	[sflag:s24] =	ssyncset.done @!p0 $0x0  }
0x1f: {  	[sflag:s24] =	ssyncadd.s32 @!p0 $0xFFFFD800  }
0x20: {  	[tilespmem:s3], [sflag:$0x3] =	stream.linear.gather [hbm4b:s6+s3], $0xC80, $0x38;
	[tilespmem:$0x19880] =	vst v63  }
0x21: {  	_ =	swait.ge [sflag:s15], $0xC80  }
0x22: {  	[sflag:s15] =	ssyncset.done $0x0  }
0x23: {  	[sflag:s15] =	ssyncadd.s32 $0xFFFFF380  }
0x24: {  	[bflag:$0x0] =	sbarrier.arrive $0xFFFF  }
0x25: {  	[tilespmem:s16], [sflag:$0x1] =	stream.linear.gather [hbm4b:s7+s3], $0x2800, $0x38;
	[tilespmem:$0x19880] =	vst v63  }
0x26: {  	_ =	swait.ge [sflag:s17], $0x2800  }
0x27: {  	[sflag:s17] =	ssyncset.done $0x0  }
0x28: {  	[sflag:s17] =	ssyncadd.s32 $0xFFFFD800  }
0x29: {  	[tilespmem:s18], [sflag:$0x2] =	stream.linear.gather [hbm4b:s11+s3], $0x2800, $0x38;
	[tilespmem:$0x19880] =	vst v63  }
0x2a: {  	s29 =	simm.s32 $0x0  }
0x2b: {  	[spmem:s2] =	stream.indirect.scatter.add.f32 [tilespmem:s16], [sflag:$0x4], $0x80, s29, s19, $0xb8;
	[tilespmem:$0x19880] =	vst v63  }
0x2c: {  	_ =	swait.ge [sflag:s20], $0x2800  }
0x2d: {  	[sflag:s20] =	ssyncset.done $0x0  }
0x2e: {  	[sflag:s20] =	ssyncadd.s32 $0xFFFFD800  }
0x2f: {  	_ =	swait.ge [sflag:s21], $0x2800  }
0x30: {  	[sflag:s21] =	ssyncset.done $0x0  }
0x31: {  	s30 =	sadd.s32 $0x500, s11;
	[sflag:s21] =	ssyncadd.s32 $0xFFFFD800  }
0x32: {  	[tilespmem:s16], [sflag:$0x1] =	stream.linear.gather [hbm4b:s30+s3], $0x2800, $0x38;
	[tilespmem:$0x19880] =	vst v63  }
0x33: {  	s31 =	simm.s32 $0x80  }
0x34: {  	[spmem:s2] =	stream.indirect.scatter.add.f32 [tilespmem:s18], [sflag:$0x3], $0x80, s31, s19, $0xb8;
	[tilespmem:$0x19880] =	vst v63  }
0x35: {  	_ =	swait.ge [sflag:s15], $0x2800  }
0x36: {  	s25 =	smov.u32 s11;
	s24 =	simm.s32 $0x400;
	[sflag:s15] =	ssyncset.done $0x0  }
.LBB2_2:
0x37: {  	p1 =	sne.s32 s24, $0x2C00;
	[sflag:s15] =	ssyncadd.s32 $0xFFFFD800;
	s25 =	sadd.s32 $0xA00, s25  }
0x38: {  	s26 =	smov.u32 s24;
	s24 =	sadd.s32 $0x400, s24  }
0x39: {  	_ =	swait.ge [sflag:s17], $0x2800  }
0x3a: {  	[sflag:s17] =	ssyncset.done $0x0  }
0x3b: {  	[sflag:s17] =	ssyncadd.s32 $0xFFFFD800  }
0x3c: {  	[tilespmem:s18], [sflag:$0x2] =	stream.linear.gather [hbm4b:s25+s3], $0x2800, $0x38;
	[tilespmem:$0x19880] =	vst v63  }
0x3d: {  	s26 =	sshra.s32 s26, $0x2  }
0x3e: {  	[spmem:s2] =	stream.indirect.scatter.add.f32 [tilespmem:s16], [sflag:$0x4], $0x80, s26, s19, $0xb8;
	[tilespmem:$0x19880] =	vst v63  }
0x3f: {  	_ =	swait.ge [sflag:s20], $0x2800  }
0x40: {  	[sflag:s20] =	ssyncset.done $0x0  }
0x41: {  	[sflag:s20] =	ssyncadd.s32 $0xFFFFD800  }
0x42: {  	_ =	swait.ge [sflag:s21], $0x2800  }
0x43: {  	[sflag:s21] =	ssyncset.done $0x0  }
0x44: {  	s28 =	sadd.s32 $0x500, s25;
	[sflag:s21] =	ssyncadd.s32 $0xFFFFD800  }
0x45: {  	[tilespmem:s16], [sflag:$0x1] =	stream.linear.gather [hbm4b:s28+s3], $0x2800, $0x38;
	[tilespmem:$0x19880] =	vst v63  }
.Ltmp0:
0x46: {  	_ = 	snop;
	(pc) =	sbr.rel @p1 .LBB2_2-.Ltmp0, $4  }
0x47: {  	s26 =	sadd.s32 $0x80, s26  }
0x48: {  	[spmem:s2] =	stream.indirect.scatter.add.f32 [tilespmem:s18], [sflag:$0x3], $0x80, s26, s19, $0xb8;
	[tilespmem:$0x19880] =	vst v63  }
0x49: {  	_ =	swait.ge [sflag:s15], $0x2800  }
0x4a: {  	[sflag:s15] =	ssyncset.done $0x0  }
0x4b: {  	[sflag:s15] =	ssyncadd.s32 $0xFFFFD800  }
0x4c: {  	_ =	swait.ge [sflag:s17], $0x2800  }
0x4d: {  	[sflag:s17] =	ssyncset.done $0x0  }
0x4e: {  	[sflag:s17] =	ssyncadd.s32 $0xFFFFD800  }
0x4f: {  	[spmem:s2] =	stream.indirect.scatter.add.f32 [tilespmem:s16], [sflag:$0x4], $0x80, s22, s19, $0xb8;
	[tilespmem:$0x19880] =	vst v63  }
0x50: {  	_ =	swait.ge [sflag:s20], $0x2800  }
0x51: {  	[sflag:s20] =	ssyncset.done $0x0  }
0x52: {  	[sflag:s20] =	ssyncadd.s32 $0xFFFFD800  }
0x53: {  	s24 =	simm.s32 @p0 $0x1FC3;
	[bflag:$0x0] =	sbarrier.arrive $0xFFFF  }
0x54: {  	[hbm:s9], [sflag:s24] =	dma.local @p0 [spmem:s12], $0x1900  }
0x55: {  	s24 =	simm.s32 @p0 $0x3  }
0x56: {  	s23 =	sadd.s32 $0x1, s23;
	_ =	swait.ge @p0 [sflag:s24], $0x1900  }
0x57: {  	p1 =	sne.s32 s23, s10;
	[sflag:s24] =	ssyncset.done @p0 $0x0  }
.Ltmp1:
0x58: {  	[sflag:s24] =	ssyncadd.s32 @p0 $0xFFFFE700;
	s24 =	simm.s32 @!p0 $0x3;
	(pc) =	sbr.rel @p1 .LBB2_1-.Ltmp1, $4  }
0x59: {  	[hbm:s8], [sflag:s13] =	dma.local @!p0 [spmem:s14], $0x2800  }
0x5a: {  	_ =	swait.ge @!p0 [sflag:s24], $0x2800  }
0x5b: {  	[sflag:s24] =	ssyncset.done @!p0 $0x0  }
0x5c: {  	[sflag:s24] =	ssyncadd.s32 @!p0 $0xFFFFD800  }
0x5d: {  	_ =	sfence.sel $0x180000  }
0x5e: {  	[bflag:$0x0] =	sbarrier.arrive $0xFFFF  }
0x5f: {  	p0 =	sne.s32 s1, $0x0;
	_ =	strace $0x90000047  }
0x60: {  	s0 =	sadd.s32 @!p0 $0x100000, s0;
	[bflag:$0x2] =	sbarrier.arrive $0xFFFF  }
0x61: {  	[sflag:s0] =	ssyncadd.tile.s32 @!p0 $0x1;
	_ =	shalt  }
.Lfunc_end2:
_tile_overlayer_lowered:
.L_overlay_start_2:
0x62: {  	(tag) =	ssettag $0x2  }
0x63: {  	s0 =	rddreg [dreg:$0x0];
	s2 =	stileid.u32  }
0x64: {  	s1 =	rddreg [dreg:$0x1];
	p0 =	sne.s32 s2, $0x0  }
0x65: {  	s3 =	rddreg [dreg:$0x2];
	[bflag:$0x3] =	sbarrier.arrive $0xFFFF;
	s2 =	simm.s32 @!p0 $0x1C03  }
0x66: {  	[timem:s3], [sflag:s2] =	dma.local @!p0 [hbm:s0], s1  }
0x67: {  	s0 =	simm.s32 @!p0 $0x3  }
0x68: {  	_ =	swait.ge @!p0 [sflag:s0], s1  }
0x69: {  	s1 =	ssub.s32 @!p0 $0x0, s1;
	[sflag:s0] =	ssyncset.done @!p0 $0x0  }
0x6a: {  	[sflag:s0] =	ssyncadd.s32 @!p0 s1  }
0x6b: {  	[bflag:$0x3] =	sbarrier.arrive $0xFFFF  }
0x6c: {  	_ =	shalt  }

// kernel: kernel.16.cloned.1.call-start
scs
__scs_entry_jumppad:
0x0: {  	(pc) =	sbr.rel $0x88, $3  }
0x1: {  	(tag) =	ssettag $0x0;
	lr =	simm.s32 $0x1  }
0x2: {  	[smem:$0x3F97] =	sst lr;
	_ =	strace $0xD0000000  }
0x3: {  	_ = 	snop  }
0x4: {  	_ = 	snop  }
0x5: {  	_ = 	snop  }
0x6: {  	_ = 	snop  }
0x7: {  	_ = 	snop  }
__scs_overlays_trampoline_lowered:
0x8: {  	[smem:$0x3FA6] =	sst s0  }
0x9: {  	[smem:$0x3FA7] =	sst s1  }
0xa: {  	[smem:$0x3FA8] =	sst s2  }
0xb: {  	[smem:$0x3FA9] =	sst s3  }
0xc: {  	[smem:$0x3FAA] =	sst s4  }
0xd: {  	[smem:$0x3FAB] =	sst s5  }
0xe: {  	[smem:$0x3FAC] =	sst s6  }
0xf: {  	[smem:$0x3FAD] =	sst s7  }
0x10: {  	[smem:$0x3FAE] =	sst s8  }
0x11: {  	[smem:$0x3FAF] =	sst s9;
	s0 =	simm.s32 @!p0 $0x0  }
0x12: {  	s1 =	sld [smem:$0x3F95];
	s0 =	simm.s32 @p0 $0x1  }
0x13: {  	[smem:$0x3FB0] =	sst s0;
	s0 =	simm.s32 @!p1 $0x0  }
0x14: {  	s2 =	sld [smem:$0x3F94];
	s0 =	simm.s32 @p1 $0x1  }
0x15: {  	[smem:$0x3FB1] =	sst s0;
	s0 =	simm.s32 @!p2 $0x0  }
0x16: {  	s3 =	sld [smem:$0x3FDB];
	s0 =	simm.s32 @p2 $0x1  }
0x17: {  	s4 =	simm.s32 $0x1BF5;
	[smem:$0x3FB3] =	sst s0  }
0x18: {  	s0 =	sld [smem:$0x3F96];
	_ =	swait.ge [sflag:s4], $0x0  }
0x19: {  	s7 =	sld [smem:$0x3F97]  }
0x1a: {  	s8 =	sadd.s32 $0xFFFFE003, lr  }
0x1b: {  	s9 =	sadd.s32 $0xFFFFFEF7, lr;
	s5 =	simm.s32 $0xFFFFFFFF;
	p2 =	slt.u32 s8, $0xFFFFF086  }
0x1c: {  	p1 =	slt.u32 s9, $0xF7A;
	s5 =	simm.s32 @!p2 $0x0  }
0x1d: {  	s5 =	simm.s32 @p1 $0x1;
	p0 =	seq.s32 s7, s2  }
0x1e: {  	s7 =	smul.u32 @!p0 $0xF7A, s2;
	p2 =	seq.s32 @!p0 s5, $0x0  }
0x1f: {  	s9 =	smul.u32 $0xF7A, s1;
	s8 =	simm.s32 @!p0 $0x1BF5;
	p2 =	por !p2, p0  }
0x20: {  	[sflag:s8] =	ssyncset.s32 @!p0 $0xFFFFF086;
	s6 =	sadd.s32 @!p0 s3, s7;
	s7 =	simm.s32 @!p0 $0x108  }
0x21: {  	s3 =	sadd.s32 s3, s9;
	s6 =	sadd.s32 @!p0 $0x88, s6;
	s7 =	simm.s32 @p2 $0x1082  }
0x22: {  	[simem:s7], [sflag:s8] =	dma.local @!p0 [hbm:s6], $0xF7A  }
0x23: {  	s9 =	sor.u32 $0xD0000000, s2;
	s6 =	simm.s32 $0x108;
	_ =	swait.ge @!p0 [sflag:s8], $0x0  }
0x24: {  	s3 =	sadd.s32 $0x88, s3;
	s6 =	simm.s32 @!p1 $0x1082;
	[sflag:s4] =	ssyncset.s32 $0xFFFFF086  }
0x25: {  	[simem:s6], [sflag:s4] =	dma.local [hbm:s3], $0xF7A  }
0x26: {  	[smem:$0x3F97] =	sst s1;
	(tag) =	ssettag s2;
	_ =	strace s9  }
0x27: {  	s1 =	sld [smem:$0x3FA7]  }
0x28: {  	s2 =	sld [smem:$0x3FA8]  }
0x29: {  	s4 =	sld [smem:$0x3FAA]  }
0x2a: {  	p0 =	seq.s32 s5, $0x0;
	s5 =	sld [smem:$0x3FAB]  }
0x2b: {  	s6 =	sld [smem:$0x3FAC]  }
0x2c: {  	s7 =	sld [smem:$0x3FAD]  }
0x2d: {  	s3 =	simm.s32 $0x108;
	s8 =	sld [smem:$0x3FAE]  }
0x2e: {  	s3 =	simm.s32 @!p0 $0x1082;
	s9 =	sld [smem:$0x3FAF]  }
0x2f: {  	lr =	sadd.s32 s0, s3;
	s0 =	sld [smem:$0x3FA6]  }
0x30: {  	s3 =	sld [smem:$0x3FA9]  }
0x31: {  	[smem:$0x3FB2] =	sst s10  }
0x32: {  	s10 =	sld [smem:$0x3FB0];
	_ =	sdelay $0x3  }
0x33: {  	p0 =	seq.s32 s10, $0x1;
	s10 =	sld [smem:$0x3FB2];
	_ =	sdelay $0x3  }
0x34: {  	[smem:$0x3FB2] =	sst s10  }
0x35: {  	s10 =	sld [smem:$0x3FB1];
	_ =	sdelay $0x3  }
0x36: {  	p1 =	seq.s32 s10, $0x1;
	s10 =	sld [smem:$0x3FB2];
	_ =	sdelay $0x3  }
0x37: {  	[smem:$0x3FB2] =	sst s10  }
0x38: {  	s10 =	sld [smem:$0x3FB3]  }
0x39: {  	_ = 	snop;
	(pc) =	sbr.ind lr, $3  }
0x3a: {  	_ = 	snop  }
0x3b: {  	_ = 	snop  }
0x3c: {  	p2 =	seq.s32 s10, $0x1;
	s10 =	sld [smem:$0x3FB2]  }
0x3d: {  	_ =	shalt  }
0x3e: {  	_ =	shalt  }
0x3f: {  	_ =	shalt  }
0x40: {  	_ =	shalt  }
0x41: {  	_ =	shalt  }
0x42: {  	_ =	shalt  }
0x43: {  	_ =	shalt  }
0x44: {  	_ =	shalt  }
0x45: {  	_ =	shalt  }
0x46: {  	_ =	shalt  }
0x47: {  	_ =	shalt  }
0x48: {  	_ =	shalt  }
0x49: {  	_ =	shalt  }
0x4a: {  	_ =	shalt  }
0x4b: {  	_ =	shalt  }
0x4c: {  	_ =	shalt  }
0x4d: {  	_ =	shalt  }
0x4e: {  	_ =	shalt  }
0x4f: {  	_ =	shalt  }
0x50: {  	_ =	shalt  }
0x51: {  	_ =	shalt  }
0x52: {  	_ =	shalt  }
0x53: {  	_ =	shalt  }
0x54: {  	_ =	shalt  }
0x55: {  	_ =	shalt  }
0x56: {  	_ =	shalt  }
0x57: {  	_ =	shalt  }
0x58: {  	_ =	shalt  }
0x59: {  	_ =	shalt  }
0x5a: {  	_ =	shalt  }
0x5b: {  	_ =	shalt  }
0x5c: {  	_ =	shalt  }
0x5d: {  	_ =	shalt  }
0x5e: {  	_ =	shalt  }
0x5f: {  	_ =	shalt  }
0x60: {  	_ =	shalt  }
0x61: {  	_ =	shalt  }
0x62: {  	_ =	shalt  }
0x63: {  	_ =	shalt  }
0x64: {  	_ =	shalt  }
0x65: {  	_ =	shalt  }
0x66: {  	_ =	shalt  }
0x67: {  	_ =	shalt  }
0x68: {  	_ =	shalt  }
0x69: {  	_ =	shalt  }
0x6a: {  	_ =	shalt  }
0x6b: {  	_ =	shalt  }
0x6c: {  	_ =	shalt  }
0x6d: {  	_ =	shalt  }
0x6e: {  	_ =	shalt  }
0x6f: {  	_ =	shalt  }
0x70: {  	_ =	shalt  }
0x71: {  	_ =	shalt  }
0x72: {  	_ =	shalt  }
0x73: {  	_ =	shalt  }
0x74: {  	_ =	shalt  }
0x75: {  	_ =	shalt  }
0x76: {  	_ =	shalt  }
0x77: {  	_ =	shalt  }
0x78: {  	_ =	shalt  }
0x79: {  	_ =	shalt  }
0x7a: {  	_ =	shalt  }
0x7b: {  	_ =	shalt  }
0x7c: {  	_ =	shalt  }
0x7d: {  	_ =	shalt  }
0x7e: {  	_ =	shalt  }
0x7f: {  	_ =	shalt  }
0x80: {  	_ =	shalt  }
0x81: {  	_ =	shalt  }
0x82: {  	_ =	shalt  }
0x83: {  	_ =	shalt  }
0x84: {  	_ =	shalt  }
0x85: {  	_ =	shalt  }
0x86: {  	_ =	shalt  }
0x87: {  	_ =	shalt  }
.Lfunc_end0:
.L_simem_size_0:
called_computation.1_lowered:
.L_overlay_start_0:
0x88: {  	s2 =	sld [smem:$0x3FD9]  }
0x89: {  	s3 =	sld [smem:$0x3FFE];
	_ =	sdelay $0x1  }
0x8a: {  	s1 =	srdreg.scid  }
0x8b: {  	s0 =	sand.u32 $0x1, s1  }
0x8c: {  	s16 =	sshll.u32 s0, $0xA;
	s2 =	sadd.s32 s3, s2  }
0x8d: {  	s2 =	sadd.s32 s2, s16  }
0x8e: {  	[smem:$0x3FBE] =	sst s2  }
0x8f: {  	_ = 	snop  }
0x90: {  	(tm) =	ssettm $0x1  }
0x91: {  	s17 =	sld [smem:$0x3FFB];
	_ =	sdelay $0x3  }
0x92: {  	_ =	strace s17  }
0x93: {  	s2 =	sld [smem:$0x3FFC];
	_ =	sdelay $0x3  }
0x94: {  	_ =	strace s2  }
0x95: {  	s2 =	sld [smem:$0x3FFD];
	_ =	sdelay $0x3  }
0x96: {  	_ =	strace s2  }
0x97: {  	_ =	strace $0x8FFFFFFF  }
0x98: {  	s18 =	sld [smem:$0x3FDB];
	_ =	sdelay $0x1  }
0x99: {  	s19 =	simm.s32 $_scs_section_size  }
0x9a: {  	s4 =	simm.s32 $_size__tile_overlayer_lowered;
	s5 =	simm.s32 $_tile_overlayer_lowered  }
0x9b: {  	s22 =	simm.s32 $0x1BFF;
	s21 =	sshll.u32 s5, $0x1;
	s2 =	sadd.s32 s19, s18  }
0x9c: {  	s6 =	simm.s32 $0x0;
	s20 =	sshll.u32 s4, $0x1;
	s4 =	sadd.s32 s21, s2  }
0x9d: {  	[timem:s6], [sflag:s22] =	dma.local [hbm:s4], s20  }
0x9e: {  	_ =	swait.ge [sflag:s22], s20  }
0x9f: {  	s3 =	ssub.s32 $0x0, s20;
	[sflag:s22] =	ssyncset.done $0x0  }
0xa0: {  	[sflag:s22] =	ssyncadd.s32 s3;
	_ =	sdelay $0x1  }
0xa1: {  	s23 =	simm.s32 $0x1B8B  }
0xa2: {  	_ =	swait.ge [sflag:s23], $0x1  }
0xa3: {  	[sflag:s23] =	ssyncset.done $0x0  }
0xa4: {  	s25 =	simm.s32 $0x1B8E;
	s24 =	sld [smem:$0x3FFE];
	[sflag:s23] =	ssyncadd.s32 $0xFFFFFFFF  }
0xa5: {  	s26 =	simm.s32 $execute0_lowered;
	[smem:$0x3FD2] =	sst s25  }
0xa6: {  	s4 =	sshll.u32 s26, $0x1;
	_ =	strace $0x80000049;
	[dreg:$0x1] =	wrdreg $0xFFFFFFFF  }
0xa7: {  	s28 =	simm.s32 $_size_execute0_lowered;
	s2 =	sadd.s32 s2, s4;
	[dreg:$0x0] =	wrdreg $0x0  }
0xa8: {  	s4 =	sshll.u32 s28, $0x1;
	[dreg:$0x2] =	wrdreg s2  }
0xa9: {  	[dreg:$0x3] =	wrdreg s4  }
0xaa: {  	[dreg:$0x4] =	wrdreg $0xC0  }
0xab: {  	_ =	task [dreg:s6], $0x5FFFF  }
0xac: {  	[dreg:$0x1] =	wrdreg $0xFFFFFFFF  }
0xad: {  	[dreg:$0x0] =	wrdreg $0x60  }
0xae: {  	[dreg:$0x2] =	wrdreg s24  }
0xaf: {  	[dreg:$0x3] =	wrdreg $0x60000  }
0xb0: {  	[dreg:$0x4] =	wrdreg $0x9  }
0xb1: {  	_ =	task.clear_ibuf [dreg:s6], $0x5FFFF;
	_ =	strace $0x90000049  }
0xb2: {  	s29 =	simm.s32 $0x9;
	_ =	strace $0x8000004B  }
0xb3: {  	_ =	swait.ge [sflag:s29], $0x1  }
0xb4: {  	[sflag:s29] =	ssyncadd.s32 $0xFFFFFFFF  }
0xb5: {  	_ =	strace $0x9000004B  }
0xb6: {  	_ =	sfence  }
0xb7: {  	s30 =	sld [smem:$0x0];
	_ =	sdelay $0x2  }
0xb8: {  	s31 =	sshll.u32 s1, $0xD;
	s1 =	sshrl.u32 s1, $0x2  }
0xb9: {  	s3 =	sand.u32 $0x4000, s31;
	s1 =	sadd.s32 s1, s30  }
0xba: {  	s0 =	sor.u32 s3, s0;
	s1 =	sshll.u32 s1, $0x11  }
0xbb: {  	s0 =	sor.u32 s1, s0  }
0xbc: {  	s0 =	sadd.s32 $0x8F2B, s0  }
0xbd: {  	[sflag:s0] =	ssyncadd.remote.s32 $0x1  }
0xbe: {  	_ =	sfence.sel $0xFFFF  }
0xbf: {  	[dreg:$0x0] =	wrdreg $0xFFFFFFFF;
	(pc) =	sbr.abs _section_cstart, $3  }
0xc0: {  	[dreg:$0x1] =	wrdreg $0xFFFFFFFF  }
0xc1: {  	_ =	task.clear_ibuf [dreg:s6], $0x2FFFF;
	_ =	strace $0x9FFFFFFF  }
0xc2: {  	(tm) =	ssettm $0x7FFFFFFF  }
0xc3: {  	_ =	shalt  }
tec
execute0_lowered:
.L_overlay_start_1:
0x0: {  	(tag) =	ssettag $0x1  }
0x1: {  	s4 =	rddreg [dreg:$0x0]  }
0x2: {  	s2 =	rddreg [dreg:$0x1]  }
0x3: {  	s0 =	rddreg [dreg:$0x2]  }
0x4: {  	s5 =	srdreg.scid;
	s1 =	stileid.u32  }
0x5: {  	s3 =	simm.s32 $0x0;
	s19 =	simm.s32 $0x50;
	s20 =	simm.s32 $0x4  }
0x6: {  	s21 =	simm.s32 $0x2;
	s22 =	simm.s32 $0xC00;
	s23 =	simm.s32 $0x0  }
0x7: {  	s7 =	sand.u32 $0x1, s5;
	s26 =	sshll.u32 s1, $0x1;
	s9 =	smul.u32 $0x14000, s1  }
0x8: {  	[smem:$0x7FF] =	sst s3;
	s10 =	sadd.s32 $0x304C00, s4;
	s11 =	smul.u32 $0x50000, s1  }
0x9: {  	s12 =	sadd.s32 $0x12C00, s4;
	s13 =	sadd.s32 $0x70E00, s4;
	s16 =	sadd.s32 $0x12C000, s2  }
0xa: {  	s18 =	smul.u32 $0xFA00, s1;
	p0 =	seq.s32 s1, $0xF;
	s5 =	sor.u32 s7, s26  }
0xb: {  	s6 =	smul.u32 $0x138800, s7;
	_ =	strace $0x8000004A;
	s28 =	ssub.s32 $0x2, s7  }
0xc: {  	s30 =	smul.u32 $0x7D00, s7;
	s8 =	sshll.u32 s5, $0x9;
	s14 =	sshrl.u32 s28, $0x1  }
0xd: {  	s11 =	sshrl.u32 s11, $0x2;
	s29 =	smul.u32 $0x7D00, s5;
	s8 =	sadd.s32 s8, s4  }
0xe: {  	s9 =	sadd.s32 s9, s6;
	s14 =	ssub.s32 s28, s14;
	s6 =	sshrl.u32 s6, $0x3  }
0xf: {  	s15 =	sadd.s32 s11, s2;
	s9 =	sshrl.u32 s9, $0x3;
	s17 =	sadd.s32 $0x25800, s6  }
0x10: {  	s6 =	sadd.s32 $0x60E00, s8;
	s7 =	sadd.s32 s10, s29;
	s10 =	sadd.s32 s18, s10  }
0x11: {  	s18 =	simm.s32 $0x3800;
	s4 =	sadd.s32 s12, s9;
	s5 =	sadd.s32 s12, s17  }
0x12: {  	s8 =	sadd.s32 s13, s9;
	s9 =	sadd.s32 s13, s17;
	s31 =	sadd.s32 s30, s10  }
0x13: {  	s10 =	smax.u32 s14, $0x1;
	s13 =	sshll.u32 @!p0 s1, $0x6;
	s12 =	sshrl.u32 @p0 s16, $0x3  }
0x14: {  	s14 =	sshrl.u32 @!p0 s15, $0x3;
	s15 =	simm.s32 $0x3;
	s16 =	simm.s32 $0x1000  }
0x15: {  	s17 =	simm.s32 $0x1;
	s11 =	sadd.s32 $0x500, s31;
	s13 =	sor.u32 @!p0 $0x1C03, s13  }
.LBB2_1:
0x16: {  	s24 =	simm.s32 @p0 $0x1FC3  }
0x17: {  	[spmem:s12], [sflag:s24] =	dma.local @p0 [hbm:s5], $0x1900  }
0x18: {  	s24 =	simm.s32 @p0 $0x3  }
0x19: {  	_ =	swait.ge @p0 [sflag:s24], $0x1900  }
0x1a: {  	[sflag:s24] =	ssyncset.done @p0 $0x0  }
0x1b: {  	[sflag:s24] =	ssyncadd.s32 @p0 $0xFFFFE700;
	s24 =	simm.s32 @!p0 $0x3  }
0x1c: {  	[spmem:s14], [sflag:s13] =	dma.local @!p0 [hbm:s4], $0x2800  }
0x1d: {  	_ =	swait.ge @!p0 [sflag:s24], $0x2800  }
0x1e: {  	[sflag:s24] =	ssyncset.done @!p0 $0x0  }
0x1f: {  	[sflag:s24] =	ssyncadd.s32 @!p0 $0xFFFFD800  }
0x20: {  	[tilespmem:s3], [sflag:$0x3] =	stream.linear.gather [hbm4b:s6+s3], $0xC80, $0x38;
	[tilespmem:$0x19880] =	vst v63  }
0x21: {  	_ =	swait.ge [sflag:s15], $0xC80  }
0x22: {  	[sflag:s15] =	ssyncset.done $0x0  }
0x23: {  	[sflag:s15] =	ssyncadd.s32 $0xFFFFF380  }
0x24: {  	[bflag:$0x0] =	sbarrier.arrive $0xFFFF  }
0x25: {  	[tilespmem:s16], [sflag:$0x1] =	stream.linear.gather [hbm4b:s7+s3], $0x2800, $0x38;
	[tilespmem:$0x19880] =	vst v63  }
0x26: {  	_ =	swait.ge [sflag:s17], $0x2800  }
0x27: {  	[sflag:s17] =	ssyncset.done $0x0  }
0x28: {  	[sflag:s17] =	ssyncadd.s32 $0xFFFFD800  }
0x29: {  	[tilespmem:s18], [sflag:$0x2] =	stream.linear.gather [hbm4b:s11+s3], $0x2800, $0x38;
	[tilespmem:$0x19880] =	vst v63  }
0x2a: {  	s29 =	simm.s32 $0x0  }
0x2b: {  	[spmem:s2] =	stream.indirect.scatter.add.f32 [tilespmem:s16], [sflag:$0x4], $0x80, s29, s19, $0xb8;
	[tilespmem:$0x19880] =	vst v63  }
0x2c: {  	_ =	swait.ge [sflag:s20], $0x2800  }
0x2d: {  	[sflag:s20] =	ssyncset.done $0x0  }
0x2e: {  	[sflag:s20] =	ssyncadd.s32 $0xFFFFD800  }
0x2f: {  	_ =	swait.ge [sflag:s21], $0x2800  }
0x30: {  	[sflag:s21] =	ssyncset.done $0x0  }
0x31: {  	s30 =	sadd.s32 $0x500, s11;
	[sflag:s21] =	ssyncadd.s32 $0xFFFFD800  }
0x32: {  	[tilespmem:s16], [sflag:$0x1] =	stream.linear.gather [hbm4b:s30+s3], $0x2800, $0x38;
	[tilespmem:$0x19880] =	vst v63  }
0x33: {  	s31 =	simm.s32 $0x80  }
0x34: {  	[spmem:s2] =	stream.indirect.scatter.add.f32 [tilespmem:s18], [sflag:$0x3], $0x80, s31, s19, $0xb8;
	[tilespmem:$0x19880] =	vst v63  }
0x35: {  	_ =	swait.ge [sflag:s15], $0x2800  }
0x36: {  	s25 =	smov.u32 s11;
	s24 =	simm.s32 $0x400;
	[sflag:s15] =	ssyncset.done $0x0  }
.LBB2_2:
0x37: {  	p1 =	sne.s32 s24, $0x2C00;
	[sflag:s15] =	ssyncadd.s32 $0xFFFFD800;
	s25 =	sadd.s32 $0xA00, s25  }
0x38: {  	s26 =	smov.u32 s24;
	s24 =	sadd.s32 $0x400, s24  }
0x39: {  	_ =	swait.ge [sflag:s17], $0x2800  }
0x3a: {  	[sflag:s17] =	ssyncset.done $0x0  }
0x3b: {  	[sflag:s17] =	ssyncadd.s32 $0xFFFFD800  }
0x3c: {  	[tilespmem:s18], [sflag:$0x2] =	stream.linear.gather [hbm4b:s25+s3], $0x2800, $0x38;
	[tilespmem:$0x19880] =	vst v63  }
0x3d: {  	s26 =	sshra.s32 s26, $0x2  }
0x3e: {  	[spmem:s2] =	stream.indirect.scatter.add.f32 [tilespmem:s16], [sflag:$0x4], $0x80, s26, s19, $0xb8;
	[tilespmem:$0x19880] =	vst v63  }
0x3f: {  	_ =	swait.ge [sflag:s20], $0x2800  }
0x40: {  	[sflag:s20] =	ssyncset.done $0x0  }
0x41: {  	[sflag:s20] =	ssyncadd.s32 $0xFFFFD800  }
0x42: {  	_ =	swait.ge [sflag:s21], $0x2800  }
0x43: {  	[sflag:s21] =	ssyncset.done $0x0  }
0x44: {  	s28 =	sadd.s32 $0x500, s25;
	[sflag:s21] =	ssyncadd.s32 $0xFFFFD800  }
0x45: {  	[tilespmem:s16], [sflag:$0x1] =	stream.linear.gather [hbm4b:s28+s3], $0x2800, $0x38;
	[tilespmem:$0x19880] =	vst v63  }
.Ltmp0:
0x46: {  	_ = 	snop;
	(pc) =	sbr.rel @p1 .LBB2_2-.Ltmp0, $4  }
0x47: {  	s26 =	sadd.s32 $0x80, s26  }
0x48: {  	[spmem:s2] =	stream.indirect.scatter.add.f32 [tilespmem:s18], [sflag:$0x3], $0x80, s26, s19, $0xb8;
	[tilespmem:$0x19880] =	vst v63  }
0x49: {  	_ =	swait.ge [sflag:s15], $0x2800  }
0x4a: {  	[sflag:s15] =	ssyncset.done $0x0  }
0x4b: {  	[sflag:s15] =	ssyncadd.s32 $0xFFFFD800  }
0x4c: {  	_ =	swait.ge [sflag:s17], $0x2800  }
0x4d: {  	[sflag:s17] =	ssyncset.done $0x0  }
0x4e: {  	[sflag:s17] =	ssyncadd.s32 $0xFFFFD800  }
0x4f: {  	[spmem:s2] =	stream.indirect.scatter.add.f32 [tilespmem:s16], [sflag:$0x4], $0x80, s22, s19, $0xb8;
	[tilespmem:$0x19880] =	vst v63  }
0x50: {  	_ =	swait.ge [sflag:s20], $0x2800  }
0x51: {  	[sflag:s20] =	ssyncset.done $0x0  }
0x52: {  	[sflag:s20] =	ssyncadd.s32 $0xFFFFD800  }
0x53: {  	s24 =	simm.s32 @p0 $0x1FC3;
	[bflag:$0x0] =	sbarrier.arrive $0xFFFF  }
0x54: {  	[hbm:s9], [sflag:s24] =	dma.local @p0 [spmem:s12], $0x1900  }
0x55: {  	s24 =	simm.s32 @p0 $0x3  }
0x56: {  	s23 =	sadd.s32 $0x1, s23;
	_ =	swait.ge @p0 [sflag:s24], $0x1900  }
0x57: {  	p1 =	sne.s32 s23, s10;
	[sflag:s24] =	ssyncset.done @p0 $0x0  }
.Ltmp1:
0x58: {  	[sflag:s24] =	ssyncadd.s32 @p0 $0xFFFFE700;
	s24 =	simm.s32 @!p0 $0x3;
	(pc) =	sbr.rel @p1 .LBB2_1-.Ltmp1, $4  }
0x59: {  	[hbm:s8], [sflag:s13] =	dma.local @!p0 [spmem:s14], $0x2800  }
0x5a: {  	_ =	swait.ge @!p0 [sflag:s24], $0x2800  }
0x5b: {  	[sflag:s24] =	ssyncset.done @!p0 $0x0  }
0x5c: {  	[sflag:s24] =	ssyncadd.s32 @!p0 $0xFFFFD800  }
0x5d: {  	_ =	sfence.sel $0x180000  }
0x5e: {  	[bflag:$0x0] =	sbarrier.arrive $0xFFFF  }
0x5f: {  	p0 =	sne.s32 s1, $0x0;
	_ =	strace $0x9000004A  }
0x60: {  	s0 =	sadd.s32 @!p0 $0x100000, s0;
	[bflag:$0x2] =	sbarrier.arrive $0xFFFF  }
0x61: {  	[sflag:s0] =	ssyncadd.tile.s32 @!p0 $0x1;
	_ =	shalt  }
.Lfunc_end2:
_tile_overlayer_lowered:
.L_overlay_start_2:
0x62: {  	(tag) =	ssettag $0x2  }
0x63: {  	s0 =	rddreg [dreg:$0x0];
	s2 =	stileid.u32  }
0x64: {  	s1 =	rddreg [dreg:$0x1];
	p0 =	sne.s32 s2, $0x0  }
0x65: {  	s3 =	rddreg [dreg:$0x2];
	[bflag:$0x3] =	sbarrier.arrive $0xFFFF;
	s2 =	simm.s32 @!p0 $0x1C03  }
0x66: {  	[timem:s3], [sflag:s2] =	dma.local @!p0 [hbm:s0], s1  }
0x67: {  	s0 =	simm.s32 @!p0 $0x3  }
0x68: {  	_ =	swait.ge @!p0 [sflag:s0], s1  }
0x69: {  	s1 =	ssub.s32 @!p0 $0x0, s1;
	[sflag:s0] =	ssyncset.done @!p0 $0x0  }
0x6a: {  	[sflag:s0] =	ssyncadd.s32 @!p0 s1  }
0x6b: {  	[bflag:$0x3] =	sbarrier.arrive $0xFFFF  }
0x6c: {  	_ =	shalt  }

// kernel: kernel.19.cloned.1.call-start
scs
__scs_entry_jumppad:
0x0: {  	(pc) =	sbr.rel $0x88, $3  }
0x1: {  	(tag) =	ssettag $0x0;
	lr =	simm.s32 $0x1  }
0x2: {  	[smem:$0x3F97] =	sst lr;
	_ =	strace $0xD0000000  }
0x3: {  	_ = 	snop  }
0x4: {  	_ = 	snop  }
0x5: {  	_ = 	snop  }
0x6: {  	_ = 	snop  }
0x7: {  	_ = 	snop  }
__scs_overlays_trampoline_lowered:
0x8: {  	[smem:$0x3FA6] =	sst s0  }
0x9: {  	[smem:$0x3FA7] =	sst s1  }
0xa: {  	[smem:$0x3FA8] =	sst s2  }
0xb: {  	[smem:$0x3FA9] =	sst s3  }
0xc: {  	[smem:$0x3FAA] =	sst s4  }
0xd: {  	[smem:$0x3FAB] =	sst s5  }
0xe: {  	[smem:$0x3FAC] =	sst s6  }
0xf: {  	[smem:$0x3FAD] =	sst s7  }
0x10: {  	[smem:$0x3FAE] =	sst s8  }
0x11: {  	[smem:$0x3FAF] =	sst s9;
	s0 =	simm.s32 @!p0 $0x0  }
0x12: {  	s1 =	sld [smem:$0x3F95];
	s0 =	simm.s32 @p0 $0x1  }
0x13: {  	[smem:$0x3FB0] =	sst s0;
	s0 =	simm.s32 @!p1 $0x0  }
0x14: {  	s2 =	sld [smem:$0x3F94];
	s0 =	simm.s32 @p1 $0x1  }
0x15: {  	[smem:$0x3FB1] =	sst s0;
	s0 =	simm.s32 @!p2 $0x0  }
0x16: {  	s3 =	sld [smem:$0x3FDB];
	s0 =	simm.s32 @p2 $0x1  }
0x17: {  	s4 =	simm.s32 $0x1BF5;
	[smem:$0x3FB3] =	sst s0  }
0x18: {  	s0 =	sld [smem:$0x3F96];
	_ =	swait.ge [sflag:s4], $0x0  }
0x19: {  	s7 =	sld [smem:$0x3F97]  }
0x1a: {  	s8 =	sadd.s32 $0xFFFFE003, lr  }
0x1b: {  	s9 =	sadd.s32 $0xFFFFFEF7, lr;
	s5 =	simm.s32 $0xFFFFFFFF;
	p2 =	slt.u32 s8, $0xFFFFF086  }
0x1c: {  	p1 =	slt.u32 s9, $0xF7A;
	s5 =	simm.s32 @!p2 $0x0  }
0x1d: {  	s5 =	simm.s32 @p1 $0x1;
	p0 =	seq.s32 s7, s2  }
0x1e: {  	s7 =	smul.u32 @!p0 $0xF7A, s2;
	p2 =	seq.s32 @!p0 s5, $0x0  }
0x1f: {  	s9 =	smul.u32 $0xF7A, s1;
	s8 =	simm.s32 @!p0 $0x1BF5;
	p2 =	por !p2, p0  }
0x20: {  	[sflag:s8] =	ssyncset.s32 @!p0 $0xFFFFF086;
	s6 =	sadd.s32 @!p0 s3, s7;
	s7 =	simm.s32 @!p0 $0x108  }
0x21: {  	s3 =	sadd.s32 s3, s9;
	s6 =	sadd.s32 @!p0 $0x88, s6;
	s7 =	simm.s32 @p2 $0x1082  }
0x22: {  	[simem:s7], [sflag:s8] =	dma.local @!p0 [hbm:s6], $0xF7A  }
0x23: {  	s9 =	sor.u32 $0xD0000000, s2;
	s6 =	simm.s32 $0x108;
	_ =	swait.ge @!p0 [sflag:s8], $0x0  }
0x24: {  	s3 =	sadd.s32 $0x88, s3;
	s6 =	simm.s32 @!p1 $0x1082;
	[sflag:s4] =	ssyncset.s32 $0xFFFFF086  }
0x25: {  	[simem:s6], [sflag:s4] =	dma.local [hbm:s3], $0xF7A  }
0x26: {  	[smem:$0x3F97] =	sst s1;
	(tag) =	ssettag s2;
	_ =	strace s9  }
0x27: {  	s1 =	sld [smem:$0x3FA7]  }
0x28: {  	s2 =	sld [smem:$0x3FA8]  }
0x29: {  	s4 =	sld [smem:$0x3FAA]  }
0x2a: {  	p0 =	seq.s32 s5, $0x0;
	s5 =	sld [smem:$0x3FAB]  }
0x2b: {  	s6 =	sld [smem:$0x3FAC]  }
0x2c: {  	s7 =	sld [smem:$0x3FAD]  }
0x2d: {  	s3 =	simm.s32 $0x108;
	s8 =	sld [smem:$0x3FAE]  }
0x2e: {  	s3 =	simm.s32 @!p0 $0x1082;
	s9 =	sld [smem:$0x3FAF]  }
0x2f: {  	lr =	sadd.s32 s0, s3;
	s0 =	sld [smem:$0x3FA6]  }
0x30: {  	s3 =	sld [smem:$0x3FA9]  }
0x31: {  	[smem:$0x3FB2] =	sst s10  }
0x32: {  	s10 =	sld [smem:$0x3FB0];
	_ =	sdelay $0x3  }
0x33: {  	p0 =	seq.s32 s10, $0x1;
	s10 =	sld [smem:$0x3FB2];
	_ =	sdelay $0x3  }
0x34: {  	[smem:$0x3FB2] =	sst s10  }
0x35: {  	s10 =	sld [smem:$0x3FB1];
	_ =	sdelay $0x3  }
0x36: {  	p1 =	seq.s32 s10, $0x1;
	s10 =	sld [smem:$0x3FB2];
	_ =	sdelay $0x3  }
0x37: {  	[smem:$0x3FB2] =	sst s10  }
0x38: {  	s10 =	sld [smem:$0x3FB3]  }
0x39: {  	_ = 	snop;
	(pc) =	sbr.ind lr, $3  }
0x3a: {  	_ = 	snop  }
0x3b: {  	_ = 	snop  }
0x3c: {  	p2 =	seq.s32 s10, $0x1;
	s10 =	sld [smem:$0x3FB2]  }
0x3d: {  	_ =	shalt  }
0x3e: {  	_ =	shalt  }
0x3f: {  	_ =	shalt  }
0x40: {  	_ =	shalt  }
0x41: {  	_ =	shalt  }
0x42: {  	_ =	shalt  }
0x43: {  	_ =	shalt  }
0x44: {  	_ =	shalt  }
0x45: {  	_ =	shalt  }
0x46: {  	_ =	shalt  }
0x47: {  	_ =	shalt  }
0x48: {  	_ =	shalt  }
0x49: {  	_ =	shalt  }
0x4a: {  	_ =	shalt  }
0x4b: {  	_ =	shalt  }
0x4c: {  	_ =	shalt  }
0x4d: {  	_ =	shalt  }
0x4e: {  	_ =	shalt  }
0x4f: {  	_ =	shalt  }
0x50: {  	_ =	shalt  }
0x51: {  	_ =	shalt  }
0x52: {  	_ =	shalt  }
0x53: {  	_ =	shalt  }
0x54: {  	_ =	shalt  }
0x55: {  	_ =	shalt  }
0x56: {  	_ =	shalt  }
0x57: {  	_ =	shalt  }
0x58: {  	_ =	shalt  }
0x59: {  	_ =	shalt  }
0x5a: {  	_ =	shalt  }
0x5b: {  	_ =	shalt  }
0x5c: {  	_ =	shalt  }
0x5d: {  	_ =	shalt  }
0x5e: {  	_ =	shalt  }
0x5f: {  	_ =	shalt  }
0x60: {  	_ =	shalt  }
0x61: {  	_ =	shalt  }
0x62: {  	_ =	shalt  }
0x63: {  	_ =	shalt  }
0x64: {  	_ =	shalt  }
0x65: {  	_ =	shalt  }
0x66: {  	_ =	shalt  }
0x67: {  	_ =	shalt  }
0x68: {  	_ =	shalt  }
0x69: {  	_ =	shalt  }
0x6a: {  	_ =	shalt  }
0x6b: {  	_ =	shalt  }
0x6c: {  	_ =	shalt  }
0x6d: {  	_ =	shalt  }
0x6e: {  	_ =	shalt  }
0x6f: {  	_ =	shalt  }
0x70: {  	_ =	shalt  }
0x71: {  	_ =	shalt  }
0x72: {  	_ =	shalt  }
0x73: {  	_ =	shalt  }
0x74: {  	_ =	shalt  }
0x75: {  	_ =	shalt  }
0x76: {  	_ =	shalt  }
0x77: {  	_ =	shalt  }
0x78: {  	_ =	shalt  }
0x79: {  	_ =	shalt  }
0x7a: {  	_ =	shalt  }
0x7b: {  	_ =	shalt  }
0x7c: {  	_ =	shalt  }
0x7d: {  	_ =	shalt  }
0x7e: {  	_ =	shalt  }
0x7f: {  	_ =	shalt  }
0x80: {  	_ =	shalt  }
0x81: {  	_ =	shalt  }
0x82: {  	_ =	shalt  }
0x83: {  	_ =	shalt  }
0x84: {  	_ =	shalt  }
0x85: {  	_ =	shalt  }
0x86: {  	_ =	shalt  }
0x87: {  	_ =	shalt  }
.Lfunc_end0:
.L_simem_size_0:
called_computation.2_lowered:
.L_overlay_start_0:
0x88: {  	s2 =	sld [smem:$0x3FD9]  }
0x89: {  	s3 =	sld [smem:$0x3FFE];
	_ =	sdelay $0x1  }
0x8a: {  	s1 =	srdreg.scid  }
0x8b: {  	s0 =	sand.u32 $0x1, s1  }
0x8c: {  	s14 =	sshll.u32 s0, $0xA;
	s2 =	sadd.s32 s3, s2  }
0x8d: {  	s2 =	sadd.s32 s2, s14  }
0x8e: {  	[smem:$0x3FBE] =	sst s2  }
0x8f: {  	_ = 	snop  }
0x90: {  	s2 =	sld [smem:$0x3FD0];
	_ =	sdelay $0x2  }
0x91: {  	s15 =	simm.s32 $0xA;
	s4 =	simm.s32 $0x10  }
0x92: {  	[smem:s4], [sflag:s15] =	dma.local [hbm:s2], $0x1  }
0x93: {  	_ =	swait.eq [sflag:s15], $0x1  }
0x94: {  	[sflag:s15] =	ssyncset.done $0x0  }
0x95: {  	[sflag:s15] =	ssyncadd.s32 $0xFFFFFFFF  }
0x96: {  	s16 =	sld [smem:$0x10];
	(tm) =	ssettm $0x1  }
0x97: {  	s17 =	sld [smem:$0x3FFB];
	_ =	sdelay $0x3  }
0x98: {  	_ =	strace s17  }
0x99: {  	s3 =	sld [smem:$0x3FFC];
	_ =	sdelay $0x3  }
0x9a: {  	_ =	strace s3  }
0x9b: {  	s3 =	sld [smem:$0x3FFD];
	_ =	sdelay $0x3  }
0x9c: {  	_ =	strace s3  }
0x9d: {  	_ =	strace $0x8FFFFFFF  }
0x9e: {  	s18 =	sld [smem:$0x3FDB];
	_ =	sdelay $0x1  }
0x9f: {  	s19 =	simm.s32 $_scs_section_size  }
0xa0: {  	s5 =	simm.s32 $_size__tile_overlayer_lowered;
	s6 =	simm.s32 $_tile_overlayer_lowered  }
0xa1: {  	s22 =	simm.s32 $0x1BFF;
	s21 =	sshll.u32 s6, $0x1;
	s3 =	sadd.s32 s19, s18  }
0xa2: {  	s7 =	simm.s32 $0x0;
	s20 =	sshll.u32 s5, $0x1;
	s5 =	sadd.s32 s21, s3  }
0xa3: {  	[timem:s7], [sflag:s22] =	dma.local [hbm:s5], s20  }
0xa4: {  	_ =	swait.ge [sflag:s22], s20  }
0xa5: {  	s4 =	ssub.s32 $0x0, s20;
	[sflag:s22] =	ssyncset.done $0x0  }
0xa6: {  	[sflag:s22] =	ssyncadd.s32 s4;
	_ =	sdelay $0x1  }
0xa7: {  	s23 =	simm.s32 $0x1B8B  }
0xa8: {  	_ =	swait.ge [sflag:s23], $0x1  }
0xa9: {  	[sflag:s23] =	ssyncset.done $0x0  }
0xaa: {  	s25 =	simm.s32 $0x1B8E;
	s24 =	sld [smem:$0x3FFE];
	[sflag:s23] =	ssyncadd.s32 $0xFFFFFFFF  }
0xab: {  	s26 =	simm.s32 $execute0_lowered;
	[smem:$0x3FD2] =	sst s25  }
0xac: {  	s5 =	sshll.u32 s26, $0x1;
	_ =	strace $0x8000004C;
	[dreg:$0x1] =	wrdreg $0xFFFFFFFF  }
0xad: {  	s28 =	simm.s32 $_size_execute0_lowered;
	s3 =	sadd.s32 s3, s5;
	[dreg:$0x0] =	wrdreg $0x0  }
0xae: {  	s5 =	sshll.u32 s28, $0x1;
	[dreg:$0x2] =	wrdreg s3  }
0xaf: {  	[dreg:$0x3] =	wrdreg s5  }
0xb0: {  	[dreg:$0x4] =	wrdreg $0xC0  }
0xb1: {  	_ =	task [dreg:s7], $0x5FFFF  }
0xb2: {  	[dreg:$0x1] =	wrdreg $0xFFFFFFFF  }
0xb3: {  	[dreg:$0x0] =	wrdreg $0x60  }
0xb4: {  	[dreg:$0x2] =	wrdreg s24  }
0xb5: {  	[dreg:$0x3] =	wrdreg s16  }
0xb6: {  	[dreg:$0x4] =	wrdreg $0x60000  }
0xb7: {  	[dreg:$0x5] =	wrdreg $0x9  }
0xb8: {  	_ =	task.clear_ibuf [dreg:s7], $0x6FFFF;
	_ =	strace $0x9000004C  }
0xb9: {  	s29 =	simm.s32 $0x9;
	_ =	strace $0x8000004E  }
0xba: {  	_ =	swait.ge [sflag:s29], $0x1  }
0xbb: {  	[sflag:s29] =	ssyncadd.s32 $0xFFFFFFFF  }
0xbc: {  	_ =	strace $0x9000004E  }
0xbd: {  	_ =	sfence  }
0xbe: {  	s30 =	sld [smem:$0x0];
	_ =	sdelay $0x2  }
0xbf: {  	s31 =	sshll.u32 s1, $0xD;
	s1 =	sshrl.u32 s1, $0x2  }
0xc0: {  	s3 =	sand.u32 $0x4000, s31;
	s1 =	sadd.s32 s1, s30  }
0xc1: {  	s0 =	sor.u32 s3, s0;
	s1 =	sshll.u32 s1, $0x11  }
0xc2: {  	s0 =	sor.u32 s1, s0  }
0xc3: {  	s0 =	sadd.s32 $0x8F2B, s0  }
0xc4: {  	[sflag:s0] =	ssyncadd.remote.s32 $0x1  }
0xc5: {  	_ =	sfence.sel $0xFFFF  }
0xc6: {  	[dreg:$0x0] =	wrdreg $0xFFFFFFFF;
	(pc) =	sbr.abs _section_cstart, $3  }
0xc7: {  	[dreg:$0x1] =	wrdreg $0xFFFFFFFF  }
0xc8: {  	_ =	task.clear_ibuf [dreg:s7], $0x2FFFF;
	_ =	strace $0x9FFFFFFF  }
0xc9: {  	(tm) =	ssettm $0x7FFFFFFF  }
tec
execute0_lowered:
.L_overlay_start_1:
0x0: {  	(tag) =	ssettag $0x1  }
0x1: {  	s4 =	rddreg [dreg:$0x0]  }
0x2: {  	s9 =	rddreg [dreg:$0x1]  }
0x3: {  	s2 =	rddreg [dreg:$0x2]  }
0x4: {  	s0 =	rddreg [dreg:$0x3];
	s5 =	srdreg.scid  }
0x5: {  	s3 =	simm.s32 $0x0;
	s1 =	stileid.u32;
	s19 =	simm.s32 $0x50  }
0x6: {  	s20 =	simm.s32 $0x4;
	s21 =	simm.s32 $0x2;
	s22 =	simm.s32 $0xC00  }
0x7: {  	s23 =	simm.s32 $0x0;
	s7 =	sand.u32 $0x1, s5;
	s8 =	smul.u32 $0x14000, s1  }
0x8: {  	[smem:$0x7FF] =	sst s3;
	s28 =	sshll.u32 s1, $0x1;
	s12 =	smul.u32 $0x50000, s1  }
0x9: {  	s10 =	sadd.s32 $0x1B9000, s4;
	s13 =	sadd.s32 $0x70E00, s4;
	s18 =	smul.u32 $0xFA00, s1  }
0xa: {  	s16 =	sadd.s32 $0x12C000, s2;
	p0 =	seq.s32 s1, $0xF;
	s6 =	smul.u32 $0x138800, s7  }
0xb: {  	_ =	strace $0x8000004D;
	s5 =	sor.u32 s7, s28;
	s29 =	ssub.s32 $0x2, s7  }
0xc: {  	s31 =	smul.u32 $0x7D00, s7;
	s11 =	sshll.u32 s5, $0x9;
	s14 =	sshrl.u32 s29, $0x1  }
0xd: {  	s12 =	sshrl.u32 s12, $0x2;
	s30 =	smul.u32 $0x7D00, s5;
	s11 =	sadd.s32 s11, s4  }
0xe: {  	s8 =	sadd.s32 s8, s6;
	s14 =	ssub.s32 s29, s14;
	s15 =	sadd.s32 s12, s2  }
0xf: {  	s6 =	sshrl.u32 s6, $0x3;
	s12 =	sshrl.u32 @p0 s16, $0x3;
	s16 =	simm.s32 $0x1000  }
0x10: {  	s8 =	sshrl.u32 s8, $0x3;
	s17 =	sadd.s32 $0x25800, s6;
	s6 =	sadd.s32 $0x64E00, s11  }
0x11: {  	s7 =	sadd.s32 s10, s30;
	s10 =	sadd.s32 s18, s10;
	s18 =	simm.s32 $0x3800  }
0x12: {  	s4 =	sadd.s32 s13, s8;
	s5 =	sadd.s32 s13, s17;
	s8 =	sadd.s32 s9, s8  }
0x13: {  	s9 =	sadd.s32 s9, s17;
	s11 =	sadd.s32 s31, s10;
	s10 =	smax.u32 s14, $0x1  }
0x14: {  	s13 =	sshll.u32 @!p0 s1, $0x6;
	s14 =	sshrl.u32 @!p0 s15, $0x3;
	s15 =	simm.s32 $0x3  }
0x15: {  	s17 =	simm.s32 $0x1;
	s11 =	sadd.s32 $0x500, s11;
	s13 =	sor.u32 @!p0 $0x1C03, s13  }
.LBB2_1:
0x16: {  	s24 =	simm.s32 @p0 $0x1FC3  }
0x17: {  	[spmem:s12], [sflag:s24] =	dma.local @p0 [hbm:s5], $0x1900  }
0x18: {  	s24 =	simm.s32 @p0 $0x3  }
0x19: {  	_ =	swait.ge @p0 [sflag:s24], $0x1900  }
0x1a: {  	[sflag:s24] =	ssyncset.done @p0 $0x0  }
0x1b: {  	[sflag:s24] =	ssyncadd.s32 @p0 $0xFFFFE700;
	s24 =	simm.s32 @!p0 $0x3  }
0x1c: {  	[spmem:s14], [sflag:s13] =	dma.local @!p0 [hbm:s4], $0x2800  }
0x1d: {  	_ =	swait.ge @!p0 [sflag:s24], $0x2800  }
0x1e: {  	[sflag:s24] =	ssyncset.done @!p0 $0x0  }
0x1f: {  	[sflag:s24] =	ssyncadd.s32 @!p0 $0xFFFFD800  }
0x20: {  	[tilespmem:s3], [sflag:$0x3] =	stream.linear.gather [hbm4b:s6+s3], $0xC80, $0x38;
	[tilespmem:$0x19880] =	vst v63  }
0x21: {  	_ =	swait.ge [sflag:s15], $0xC80  }
0x22: {  	[sflag:s15] =	ssyncset.done $0x0  }
0x23: {  	[sflag:s15] =	ssyncadd.s32 $0xFFFFF380  }
0x24: {  	[bflag:$0x0] =	sbarrier.arrive $0xFFFF  }
0x25: {  	[tilespmem:s16], [sflag:$0x1] =	stream.linear.gather [hbm4b:s7+s3], $0x2800, $0x38;
	[tilespmem:$0x19880] =	vst v63  }
0x26: {  	_ =	swait.ge [sflag:s17], $0x2800  }
0x27: {  	[sflag:s17] =	ssyncset.done $0x0  }
0x28: {  	[sflag:s17] =	ssyncadd.s32 $0xFFFFD800  }
0x29: {  	[tilespmem:s18], [sflag:$0x2] =	stream.linear.gather [hbm4b:s11+s3], $0x2800, $0x38;
	[tilespmem:$0x19880] =	vst v63  }
0x2a: {  	s29 =	simm.s32 $0x0  }
0x2b: {  	[spmem:s2] =	stream.indirect.scatter.add.f32 [tilespmem:s16], [sflag:$0x4], $0x80, s29, s19, $0xb8;
	[tilespmem:$0x19880] =	vst v63  }
0x2c: {  	_ =	swait.ge [sflag:s20], $0x2800  }
0x2d: {  	[sflag:s20] =	ssyncset.done $0x0  }
0x2e: {  	[sflag:s20] =	ssyncadd.s32 $0xFFFFD800  }
0x2f: {  	_ =	swait.ge [sflag:s21], $0x2800  }
0x30: {  	[sflag:s21] =	ssyncset.done $0x0  }
0x31: {  	s30 =	sadd.s32 $0x500, s11;
	[sflag:s21] =	ssyncadd.s32 $0xFFFFD800  }
0x32: {  	[tilespmem:s16], [sflag:$0x1] =	stream.linear.gather [hbm4b:s30+s3], $0x2800, $0x38;
	[tilespmem:$0x19880] =	vst v63  }
0x33: {  	s31 =	simm.s32 $0x80  }
0x34: {  	[spmem:s2] =	stream.indirect.scatter.add.f32 [tilespmem:s18], [sflag:$0x3], $0x80, s31, s19, $0xb8;
	[tilespmem:$0x19880] =	vst v63  }
0x35: {  	_ =	swait.ge [sflag:s15], $0x2800  }
0x36: {  	s25 =	smov.u32 s11;
	s24 =	simm.s32 $0x400;
	[sflag:s15] =	ssyncset.done $0x0  }
.LBB2_2:
0x37: {  	p1 =	sne.s32 s24, $0x2C00;
	[sflag:s15] =	ssyncadd.s32 $0xFFFFD800;
	s25 =	sadd.s32 $0xA00, s25  }
0x38: {  	s26 =	smov.u32 s24;
	s24 =	sadd.s32 $0x400, s24  }
0x39: {  	_ =	swait.ge [sflag:s17], $0x2800  }
0x3a: {  	[sflag:s17] =	ssyncset.done $0x0  }
0x3b: {  	[sflag:s17] =	ssyncadd.s32 $0xFFFFD800  }
0x3c: {  	[tilespmem:s18], [sflag:$0x2] =	stream.linear.gather [hbm4b:s25+s3], $0x2800, $0x38;
	[tilespmem:$0x19880] =	vst v63  }
0x3d: {  	s26 =	sshra.s32 s26, $0x2  }
0x3e: {  	[spmem:s2] =	stream.indirect.scatter.add.f32 [tilespmem:s16], [sflag:$0x4], $0x80, s26, s19, $0xb8;
	[tilespmem:$0x19880] =	vst v63  }
0x3f: {  	_ =	swait.ge [sflag:s20], $0x2800  }
0x40: {  	[sflag:s20] =	ssyncset.done $0x0  }
0x41: {  	[sflag:s20] =	ssyncadd.s32 $0xFFFFD800  }
0x42: {  	_ =	swait.ge [sflag:s21], $0x2800  }
0x43: {  	[sflag:s21] =	ssyncset.done $0x0  }
0x44: {  	s28 =	sadd.s32 $0x500, s25;
	[sflag:s21] =	ssyncadd.s32 $0xFFFFD800  }
0x45: {  	[tilespmem:s16], [sflag:$0x1] =	stream.linear.gather [hbm4b:s28+s3], $0x2800, $0x38;
	[tilespmem:$0x19880] =	vst v63  }
.Ltmp0:
0x46: {  	_ = 	snop;
	(pc) =	sbr.rel @p1 .LBB2_2-.Ltmp0, $4  }
0x47: {  	s26 =	sadd.s32 $0x80, s26  }
0x48: {  	[spmem:s2] =	stream.indirect.scatter.add.f32 [tilespmem:s18], [sflag:$0x3], $0x80, s26, s19, $0xb8;
	[tilespmem:$0x19880] =	vst v63  }
0x49: {  	_ =	swait.ge [sflag:s15], $0x2800  }
0x4a: {  	[sflag:s15] =	ssyncset.done $0x0  }
0x4b: {  	[sflag:s15] =	ssyncadd.s32 $0xFFFFD800  }
0x4c: {  	_ =	swait.ge [sflag:s17], $0x2800  }
0x4d: {  	[sflag:s17] =	ssyncset.done $0x0  }
0x4e: {  	[sflag:s17] =	ssyncadd.s32 $0xFFFFD800  }
0x4f: {  	[spmem:s2] =	stream.indirect.scatter.add.f32 [tilespmem:s16], [sflag:$0x4], $0x80, s22, s19, $0xb8;
	[tilespmem:$0x19880] =	vst v63  }
0x50: {  	_ =	swait.ge [sflag:s20], $0x2800  }
0x51: {  	[sflag:s20] =	ssyncset.done $0x0  }
0x52: {  	[sflag:s20] =	ssyncadd.s32 $0xFFFFD800  }
0x53: {  	s24 =	simm.s32 @p0 $0x1FC3;
	[bflag:$0x0] =	sbarrier.arrive $0xFFFF  }
0x54: {  	[hbm:s9], [sflag:s24] =	dma.local @p0 [spmem:s12], $0x1900  }
0x55: {  	s24 =	simm.s32 @p0 $0x3  }
0x56: {  	s23 =	sadd.s32 $0x1, s23;
	_ =	swait.ge @p0 [sflag:s24], $0x1900  }
0x57: {  	p1 =	sne.s32 s23, s10;
	[sflag:s24] =	ssyncset.done @p0 $0x0  }
.Ltmp1:
0x58: {  	[sflag:s24] =	ssyncadd.s32 @p0 $0xFFFFE700;
	s24 =	simm.s32 @!p0 $0x3;
	(pc) =	sbr.rel @p1 .LBB2_1-.Ltmp1, $4  }
0x59: {  	[hbm:s8], [sflag:s13] =	dma.local @!p0 [spmem:s14], $0x2800  }
0x5a: {  	_ =	swait.ge @!p0 [sflag:s24], $0x2800  }
0x5b: {  	[sflag:s24] =	ssyncset.done @!p0 $0x0  }
0x5c: {  	[sflag:s24] =	ssyncadd.s32 @!p0 $0xFFFFD800  }
0x5d: {  	_ =	sfence.sel $0x180000  }
0x5e: {  	[bflag:$0x0] =	sbarrier.arrive $0xFFFF  }
0x5f: {  	p0 =	sne.s32 s1, $0x0;
	_ =	strace $0x9000004D  }
0x60: {  	s0 =	sadd.s32 @!p0 $0x100000, s0;
	[bflag:$0x2] =	sbarrier.arrive $0xFFFF  }
0x61: {  	[sflag:s0] =	ssyncadd.tile.s32 @!p0 $0x1;
	_ =	shalt  }
.Lfunc_end2:
_tile_overlayer_lowered:
.L_overlay_start_2:
0x62: {  	(tag) =	ssettag $0x2  }
0x63: {  	s0 =	rddreg [dreg:$0x0];
	s2 =	stileid.u32  }
0x64: {  	s1 =	rddreg [dreg:$0x1];
	p0 =	sne.s32 s2, $0x0  }
0x65: {  	s3 =	rddreg [dreg:$0x2];
	[bflag:$0x3] =	sbarrier.arrive $0xFFFF;
	s2 =	simm.s32 @!p0 $0x1C03  }
0x66: {  	[timem:s3], [sflag:s2] =	dma.local @!p0 [hbm:s0], s1  }
0x67: {  	s0 =	simm.s32 @!p0 $0x3  }
0x68: {  	_ =	swait.ge @!p0 [sflag:s0], s1  }
0x69: {  	s1 =	ssub.s32 @!p0 $0x0, s1;
	[sflag:s0] =	ssyncset.done @!p0 $0x0  }
0x6a: {  	[sflag:s0] =	ssyncadd.s32 @!p0 s1  }
0x6b: {  	[bflag:$0x3] =	sbarrier.arrive $0xFFFF  }
0x6c: {  	_ =	shalt  }

// kernel: kernel.22.cloned.1.call-start
scs
__scs_entry_jumppad:
0x0: {  	(pc) =	sbr.rel $0x88, $3  }
0x1: {  	(tag) =	ssettag $0x0;
	lr =	simm.s32 $0x1  }
0x2: {  	[smem:$0x3F97] =	sst lr;
	_ =	strace $0xD0000000  }
0x3: {  	_ = 	snop  }
0x4: {  	_ = 	snop  }
0x5: {  	_ = 	snop  }
0x6: {  	_ = 	snop  }
0x7: {  	_ = 	snop  }
__scs_overlays_trampoline_lowered:
0x8: {  	[smem:$0x3FA6] =	sst s0  }
0x9: {  	[smem:$0x3FA7] =	sst s1  }
0xa: {  	[smem:$0x3FA8] =	sst s2  }
0xb: {  	[smem:$0x3FA9] =	sst s3  }
0xc: {  	[smem:$0x3FAA] =	sst s4  }
0xd: {  	[smem:$0x3FAB] =	sst s5  }
0xe: {  	[smem:$0x3FAC] =	sst s6  }
0xf: {  	[smem:$0x3FAD] =	sst s7  }
0x10: {  	[smem:$0x3FAE] =	sst s8  }
0x11: {  	[smem:$0x3FAF] =	sst s9;
	s0 =	simm.s32 @!p0 $0x0  }
0x12: {  	s1 =	sld [smem:$0x3F95];
	s0 =	simm.s32 @p0 $0x1  }
0x13: {  	[smem:$0x3FB0] =	sst s0;
	s0 =	simm.s32 @!p1 $0x0  }
0x14: {  	s2 =	sld [smem:$0x3F94];
	s0 =	simm.s32 @p1 $0x1  }
0x15: {  	[smem:$0x3FB1] =	sst s0;
	s0 =	simm.s32 @!p2 $0x0  }
0x16: {  	s3 =	sld [smem:$0x3FDB];
	s0 =	simm.s32 @p2 $0x1  }
0x17: {  	s4 =	simm.s32 $0x1BF5;
	[smem:$0x3FB3] =	sst s0  }
0x18: {  	s0 =	sld [smem:$0x3F96];
	_ =	swait.ge [sflag:s4], $0x0  }
0x19: {  	s7 =	sld [smem:$0x3F97]  }
0x1a: {  	s8 =	sadd.s32 $0xFFFFE003, lr  }
0x1b: {  	s9 =	sadd.s32 $0xFFFFFEF7, lr;
	s5 =	simm.s32 $0xFFFFFFFF;
	p2 =	slt.u32 s8, $0xFFFFF086  }
0x1c: {  	p1 =	slt.u32 s9, $0xF7A;
	s5 =	simm.s32 @!p2 $0x0  }
0x1d: {  	s5 =	simm.s32 @p1 $0x1;
	p0 =	seq.s32 s7, s2  }
0x1e: {  	s7 =	smul.u32 @!p0 $0xF7A, s2;
	p2 =	seq.s32 @!p0 s5, $0x0  }
0x1f: {  	s9 =	smul.u32 $0xF7A, s1;
	s8 =	simm.s32 @!p0 $0x1BF5;
	p2 =	por !p2, p0  }
0x20: {  	[sflag:s8] =	ssyncset.s32 @!p0 $0xFFFFF086;
	s6 =	sadd.s32 @!p0 s3, s7;
	s7 =	simm.s32 @!p0 $0x108  }
0x21: {  	s3 =	sadd.s32 s3, s9;
	s6 =	sadd.s32 @!p0 $0x88, s6;
	s7 =	simm.s32 @p2 $0x1082  }
0x22: {  	[simem:s7], [sflag:s8] =	dma.local @!p0 [hbm:s6], $0xF7A  }
0x23: {  	s9 =	sor.u32 $0xD0000000, s2;
	s6 =	simm.s32 $0x108;
	_ =	swait.ge @!p0 [sflag:s8], $0x0  }
0x24: {  	s3 =	sadd.s32 $0x88, s3;
	s6 =	simm.s32 @!p1 $0x1082;
	[sflag:s4] =	ssyncset.s32 $0xFFFFF086  }
0x25: {  	[simem:s6], [sflag:s4] =	dma.local [hbm:s3], $0xF7A  }
0x26: {  	[smem:$0x3F97] =	sst s1;
	(tag) =	ssettag s2;
	_ =	strace s9  }
0x27: {  	s1 =	sld [smem:$0x3FA7]  }
0x28: {  	s2 =	sld [smem:$0x3FA8]  }
0x29: {  	s4 =	sld [smem:$0x3FAA]  }
0x2a: {  	p0 =	seq.s32 s5, $0x0;
	s5 =	sld [smem:$0x3FAB]  }
0x2b: {  	s6 =	sld [smem:$0x3FAC]  }
0x2c: {  	s7 =	sld [smem:$0x3FAD]  }
0x2d: {  	s3 =	simm.s32 $0x108;
	s8 =	sld [smem:$0x3FAE]  }
0x2e: {  	s3 =	simm.s32 @!p0 $0x1082;
	s9 =	sld [smem:$0x3FAF]  }
0x2f: {  	lr =	sadd.s32 s0, s3;
	s0 =	sld [smem:$0x3FA6]  }
0x30: {  	s3 =	sld [smem:$0x3FA9]  }
0x31: {  	[smem:$0x3FB2] =	sst s10  }
0x32: {  	s10 =	sld [smem:$0x3FB0];
	_ =	sdelay $0x3  }
0x33: {  	p0 =	seq.s32 s10, $0x1;
	s10 =	sld [smem:$0x3FB2];
	_ =	sdelay $0x3  }
0x34: {  	[smem:$0x3FB2] =	sst s10  }
0x35: {  	s10 =	sld [smem:$0x3FB1];
	_ =	sdelay $0x3  }
0x36: {  	p1 =	seq.s32 s10, $0x1;
	s10 =	sld [smem:$0x3FB2];
	_ =	sdelay $0x3  }
0x37: {  	[smem:$0x3FB2] =	sst s10  }
0x38: {  	s10 =	sld [smem:$0x3FB3]  }
0x39: {  	_ = 	snop;
	(pc) =	sbr.ind lr, $3  }
0x3a: {  	_ = 	snop  }
0x3b: {  	_ = 	snop  }
0x3c: {  	p2 =	seq.s32 s10, $0x1;
	s10 =	sld [smem:$0x3FB2]  }
0x3d: {  	_ =	shalt  }
0x3e: {  	_ =	shalt  }
0x3f: {  	_ =	shalt  }
0x40: {  	_ =	shalt  }
0x41: {  	_ =	shalt  }
0x42: {  	_ =	shalt  }
0x43: {  	_ =	shalt  }
0x44: {  	_ =	shalt  }
0x45: {  	_ =	shalt  }
0x46: {  	_ =	shalt  }
0x47: {  	_ =	shalt  }
0x48: {  	_ =	shalt  }
0x49: {  	_ =	shalt  }
0x4a: {  	_ =	shalt  }
0x4b: {  	_ =	shalt  }
0x4c: {  	_ =	shalt  }
0x4d: {  	_ =	shalt  }
0x4e: {  	_ =	shalt  }
0x4f: {  	_ =	shalt  }
0x50: {  	_ =	shalt  }
0x51: {  	_ =	shalt  }
0x52: {  	_ =	shalt  }
0x53: {  	_ =	shalt  }
0x54: {  	_ =	shalt  }
0x55: {  	_ =	shalt  }
0x56: {  	_ =	shalt  }
0x57: {  	_ =	shalt  }
0x58: {  	_ =	shalt  }
0x59: {  	_ =	shalt  }
0x5a: {  	_ =	shalt  }
0x5b: {  	_ =	shalt  }
0x5c: {  	_ =	shalt  }
0x5d: {  	_ =	shalt  }
0x5e: {  	_ =	shalt  }
0x5f: {  	_ =	shalt  }
0x60: {  	_ =	shalt  }
0x61: {  	_ =	shalt  }
0x62: {  	_ =	shalt  }
0x63: {  	_ =	shalt  }
0x64: {  	_ =	shalt  }
0x65: {  	_ =	shalt  }
0x66: {  	_ =	shalt  }
0x67: {  	_ =	shalt  }
0x68: {  	_ =	shalt  }
0x69: {  	_ =	shalt  }
0x6a: {  	_ =	shalt  }
0x6b: {  	_ =	shalt  }
0x6c: {  	_ =	shalt  }
0x6d: {  	_ =	shalt  }
0x6e: {  	_ =	shalt  }
0x6f: {  	_ =	shalt  }
0x70: {  	_ =	shalt  }
0x71: {  	_ =	shalt  }
0x72: {  	_ =	shalt  }
0x73: {  	_ =	shalt  }
0x74: {  	_ =	shalt  }
0x75: {  	_ =	shalt  }
0x76: {  	_ =	shalt  }
0x77: {  	_ =	shalt  }
0x78: {  	_ =	shalt  }
0x79: {  	_ =	shalt  }
0x7a: {  	_ =	shalt  }
0x7b: {  	_ =	shalt  }
0x7c: {  	_ =	shalt  }
0x7d: {  	_ =	shalt  }
0x7e: {  	_ =	shalt  }
0x7f: {  	_ =	shalt  }
0x80: {  	_ =	shalt  }
0x81: {  	_ =	shalt  }
0x82: {  	_ =	shalt  }
0x83: {  	_ =	shalt  }
0x84: {  	_ =	shalt  }
0x85: {  	_ =	shalt  }
0x86: {  	_ =	shalt  }
0x87: {  	_ =	shalt  }
.Lfunc_end0:
.L_simem_size_0:
called_computation.3_lowered:
.L_overlay_start_0:
0x88: {  	s2 =	sld [smem:$0x3FD9]  }
0x89: {  	s3 =	sld [smem:$0x3FFE];
	_ =	sdelay $0x1  }
0x8a: {  	s1 =	srdreg.scid  }
0x8b: {  	s0 =	sand.u32 $0x1, s1  }
0x8c: {  	s14 =	sshll.u32 s0, $0xA;
	s2 =	sadd.s32 s3, s2  }
0x8d: {  	s2 =	sadd.s32 s2, s14  }
0x8e: {  	[smem:$0x3FBE] =	sst s2  }
0x8f: {  	_ = 	snop  }
0x90: {  	s2 =	sld [smem:$0x3FD0];
	_ =	sdelay $0x2  }
0x91: {  	s15 =	simm.s32 $0xA;
	s4 =	simm.s32 $0x10  }
0x92: {  	[smem:s4], [sflag:s15] =	dma.local [hbm:s2], $0x1  }
0x93: {  	_ =	swait.eq [sflag:s15], $0x1  }
0x94: {  	[sflag:s15] =	ssyncset.done $0x0  }
0x95: {  	[sflag:s15] =	ssyncadd.s32 $0xFFFFFFFF  }
0x96: {  	s16 =	sld [smem:$0x10];
	(tm) =	ssettm $0x1  }
0x97: {  	s17 =	sld [smem:$0x3FFB];
	_ =	sdelay $0x3  }
0x98: {  	_ =	strace s17  }
0x99: {  	s3 =	sld [smem:$0x3FFC];
	_ =	sdelay $0x3  }
0x9a: {  	_ =	strace s3  }
0x9b: {  	s3 =	sld [smem:$0x3FFD];
	_ =	sdelay $0x3  }
0x9c: {  	_ =	strace s3  }
0x9d: {  	_ =	strace $0x8FFFFFFF  }
0x9e: {  	s18 =	sld [smem:$0x3FDB];
	_ =	sdelay $0x1  }
0x9f: {  	s19 =	simm.s32 $_scs_section_size  }
0xa0: {  	s5 =	simm.s32 $_size__tile_overlayer_lowered;
	s6 =	simm.s32 $_tile_overlayer_lowered  }
0xa1: {  	s22 =	simm.s32 $0x1BFF;
	s21 =	sshll.u32 s6, $0x1;
	s3 =	sadd.s32 s19, s18  }
0xa2: {  	s7 =	simm.s32 $0x0;
	s20 =	sshll.u32 s5, $0x1;
	s5 =	sadd.s32 s21, s3  }
0xa3: {  	[timem:s7], [sflag:s22] =	dma.local [hbm:s5], s20  }
0xa4: {  	_ =	swait.ge [sflag:s22], s20  }
0xa5: {  	s4 =	ssub.s32 $0x0, s20;
	[sflag:s22] =	ssyncset.done $0x0  }
0xa6: {  	[sflag:s22] =	ssyncadd.s32 s4;
	_ =	sdelay $0x1  }
0xa7: {  	s23 =	simm.s32 $0x1B8B  }
0xa8: {  	_ =	swait.ge [sflag:s23], $0x1  }
0xa9: {  	[sflag:s23] =	ssyncset.done $0x0  }
0xaa: {  	s25 =	simm.s32 $0x1B8E;
	s24 =	sld [smem:$0x3FFE];
	[sflag:s23] =	ssyncadd.s32 $0xFFFFFFFF  }
0xab: {  	s26 =	simm.s32 $execute0_lowered;
	[smem:$0x3FD2] =	sst s25  }
0xac: {  	s5 =	sshll.u32 s26, $0x1;
	_ =	strace $0x8000004F;
	[dreg:$0x1] =	wrdreg $0xFFFFFFFF  }
0xad: {  	s28 =	simm.s32 $_size_execute0_lowered;
	s3 =	sadd.s32 s3, s5;
	[dreg:$0x0] =	wrdreg $0x0  }
0xae: {  	s5 =	sshll.u32 s28, $0x1;
	[dreg:$0x2] =	wrdreg s3  }
0xaf: {  	[dreg:$0x3] =	wrdreg s5  }
0xb0: {  	[dreg:$0x4] =	wrdreg $0xC0  }
0xb1: {  	_ =	task [dreg:s7], $0x5FFFF  }
0xb2: {  	[dreg:$0x1] =	wrdreg $0xFFFFFFFF  }
0xb3: {  	[dreg:$0x0] =	wrdreg $0x60  }
0xb4: {  	[dreg:$0x2] =	wrdreg s24  }
0xb5: {  	[dreg:$0x3] =	wrdreg s16  }
0xb6: {  	[dreg:$0x4] =	wrdreg $0x60000  }
0xb7: {  	[dreg:$0x5] =	wrdreg $0x9  }
0xb8: {  	_ =	task.clear_ibuf [dreg:s7], $0x6FFFF;
	_ =	strace $0x9000004F  }
0xb9: {  	s29 =	simm.s32 $0x9;
	_ =	strace $0x80000051  }
0xba: {  	_ =	swait.ge [sflag:s29], $0x1  }
0xbb: {  	[sflag:s29] =	ssyncadd.s32 $0xFFFFFFFF  }
0xbc: {  	_ =	strace $0x90000051  }
0xbd: {  	_ =	sfence  }
0xbe: {  	s30 =	sld [smem:$0x0];
	_ =	sdelay $0x2  }
0xbf: {  	s31 =	sshll.u32 s1, $0xD;
	s1 =	sshrl.u32 s1, $0x2  }
0xc0: {  	s3 =	sand.u32 $0x4000, s31;
	s1 =	sadd.s32 s1, s30  }
0xc1: {  	s0 =	sor.u32 s3, s0;
	s1 =	sshll.u32 s1, $0x11  }
0xc2: {  	s0 =	sor.u32 s1, s0  }
0xc3: {  	s0 =	sadd.s32 $0x8F2B, s0  }
0xc4: {  	[sflag:s0] =	ssyncadd.remote.s32 $0x1  }
0xc5: {  	_ =	sfence.sel $0xFFFF  }
0xc6: {  	[dreg:$0x0] =	wrdreg $0xFFFFFFFF;
	(pc) =	sbr.abs _section_cstart, $3  }
0xc7: {  	[dreg:$0x1] =	wrdreg $0xFFFFFFFF  }
0xc8: {  	_ =	task.clear_ibuf [dreg:s7], $0x2FFFF;
	_ =	strace $0x9FFFFFFF  }
0xc9: {  	(tm) =	ssettm $0x7FFFFFFF  }
tec
execute0_lowered:
.L_overlay_start_1:
0x0: {  	(tag) =	ssettag $0x1  }
0x1: {  	s4 =	rddreg [dreg:$0x0]  }
0x2: {  	s5 =	rddreg [dreg:$0x1]  }
0x3: {  	s2 =	rddreg [dreg:$0x2]  }
0x4: {  	s0 =	rddreg [dreg:$0x3];
	s6 =	srdreg.scid  }
0x5: {  	s3 =	simm.s32 $0x0;
	s1 =	stileid.u32;
	s19 =	simm.s32 $0x50  }
0x6: {  	s20 =	simm.s32 $0x4;
	s21 =	simm.s32 $0x2;
	s22 =	simm.s32 $0xC00  }
0x7: {  	s23 =	simm.s32 $0x0;
	s7 =	sand.u32 $0x1, s6;
	s9 =	smul.u32 $0x14000, s1  }
0x8: {  	[smem:$0x7FF] =	sst s3;
	s28 =	sshll.u32 s1, $0x1;
	s12 =	smul.u32 $0x50000, s1  }
0x9: {  	s10 =	sadd.s32 $0x2B3000, s4;
	s13 =	sadd.s32 $0x12C00, s4;
	s18 =	smul.u32 $0xFA00, s1  }
0xa: {  	s16 =	sadd.s32 $0x12C000, s2;
	p0 =	seq.s32 s1, $0xF;
	s8 =	smul.u32 $0x138800, s7  }
0xb: {  	_ =	strace $0x80000050;
	s6 =	sor.u32 s7, s28;
	s29 =	ssub.s32 $0x2, s7  }
0xc: {  	s31 =	smul.u32 $0x7D00, s7;
	s11 =	sshll.u32 s6, $0x9;
	s14 =	sshrl.u32 s29, $0x1  }
0xd: {  	s12 =	sshrl.u32 s12, $0x2;
	s30 =	smul.u32 $0x7D00, s6;
	s11 =	sadd.s32 s11, s4  }
0xe: {  	s9 =	sadd.s32 s9, s8;
	s14 =	ssub.s32 s29, s14;
	s15 =	sadd.s32 s12, s2  }
0xf: {  	s8 =	sshrl.u32 s8, $0x3;
	s12 =	sshrl.u32 @p0 s16, $0x3;
	s16 =	simm.s32 $0x1000  }
0x10: {  	s9 =	sshrl.u32 s9, $0x3;
	s17 =	sadd.s32 $0x25800, s8;
	s6 =	sadd.s32 $0x68E00, s11  }
0x11: {  	s7 =	sadd.s32 s10, s30;
	s10 =	sadd.s32 s18, s10;
	s18 =	simm.s32 $0x3800  }
0x12: {  	s4 =	sadd.s32 s5, s9;
	s5 =	sadd.s32 s5, s17;
	s8 =	sadd.s32 s13, s9  }
0x13: {  	s9 =	sadd.s32 s13, s17;
	s11 =	sadd.s32 s31, s10;
	s10 =	smax.u32 s14, $0x1  }
0x14: {  	s13 =	sshll.u32 @!p0 s1, $0x6;
	s14 =	sshrl.u32 @!p0 s15, $0x3;
	s15 =	simm.s32 $0x3  }
0x15: {  	s17 =	simm.s32 $0x1;
	s11 =	sadd.s32 $0x500, s11;
	s13 =	sor.u32 @!p0 $0x1C03, s13  }
.LBB2_1:
0x16: {  	s24 =	simm.s32 @p0 $0x1FC3  }
0x17: {  	[spmem:s12], [sflag:s24] =	dma.local @p0 [hbm:s5], $0x1900  }
0x18: {  	s24 =	simm.s32 @p0 $0x3  }
0x19: {  	_ =	swait.ge @p0 [sflag:s24], $0x1900  }
0x1a: {  	[sflag:s24] =	ssyncset.done @p0 $0x0  }
0x1b: {  	[sflag:s24] =	ssyncadd.s32 @p0 $0xFFFFE700;
	s24 =	simm.s32 @!p0 $0x3  }
0x1c: {  	[spmem:s14], [sflag:s13] =	dma.local @!p0 [hbm:s4], $0x2800  }
0x1d: {  	_ =	swait.ge @!p0 [sflag:s24], $0x2800  }
0x1e: {  	[sflag:s24] =	ssyncset.done @!p0 $0x0  }
0x1f: {  	[sflag:s24] =	ssyncadd.s32 @!p0 $0xFFFFD800  }
0x20: {  	[tilespmem:s3], [sflag:$0x3] =	stream.linear.gather [hbm4b:s6+s3], $0xC80, $0x38;
	[tilespmem:$0x19880] =	vst v63  }
0x21: {  	_ =	swait.ge [sflag:s15], $0xC80  }
0x22: {  	[sflag:s15] =	ssyncset.done $0x0  }
0x23: {  	[sflag:s15] =	ssyncadd.s32 $0xFFFFF380  }
0x24: {  	[bflag:$0x0] =	sbarrier.arrive $0xFFFF  }
0x25: {  	[tilespmem:s16], [sflag:$0x1] =	stream.linear.gather [hbm4b:s7+s3], $0x2800, $0x38;
	[tilespmem:$0x19880] =	vst v63  }
0x26: {  	_ =	swait.ge [sflag:s17], $0x2800  }
0x27: {  	[sflag:s17] =	ssyncset.done $0x0  }
0x28: {  	[sflag:s17] =	ssyncadd.s32 $0xFFFFD800  }
0x29: {  	[tilespmem:s18], [sflag:$0x2] =	stream.linear.gather [hbm4b:s11+s3], $0x2800, $0x38;
	[tilespmem:$0x19880] =	vst v63  }
0x2a: {  	s29 =	simm.s32 $0x0  }
0x2b: {  	[spmem:s2] =	stream.indirect.scatter.add.f32 [tilespmem:s16], [sflag:$0x4], $0x80, s29, s19, $0xb8;
	[tilespmem:$0x19880] =	vst v63  }
0x2c: {  	_ =	swait.ge [sflag:s20], $0x2800  }
0x2d: {  	[sflag:s20] =	ssyncset.done $0x0  }
0x2e: {  	[sflag:s20] =	ssyncadd.s32 $0xFFFFD800  }
0x2f: {  	_ =	swait.ge [sflag:s21], $0x2800  }
0x30: {  	[sflag:s21] =	ssyncset.done $0x0  }
0x31: {  	s30 =	sadd.s32 $0x500, s11;
	[sflag:s21] =	ssyncadd.s32 $0xFFFFD800  }
0x32: {  	[tilespmem:s16], [sflag:$0x1] =	stream.linear.gather [hbm4b:s30+s3], $0x2800, $0x38;
	[tilespmem:$0x19880] =	vst v63  }
0x33: {  	s31 =	simm.s32 $0x80  }
0x34: {  	[spmem:s2] =	stream.indirect.scatter.add.f32 [tilespmem:s18], [sflag:$0x3], $0x80, s31, s19, $0xb8;
	[tilespmem:$0x19880] =	vst v63  }
0x35: {  	_ =	swait.ge [sflag:s15], $0x2800  }
0x36: {  	s25 =	smov.u32 s11;
	s24 =	simm.s32 $0x400;
	[sflag:s15] =	ssyncset.done $0x0  }
.LBB2_2:
0x37: {  	p1 =	sne.s32 s24, $0x2C00;
	[sflag:s15] =	ssyncadd.s32 $0xFFFFD800;
	s25 =	sadd.s32 $0xA00, s25  }
0x38: {  	s26 =	smov.u32 s24;
	s24 =	sadd.s32 $0x400, s24  }
0x39: {  	_ =	swait.ge [sflag:s17], $0x2800  }
0x3a: {  	[sflag:s17] =	ssyncset.done $0x0  }
0x3b: {  	[sflag:s17] =	ssyncadd.s32 $0xFFFFD800  }
0x3c: {  	[tilespmem:s18], [sflag:$0x2] =	stream.linear.gather [hbm4b:s25+s3], $0x2800, $0x38;
	[tilespmem:$0x19880] =	vst v63  }
0x3d: {  	s26 =	sshra.s32 s26, $0x2  }
0x3e: {  	[spmem:s2] =	stream.indirect.scatter.add.f32 [tilespmem:s16], [sflag:$0x4], $0x80, s26, s19, $0xb8;
	[tilespmem:$0x19880] =	vst v63  }
0x3f: {  	_ =	swait.ge [sflag:s20], $0x2800  }
0x40: {  	[sflag:s20] =	ssyncset.done $0x0  }
0x41: {  	[sflag:s20] =	ssyncadd.s32 $0xFFFFD800  }
0x42: {  	_ =	swait.ge [sflag:s21], $0x2800  }
0x43: {  	[sflag:s21] =	ssyncset.done $0x0  }
0x44: {  	s28 =	sadd.s32 $0x500, s25;
	[sflag:s21] =	ssyncadd.s32 $0xFFFFD800  }
0x45: {  	[tilespmem:s16], [sflag:$0x1] =	stream.linear.gather [hbm4b:s28+s3], $0x2800, $0x38;
	[tilespmem:$0x19880] =	vst v63  }
.Ltmp0:
0x46: {  	_ = 	snop;
	(pc) =	sbr.rel @p1 .LBB2_2-.Ltmp0, $4  }
0x47: {  	s26 =	sadd.s32 $0x80, s26  }
0x48: {  	[spmem:s2] =	stream.indirect.scatter.add.f32 [tilespmem:s18], [sflag:$0x3], $0x80, s26, s19, $0xb8;
	[tilespmem:$0x19880] =	vst v63  }
0x49: {  	_ =	swait.ge [sflag:s15], $0x2800  }
0x4a: {  	[sflag:s15] =	ssyncset.done $0x0  }
0x4b: {  	[sflag:s15] =	ssyncadd.s32 $0xFFFFD800  }
0x4c: {  	_ =	swait.ge [sflag:s17], $0x2800  }
0x4d: {  	[sflag:s17] =	ssyncset.done $0x0  }
0x4e: {  	[sflag:s17] =	ssyncadd.s32 $0xFFFFD800  }
0x4f: {  	[spmem:s2] =	stream.indirect.scatter.add.f32 [tilespmem:s16], [sflag:$0x4], $0x80, s22, s19, $0xb8;
	[tilespmem:$0x19880] =	vst v63  }
0x50: {  	_ =	swait.ge [sflag:s20], $0x2800  }
0x51: {  	[sflag:s20] =	ssyncset.done $0x0  }
0x52: {  	[sflag:s20] =	ssyncadd.s32 $0xFFFFD800  }
0x53: {  	s24 =	simm.s32 @p0 $0x1FC3;
	[bflag:$0x0] =	sbarrier.arrive $0xFFFF  }
0x54: {  	[hbm:s9], [sflag:s24] =	dma.local @p0 [spmem:s12], $0x1900  }
0x55: {  	s24 =	simm.s32 @p0 $0x3  }
0x56: {  	s23 =	sadd.s32 $0x1, s23;
	_ =	swait.ge @p0 [sflag:s24], $0x1900  }
0x57: {  	p1 =	sne.s32 s23, s10;
	[sflag:s24] =	ssyncset.done @p0 $0x0  }
.Ltmp1:
0x58: {  	[sflag:s24] =	ssyncadd.s32 @p0 $0xFFFFE700;
	s24 =	simm.s32 @!p0 $0x3;
	(pc) =	sbr.rel @p1 .LBB2_1-.Ltmp1, $4  }
0x59: {  	[hbm:s8], [sflag:s13] =	dma.local @!p0 [spmem:s14], $0x2800  }
0x5a: {  	_ =	swait.ge @!p0 [sflag:s24], $0x2800  }
0x5b: {  	[sflag:s24] =	ssyncset.done @!p0 $0x0  }
0x5c: {  	[sflag:s24] =	ssyncadd.s32 @!p0 $0xFFFFD800  }
0x5d: {  	_ =	sfence.sel $0x180000  }
0x5e: {  	[bflag:$0x0] =	sbarrier.arrive $0xFFFF  }
0x5f: {  	p0 =	sne.s32 s1, $0x0;
	_ =	strace $0x90000050  }
0x60: {  	s0 =	sadd.s32 @!p0 $0x100000, s0;
	[bflag:$0x2] =	sbarrier.arrive $0xFFFF  }
0x61: {  	[sflag:s0] =	ssyncadd.tile.s32 @!p0 $0x1;
	_ =	shalt  }
.Lfunc_end2:
_tile_overlayer_lowered:
.L_overlay_start_2:
0x62: {  	(tag) =	ssettag $0x2  }
0x63: {  	s0 =	rddreg [dreg:$0x0];
	s2 =	stileid.u32  }
0x64: {  	s1 =	rddreg [dreg:$0x1];
	p0 =	sne.s32 s2, $0x0  }
0x65: {  	s3 =	rddreg [dreg:$0x2];
	[bflag:$0x3] =	sbarrier.arrive $0xFFFF;
	s2 =	simm.s32 @!p0 $0x1C03  }
0x66: {  	[timem:s3], [sflag:s2] =	dma.local @!p0 [hbm:s0], s1  }
0x67: {  	s0 =	simm.s32 @!p0 $0x3  }
0x68: {  	_ =	swait.ge @!p0 [sflag:s0], s1  }
0x69: {  	s1 =	ssub.s32 @!p0 $0x0, s1;
	[sflag:s0] =	ssyncset.done @!p0 $0x0  }
0x6a: {  	[sflag:s0] =	ssyncadd.s32 @!p0 s1  }
0x6b: {  	[bflag:$0x3] =	sbarrier.arrive $0xFFFF  }
0x6c: {  	_ =	shalt  }

// kernel: kernel.25.cloned.1.call-start
scs
__scs_entry_jumppad:
0x0: {  	(pc) =	sbr.rel $0x88, $3  }
0x1: {  	(tag) =	ssettag $0x0;
	lr =	simm.s32 $0x1  }
0x2: {  	[smem:$0x3F97] =	sst lr;
	_ =	strace $0xD0000000  }
0x3: {  	_ = 	snop  }
0x4: {  	_ = 	snop  }
0x5: {  	_ = 	snop  }
0x6: {  	_ = 	snop  }
0x7: {  	_ = 	snop  }
__scs_overlays_trampoline_lowered:
0x8: {  	[smem:$0x3FA6] =	sst s0  }
0x9: {  	[smem:$0x3FA7] =	sst s1  }
0xa: {  	[smem:$0x3FA8] =	sst s2  }
0xb: {  	[smem:$0x3FA9] =	sst s3  }
0xc: {  	[smem:$0x3FAA] =	sst s4  }
0xd: {  	[smem:$0x3FAB] =	sst s5  }
0xe: {  	[smem:$0x3FAC] =	sst s6  }
0xf: {  	[smem:$0x3FAD] =	sst s7  }
0x10: {  	[smem:$0x3FAE] =	sst s8  }
0x11: {  	[smem:$0x3FAF] =	sst s9;
	s0 =	simm.s32 @!p0 $0x0  }
0x12: {  	s1 =	sld [smem:$0x3F95];
	s0 =	simm.s32 @p0 $0x1  }
0x13: {  	[smem:$0x3FB0] =	sst s0;
	s0 =	simm.s32 @!p1 $0x0  }
0x14: {  	s2 =	sld [smem:$0x3F94];
	s0 =	simm.s32 @p1 $0x1  }
0x15: {  	[smem:$0x3FB1] =	sst s0;
	s0 =	simm.s32 @!p2 $0x0  }
0x16: {  	s3 =	sld [smem:$0x3FDB];
	s0 =	simm.s32 @p2 $0x1  }
0x17: {  	s4 =	simm.s32 $0x1BF5;
	[smem:$0x3FB3] =	sst s0  }
0x18: {  	s0 =	sld [smem:$0x3F96];
	_ =	swait.ge [sflag:s4], $0x0  }
0x19: {  	s7 =	sld [smem:$0x3F97]  }
0x1a: {  	s8 =	sadd.s32 $0xFFFFE003, lr  }
0x1b: {  	s9 =	sadd.s32 $0xFFFFFEF7, lr;
	s5 =	simm.s32 $0xFFFFFFFF;
	p2 =	slt.u32 s8, $0xFFFFF086  }
0x1c: {  	p1 =	slt.u32 s9, $0xF7A;
	s5 =	simm.s32 @!p2 $0x0  }
0x1d: {  	s5 =	simm.s32 @p1 $0x1;
	p0 =	seq.s32 s7, s2  }
0x1e: {  	s7 =	smul.u32 @!p0 $0xF7A, s2;
	p2 =	seq.s32 @!p0 s5, $0x0  }
0x1f: {  	s9 =	smul.u32 $0xF7A, s1;
	s8 =	simm.s32 @!p0 $0x1BF5;
	p2 =	por !p2, p0  }
0x20: {  	[sflag:s8] =	ssyncset.s32 @!p0 $0xFFFFF086;
	s6 =	sadd.s32 @!p0 s3, s7;
	s7 =	simm.s32 @!p0 $0x108  }
0x21: {  	s3 =	sadd.s32 s3, s9;
	s6 =	sadd.s32 @!p0 $0x88, s6;
	s7 =	simm.s32 @p2 $0x1082  }
0x22: {  	[simem:s7], [sflag:s8] =	dma.local @!p0 [hbm:s6], $0xF7A  }
0x23: {  	s9 =	sor.u32 $0xD0000000, s2;
	s6 =	simm.s32 $0x108;
	_ =	swait.ge @!p0 [sflag:s8], $0x0  }
0x24: {  	s3 =	sadd.s32 $0x88, s3;
	s6 =	simm.s32 @!p1 $0x1082;
	[sflag:s4] =	ssyncset.s32 $0xFFFFF086  }
0x25: {  	[simem:s6], [sflag:s4] =	dma.local [hbm:s3], $0xF7A  }
0x26: {  	[smem:$0x3F97] =	sst s1;
	(tag) =	ssettag s2;
	_ =	strace s9  }
0x27: {  	s1 =	sld [smem:$0x3FA7]  }
0x28: {  	s2 =	sld [smem:$0x3FA8]  }
0x29: {  	s4 =	sld [smem:$0x3FAA]  }
0x2a: {  	p0 =	seq.s32 s5, $0x0;
	s5 =	sld [smem:$0x3FAB]  }
0x2b: {  	s6 =	sld [smem:$0x3FAC]  }
0x2c: {  	s7 =	sld [smem:$0x3FAD]  }
0x2d: {  	s3 =	simm.s32 $0x108;
	s8 =	sld [smem:$0x3FAE]  }
0x2e: {  	s3 =	simm.s32 @!p0 $0x1082;
	s9 =	sld [smem:$0x3FAF]  }
0x2f: {  	lr =	sadd.s32 s0, s3;
	s0 =	sld [smem:$0x3FA6]  }
0x30: {  	s3 =	sld [smem:$0x3FA9]  }
0x31: {  	[smem:$0x3FB2] =	sst s10  }
0x32: {  	s10 =	sld [smem:$0x3FB0];
	_ =	sdelay $0x3  }
0x33: {  	p0 =	seq.s32 s10, $0x1;
	s10 =	sld [smem:$0x3FB2];
	_ =	sdelay $0x3  }
0x34: {  	[smem:$0x3FB2] =	sst s10  }
0x35: {  	s10 =	sld [smem:$0x3FB1];
	_ =	sdelay $0x3  }
0x36: {  	p1 =	seq.s32 s10, $0x1;
	s10 =	sld [smem:$0x3FB2];
	_ =	sdelay $0x3  }
0x37: {  	[smem:$0x3FB2] =	sst s10  }
0x38: {  	s10 =	sld [smem:$0x3FB3]  }
0x39: {  	_ = 	snop;
	(pc) =	sbr.ind lr, $3  }
0x3a: {  	_ = 	snop  }
0x3b: {  	_ = 	snop  }
0x3c: {  	p2 =	seq.s32 s10, $0x1;
	s10 =	sld [smem:$0x3FB2]  }
0x3d: {  	_ =	shalt  }
0x3e: {  	_ =	shalt  }
0x3f: {  	_ =	shalt  }
0x40: {  	_ =	shalt  }
0x41: {  	_ =	shalt  }
0x42: {  	_ =	shalt  }
0x43: {  	_ =	shalt  }
0x44: {  	_ =	shalt  }
0x45: {  	_ =	shalt  }
0x46: {  	_ =	shalt  }
0x47: {  	_ =	shalt  }
0x48: {  	_ =	shalt  }
0x49: {  	_ =	shalt  }
0x4a: {  	_ =	shalt  }
0x4b: {  	_ =	shalt  }
0x4c: {  	_ =	shalt  }
0x4d: {  	_ =	shalt  }
0x4e: {  	_ =	shalt  }
0x4f: {  	_ =	shalt  }
0x50: {  	_ =	shalt  }
0x51: {  	_ =	shalt  }
0x52: {  	_ =	shalt  }
0x53: {  	_ =	shalt  }
0x54: {  	_ =	shalt  }
0x55: {  	_ =	shalt  }
0x56: {  	_ =	shalt  }
0x57: {  	_ =	shalt  }
0x58: {  	_ =	shalt  }
0x59: {  	_ =	shalt  }
0x5a: {  	_ =	shalt  }
0x5b: {  	_ =	shalt  }
0x5c: {  	_ =	shalt  }
0x5d: {  	_ =	shalt  }
0x5e: {  	_ =	shalt  }
0x5f: {  	_ =	shalt  }
0x60: {  	_ =	shalt  }
0x61: {  	_ =	shalt  }
0x62: {  	_ =	shalt  }
0x63: {  	_ =	shalt  }
0x64: {  	_ =	shalt  }
0x65: {  	_ =	shalt  }
0x66: {  	_ =	shalt  }
0x67: {  	_ =	shalt  }
0x68: {  	_ =	shalt  }
0x69: {  	_ =	shalt  }
0x6a: {  	_ =	shalt  }
0x6b: {  	_ =	shalt  }
0x6c: {  	_ =	shalt  }
0x6d: {  	_ =	shalt  }
0x6e: {  	_ =	shalt  }
0x6f: {  	_ =	shalt  }
0x70: {  	_ =	shalt  }
0x71: {  	_ =	shalt  }
0x72: {  	_ =	shalt  }
0x73: {  	_ =	shalt  }
0x74: {  	_ =	shalt  }
0x75: {  	_ =	shalt  }
0x76: {  	_ =	shalt  }
0x77: {  	_ =	shalt  }
0x78: {  	_ =	shalt  }
0x79: {  	_ =	shalt  }
0x7a: {  	_ =	shalt  }
0x7b: {  	_ =	shalt  }
0x7c: {  	_ =	shalt  }
0x7d: {  	_ =	shalt  }
0x7e: {  	_ =	shalt  }
0x7f: {  	_ =	shalt  }
0x80: {  	_ =	shalt  }
0x81: {  	_ =	shalt  }
0x82: {  	_ =	shalt  }
0x83: {  	_ =	shalt  }
0x84: {  	_ =	shalt  }
0x85: {  	_ =	shalt  }
0x86: {  	_ =	shalt  }
0x87: {  	_ =	shalt  }
.Lfunc_end0:
.L_simem_size_0:
called_computation.4_lowered:
.L_overlay_start_0:
0x88: {  	s2 =	sld [smem:$0x3FD9]  }
0x89: {  	s3 =	sld [smem:$0x3FFE];
	_ =	sdelay $0x1  }
0x8a: {  	s1 =	srdreg.scid  }
0x8b: {  	s0 =	sand.u32 $0x1, s1  }
0x8c: {  	s14 =	sshll.u32 s0, $0xA;
	s2 =	sadd.s32 s3, s2  }
0x8d: {  	s2 =	sadd.s32 s2, s14  }
0x8e: {  	[smem:$0x3FBE] =	sst s2  }
0x8f: {  	_ = 	snop  }
0x90: {  	s2 =	sld [smem:$0x3FD0];
	_ =	sdelay $0x2  }
0x91: {  	s15 =	simm.s32 $0xA;
	s4 =	simm.s32 $0x10  }
0x92: {  	[smem:s4], [sflag:s15] =	dma.local [hbm:s2], $0x1  }
0x93: {  	_ =	swait.eq [sflag:s15], $0x1  }
0x94: {  	[sflag:s15] =	ssyncset.done $0x0  }
0x95: {  	[sflag:s15] =	ssyncadd.s32 $0xFFFFFFFF  }
0x96: {  	s16 =	sld [smem:$0x10];
	(tm) =	ssettm $0x1  }
0x97: {  	s17 =	sld [smem:$0x3FFB];
	_ =	sdelay $0x3  }
0x98: {  	_ =	strace s17  }
0x99: {  	s3 =	sld [smem:$0x3FFC];
	_ =	sdelay $0x3  }
0x9a: {  	_ =	strace s3  }
0x9b: {  	s3 =	sld [smem:$0x3FFD];
	_ =	sdelay $0x3  }
0x9c: {  	_ =	strace s3  }
0x9d: {  	_ =	strace $0x8FFFFFFF  }
0x9e: {  	s18 =	sld [smem:$0x3FDB];
	_ =	sdelay $0x1  }
0x9f: {  	s19 =	simm.s32 $_scs_section_size  }
0xa0: {  	s5 =	simm.s32 $_size__tile_overlayer_lowered;
	s6 =	simm.s32 $_tile_overlayer_lowered  }
0xa1: {  	s22 =	simm.s32 $0x1BFF;
	s21 =	sshll.u32 s6, $0x1;
	s3 =	sadd.s32 s19, s18  }
0xa2: {  	s7 =	simm.s32 $0x0;
	s20 =	sshll.u32 s5, $0x1;
	s5 =	sadd.s32 s21, s3  }
0xa3: {  	[timem:s7], [sflag:s22] =	dma.local [hbm:s5], s20  }
0xa4: {  	_ =	swait.ge [sflag:s22], s20  }
0xa5: {  	s4 =	ssub.s32 $0x0, s20;
	[sflag:s22] =	ssyncset.done $0x0  }
0xa6: {  	[sflag:s22] =	ssyncadd.s32 s4;
	_ =	sdelay $0x1  }
0xa7: {  	s23 =	simm.s32 $0x1B8B  }
0xa8: {  	_ =	swait.ge [sflag:s23], $0x1  }
0xa9: {  	[sflag:s23] =	ssyncset.done $0x0  }
0xaa: {  	s25 =	simm.s32 $0x1B8E;
	s24 =	sld [smem:$0x3FFE];
	[sflag:s23] =	ssyncadd.s32 $0xFFFFFFFF  }
0xab: {  	s26 =	simm.s32 $execute0_lowered;
	[smem:$0x3FD2] =	sst s25  }
0xac: {  	s5 =	sshll.u32 s26, $0x1;
	_ =	strace $0x80000052;
	[dreg:$0x1] =	wrdreg $0xFFFFFFFF  }
0xad: {  	s28 =	simm.s32 $_size_execute0_lowered;
	s3 =	sadd.s32 s3, s5;
	[dreg:$0x0] =	wrdreg $0x0  }
0xae: {  	s5 =	sshll.u32 s28, $0x1;
	[dreg:$0x2] =	wrdreg s3  }
0xaf: {  	[dreg:$0x3] =	wrdreg s5  }
0xb0: {  	[dreg:$0x4] =	wrdreg $0xC0  }
0xb1: {  	_ =	task [dreg:s7], $0x5FFFF  }
0xb2: {  	[dreg:$0x1] =	wrdreg $0xFFFFFFFF  }
0xb3: {  	[dreg:$0x0] =	wrdreg $0x60  }
0xb4: {  	[dreg:$0x2] =	wrdreg s24  }
0xb5: {  	[dreg:$0x3] =	wrdreg s16  }
0xb6: {  	[dreg:$0x4] =	wrdreg $0x60000  }
0xb7: {  	[dreg:$0x5] =	wrdreg $0x9  }
0xb8: {  	_ =	task.clear_ibuf [dreg:s7], $0x6FFFF;
	_ =	strace $0x90000052  }
0xb9: {  	s29 =	simm.s32 $0x9;
	_ =	strace $0x80000054  }
0xba: {  	_ =	swait.ge [sflag:s29], $0x1  }
0xbb: {  	[sflag:s29] =	ssyncadd.s32 $0xFFFFFFFF  }
0xbc: {  	_ =	strace $0x90000054  }
0xbd: {  	_ =	sfence  }
0xbe: {  	s30 =	sld [smem:$0x0];
	_ =	sdelay $0x2  }
0xbf: {  	s31 =	sshll.u32 s1, $0xD;
	s1 =	sshrl.u32 s1, $0x2  }
0xc0: {  	s3 =	sand.u32 $0x4000, s31;
	s1 =	sadd.s32 s1, s30  }
0xc1: {  	s0 =	sor.u32 s3, s0;
	s1 =	sshll.u32 s1, $0x11  }
0xc2: {  	s0 =	sor.u32 s1, s0  }
0xc3: {  	s0 =	sadd.s32 $0x8F2B, s0  }
0xc4: {  	[sflag:s0] =	ssyncadd.remote.s32 $0x1  }
0xc5: {  	_ =	sfence.sel $0xFFFF  }
0xc6: {  	[dreg:$0x0] =	wrdreg $0xFFFFFFFF;
	(pc) =	sbr.abs _section_cstart, $3  }
0xc7: {  	[dreg:$0x1] =	wrdreg $0xFFFFFFFF  }
0xc8: {  	_ =	task.clear_ibuf [dreg:s7], $0x2FFFF;
	_ =	strace $0x9FFFFFFF  }
0xc9: {  	(tm) =	ssettm $0x7FFFFFFF  }
tec
execute0_lowered:
.L_overlay_start_1:
0x0: {  	(tag) =	ssettag $0x1  }
0x1: {  	s4 =	rddreg [dreg:$0x0]  }
0x2: {  	s9 =	rddreg [dreg:$0x1]  }
0x3: {  	s2 =	rddreg [dreg:$0x2]  }
0x4: {  	s0 =	rddreg [dreg:$0x3];
	s5 =	srdreg.scid  }
0x5: {  	s3 =	simm.s32 $0x0;
	s1 =	stileid.u32;
	s19 =	simm.s32 $0x50  }
0x6: {  	s20 =	simm.s32 $0x4;
	s21 =	simm.s32 $0x2;
	s22 =	simm.s32 $0xC00  }
0x7: {  	s23 =	simm.s32 $0x0;
	s7 =	sand.u32 $0x1, s5;
	s8 =	smul.u32 $0x14000, s1  }
0x8: {  	[smem:$0x7FF] =	sst s3;
	s28 =	sshll.u32 s1, $0x1;
	s12 =	smul.u32 $0x50000, s1  }
0x9: {  	s10 =	sadd.s32 $0x16AE00, s4;
	s13 =	sadd.s32 $0x12C00, s4;
	s18 =	smul.u32 $0xFA00, s1  }
0xa: {  	s16 =	sadd.s32 $0x12C000, s2;
	p0 =	seq.s32 s1, $0xF;
	s6 =	smul.u32 $0x138800, s7  }
0xb: {  	_ =	strace $0x80000053;
	s5 =	sor.u32 s7, s28;
	s29 =	ssub.s32 $0x2, s7  }
0xc: {  	s31 =	smul.u32 $0x7D00, s7;
	s11 =	sshll.u32 s5, $0x9;
	s14 =	sshrl.u32 s29, $0x1  }
0xd: {  	s12 =	sshrl.u32 s12, $0x2;
	s30 =	smul.u32 $0x7D00, s5;
	s11 =	sadd.s32 s11, s4  }
0xe: {  	s8 =	sadd.s32 s8, s6;
	s14 =	ssub.s32 s29, s14;
	s15 =	sadd.s32 s12, s2  }
0xf: {  	s6 =	sshrl.u32 s6, $0x3;
	s12 =	sshrl.u32 @p0 s16, $0x3;
	s16 =	simm.s32 $0x1000  }
0x10: {  	s8 =	sshrl.u32 s8, $0x3;
	s17 =	sadd.s32 $0x25800, s6;
	s6 =	sadd.s32 $0x6CE00, s11  }
0x11: {  	s7 =	sadd.s32 s10, s30;
	s10 =	sadd.s32 s18, s10;
	s18 =	simm.s32 $0x3800  }
0x12: {  	s4 =	sadd.s32 s13, s8;
	s5 =	sadd.s32 s13, s17;
	s8 =	sadd.s32 s9, s8  }
0x13: {  	s9 =	sadd.s32 s9, s17;
	s11 =	sadd.s32 s31, s10;
	s10 =	smax.u32 s14, $0x1  }
0x14: {  	s13 =	sshll.u32 @!p0 s1, $0x6;
	s14 =	sshrl.u32 @!p0 s15, $0x3;
	s15 =	simm.s32 $0x3  }
0x15: {  	s17 =	simm.s32 $0x1;
	s11 =	sadd.s32 $0x500, s11;
	s13 =	sor.u32 @!p0 $0x1C03, s13  }
.LBB2_1:
0x16: {  	s24 =	simm.s32 @p0 $0x1FC3  }
0x17: {  	[spmem:s12], [sflag:s24] =	dma.local @p0 [hbm:s5], $0x1900  }
0x18: {  	s24 =	simm.s32 @p0 $0x3  }
0x19: {  	_ =	swait.ge @p0 [sflag:s24], $0x1900  }
0x1a: {  	[sflag:s24] =	ssyncset.done @p0 $0x0  }
0x1b: {  	[sflag:s24] =	ssyncadd.s32 @p0 $0xFFFFE700;
	s24 =	simm.s32 @!p0 $0x3  }
0x1c: {  	[spmem:s14], [sflag:s13] =	dma.local @!p0 [hbm:s4], $0x2800  }
0x1d: {  	_ =	swait.ge @!p0 [sflag:s24], $0x2800  }
0x1e: {  	[sflag:s24] =	ssyncset.done @!p0 $0x0  }
0x1f: {  	[sflag:s24] =	ssyncadd.s32 @!p0 $0xFFFFD800  }
0x20: {  	[tilespmem:s3], [sflag:$0x3] =	stream.linear.gather [hbm4b:s6+s3], $0xC80, $0x38;
	[tilespmem:$0x19880] =	vst v63  }
0x21: {  	_ =	swait.ge [sflag:s15], $0xC80  }
0x22: {  	[sflag:s15] =	ssyncset.done $0x0  }
0x23: {  	[sflag:s15] =	ssyncadd.s32 $0xFFFFF380  }
0x24: {  	[bflag:$0x0] =	sbarrier.arrive $0xFFFF  }
0x25: {  	[tilespmem:s16], [sflag:$0x1] =	stream.linear.gather [hbm4b:s7+s3], $0x2800, $0x38;
	[tilespmem:$0x19880] =	vst v63  }
0x26: {  	_ =	swait.ge [sflag:s17], $0x2800  }
0x27: {  	[sflag:s17] =	ssyncset.done $0x0  }
0x28: {  	[sflag:s17] =	ssyncadd.s32 $0xFFFFD800  }
0x29: {  	[tilespmem:s18], [sflag:$0x2] =	stream.linear.gather [hbm4b:s11+s3], $0x2800, $0x38;
	[tilespmem:$0x19880] =	vst v63  }
0x2a: {  	s29 =	simm.s32 $0x0  }
0x2b: {  	[spmem:s2] =	stream.indirect.scatter.add.f32 [tilespmem:s16], [sflag:$0x4], $0x80, s29, s19, $0xb8;
	[tilespmem:$0x19880] =	vst v63  }
0x2c: {  	_ =	swait.ge [sflag:s20], $0x2800  }
0x2d: {  	[sflag:s20] =	ssyncset.done $0x0  }
0x2e: {  	[sflag:s20] =	ssyncadd.s32 $0xFFFFD800  }
0x2f: {  	_ =	swait.ge [sflag:s21], $0x2800  }
0x30: {  	[sflag:s21] =	ssyncset.done $0x0  }
0x31: {  	s30 =	sadd.s32 $0x500, s11;
	[sflag:s21] =	ssyncadd.s32 $0xFFFFD800  }
0x32: {  	[tilespmem:s16], [sflag:$0x1] =	stream.linear.gather [hbm4b:s30+s3], $0x2800, $0x38;
	[tilespmem:$0x19880] =	vst v63  }
0x33: {  	s31 =	simm.s32 $0x80  }
0x34: {  	[spmem:s2] =	stream.indirect.scatter.add.f32 [tilespmem:s18], [sflag:$0x3], $0x80, s31, s19, $0xb8;
	[tilespmem:$0x19880] =	vst v63  }
0x35: {  	_ =	swait.ge [sflag:s15], $0x2800  }
0x36: {  	s25 =	smov.u32 s11;
	s24 =	simm.s32 $0x400;
	[sflag:s15] =	ssyncset.done $0x0  }
.LBB2_2:
0x37: {  	p1 =	sne.s32 s24, $0x2C00;
	[sflag:s15] =	ssyncadd.s32 $0xFFFFD800;
	s25 =	sadd.s32 $0xA00, s25  }
0x38: {  	s26 =	smov.u32 s24;
	s24 =	sadd.s32 $0x400, s24  }
0x39: {  	_ =	swait.ge [sflag:s17], $0x2800  }
0x3a: {  	[sflag:s17] =	ssyncset.done $0x0  }
0x3b: {  	[sflag:s17] =	ssyncadd.s32 $0xFFFFD800  }
0x3c: {  	[tilespmem:s18], [sflag:$0x2] =	stream.linear.gather [hbm4b:s25+s3], $0x2800, $0x38;
	[tilespmem:$0x19880] =	vst v63  }
0x3d: {  	s26 =	sshra.s32 s26, $0x2  }
0x3e: {  	[spmem:s2] =	stream.indirect.scatter.add.f32 [tilespmem:s16], [sflag:$0x4], $0x80, s26, s19, $0xb8;
	[tilespmem:$0x19880] =	vst v63  }
0x3f: {  	_ =	swait.ge [sflag:s20], $0x2800  }
0x40: {  	[sflag:s20] =	ssyncset.done $0x0  }
0x41: {  	[sflag:s20] =	ssyncadd.s32 $0xFFFFD800  }
0x42: {  	_ =	swait.ge [sflag:s21], $0x2800  }
0x43: {  	[sflag:s21] =	ssyncset.done $0x0  }
0x44: {  	s28 =	sadd.s32 $0x500, s25;
	[sflag:s21] =	ssyncadd.s32 $0xFFFFD800  }
0x45: {  	[tilespmem:s16], [sflag:$0x1] =	stream.linear.gather [hbm4b:s28+s3], $0x2800, $0x38;
	[tilespmem:$0x19880] =	vst v63  }
.Ltmp0:
0x46: {  	_ = 	snop;
	(pc) =	sbr.rel @p1 .LBB2_2-.Ltmp0, $4  }
0x47: {  	s26 =	sadd.s32 $0x80, s26  }
0x48: {  	[spmem:s2] =	stream.indirect.scatter.add.f32 [tilespmem:s18], [sflag:$0x3], $0x80, s26, s19, $0xb8;
	[tilespmem:$0x19880] =	vst v63  }
0x49: {  	_ =	swait.ge [sflag:s15], $0x2800  }
0x4a: {  	[sflag:s15] =	ssyncset.done $0x0  }
0x4b: {  	[sflag:s15] =	ssyncadd.s32 $0xFFFFD800  }
0x4c: {  	_ =	swait.ge [sflag:s17], $0x2800  }
0x4d: {  	[sflag:s17] =	ssyncset.done $0x0  }
0x4e: {  	[sflag:s17] =	ssyncadd.s32 $0xFFFFD800  }
0x4f: {  	[spmem:s2] =	stream.indirect.scatter.add.f32 [tilespmem:s16], [sflag:$0x4], $0x80, s22, s19, $0xb8;
	[tilespmem:$0x19880] =	vst v63  }
0x50: {  	_ =	swait.ge [sflag:s20], $0x2800  }
0x51: {  	[sflag:s20] =	ssyncset.done $0x0  }
0x52: {  	[sflag:s20] =	ssyncadd.s32 $0xFFFFD800  }
0x53: {  	s24 =	simm.s32 @p0 $0x1FC3;
	[bflag:$0x0] =	sbarrier.arrive $0xFFFF  }
0x54: {  	[hbm:s9], [sflag:s24] =	dma.local @p0 [spmem:s12], $0x1900  }
0x55: {  	s24 =	simm.s32 @p0 $0x3  }
0x56: {  	s23 =	sadd.s32 $0x1, s23;
	_ =	swait.ge @p0 [sflag:s24], $0x1900  }
0x57: {  	p1 =	sne.s32 s23, s10;
	[sflag:s24] =	ssyncset.done @p0 $0x0  }
.Ltmp1:
0x58: {  	[sflag:s24] =	ssyncadd.s32 @p0 $0xFFFFE700;
	s24 =	simm.s32 @!p0 $0x3;
	(pc) =	sbr.rel @p1 .LBB2_1-.Ltmp1, $4  }
0x59: {  	[hbm:s8], [sflag:s13] =	dma.local @!p0 [spmem:s14], $0x2800  }
0x5a: {  	_ =	swait.ge @!p0 [sflag:s24], $0x2800  }
0x5b: {  	[sflag:s24] =	ssyncset.done @!p0 $0x0  }
0x5c: {  	[sflag:s24] =	ssyncadd.s32 @!p0 $0xFFFFD800  }
0x5d: {  	_ =	sfence.sel $0x180000  }
0x5e: {  	[bflag:$0x0] =	sbarrier.arrive $0xFFFF  }
0x5f: {  	p0 =	sne.s32 s1, $0x0;
	_ =	strace $0x90000053  }
0x60: {  	s0 =	sadd.s32 @!p0 $0x100000, s0;
	[bflag:$0x2] =	sbarrier.arrive $0xFFFF  }
0x61: {  	[sflag:s0] =	ssyncadd.tile.s32 @!p0 $0x1;
	_ =	shalt  }
.Lfunc_end2:
_tile_overlayer_lowered:
.L_overlay_start_2:
0x62: {  	(tag) =	ssettag $0x2  }
0x63: {  	s0 =	rddreg [dreg:$0x0];
	s2 =	stileid.u32  }
0x64: {  	s1 =	rddreg [dreg:$0x1];
	p0 =	sne.s32 s2, $0x0  }
0x65: {  	s3 =	rddreg [dreg:$0x2];
	[bflag:$0x3] =	sbarrier.arrive $0xFFFF;
	s2 =	simm.s32 @!p0 $0x1C03  }
0x66: {  	[timem:s3], [sflag:s2] =	dma.local @!p0 [hbm:s0], s1  }
0x67: {  	s0 =	simm.s32 @!p0 $0x3  }
0x68: {  	_ =	swait.ge @!p0 [sflag:s0], s1  }
0x69: {  	s1 =	ssub.s32 @!p0 $0x0, s1;
	[sflag:s0] =	ssyncset.done @!p0 $0x0  }
0x6a: {  	[sflag:s0] =	ssyncadd.s32 @!p0 s1  }
0x6b: {  	[bflag:$0x3] =	sbarrier.arrive $0xFFFF  }
0x6c: {  	_ =	shalt  }

</sc_bundles>
